<compile_context>
chip_gen: v7x
topology: tpu7x:2x2x1
jax: 0.10.2.dev20260603
libtpu: 0.0.44.dev20260713+nightly
codegen_flags: <defaults>
</compile_context>

<pallas_src>
import jax
import jax.numpy as jnp
from jax import lax
from jax.experimental import pallas as pl
from jax.experimental.pallas import tpu as pltpu
from jax.experimental.pallas import tpu_sc as plsc

_NC, _NS, _L = 2, 16, 16
_NW = _NC * _NS
_D = 2048
_K = 8

_TC_BLOCK = 512
_SC_FRAC_NUM = 3
_SC_FRAC_DEN = 8


def _splat(vec, lane):
    idx = jnp.full((_L,), lane, jnp.int32)
    return lax.gather(
        vec, idx[:, None],
        dimension_numbers=lax.GatherDimensionNumbers(
            offset_dims=(), collapsed_slice_dims=(0,), start_index_map=(0,)),
        slice_sizes=(1,),
        mode=lax.GatherScatterMode.PROMISE_IN_BOUNDS)


def _tc_body(p_ref, t_ref, m_ref, num_ref, den_ref):
    i = pl.program_id(0)

    @pl.when(i == 0)
    def _init():
        num_ref[0, 0] = 0.0
        den_ref[0, 0] = 0.0

    diff = p_ref[...] - t_ref[...]
    row_sq = jnp.sum(diff * diff, axis=1, keepdims=True)
    m = (m_ref[...] != 0).astype(jnp.float32)
    num_ref[0, 0] += jnp.sum(row_sq * m)
    den_ref[0, 0] += jnp.sum(m)


def _tc_partial(p, t, m2, rows):
    grid = (rows // _TC_BLOCK,)
    return pl.pallas_call(
        _tc_body,
        grid=grid,
        cost_estimate=pl.CostEstimate(
            flops=3 * rows * _D, transcendentals=0,
            bytes_accessed=rows * _D * 4 * 2),
        in_specs=[
            pl.BlockSpec((_TC_BLOCK, _D), lambda i: (i, 0)),
            pl.BlockSpec((_TC_BLOCK, _D), lambda i: (i, 0)),
            pl.BlockSpec((_TC_BLOCK, 1), lambda i: (i, 0)),
        ],
        out_specs=[
            pl.BlockSpec(memory_space=pltpu.SMEM),
            pl.BlockSpec(memory_space=pltpu.SMEM),
        ],
        out_shape=[
            jax.ShapeDtypeStruct((1, 1), jnp.float32),
            jax.ShapeDtypeStruct((1, 1), jnp.float32),
        ],
    )(p, t, m2)


def _make_sc_dense(total_rows, sc_base):
    sc_rows = total_rows - sc_base
    assert sc_rows % (_NW * _K) == 0
    rpw = sc_rows // _NW
    n_chunks = rpw // _K
    assert n_chunks % 2 == 0

    def body(p_hbm, t_hbm, m_hbm, num_hbm, den_hbm,
             mask_v, p_buf, t_buf, acc_v, sem_p0, sem_t0, sem_p1, sem_t1):
        wid = lax.axis_index("s") * _NC + lax.axis_index("c")
        base = sc_base + wid * rpw

        pltpu.sync_copy(m_hbm.at[pl.ds(base, rpw)], mask_v.at[pl.ds(0, rpw)])

        zf = jnp.zeros((_L,), jnp.float32)
        lane_lo = lax.iota(jnp.int32, _L) < _K

        sems = ((sem_p0, sem_t0), (sem_p1, sem_t1))

        def start(j, slot):
            row0 = base + j * _K
            sp, st = sems[slot]
            pltpu.make_async_copy(
                p_hbm.at[pl.ds(row0, _K)], p_buf.at[slot], sp).start()
            pltpu.make_async_copy(
                t_hbm.at[pl.ds(row0, _K)], t_buf.at[slot], st).start()

        def wait(slot):
            sp, st = sems[slot]
            pltpu.make_async_copy(
                p_hbm.at[pl.ds(base, _K)], p_buf.at[slot], sp).wait()
            pltpu.make_async_copy(
                t_hbm.at[pl.ds(base, _K)], t_buf.at[slot], st).wait()

        def compute(j, slot, accs):
            acc, den = accs
            wvec = mask_v[pl.ds(j * _K, _L)]
            wf = jnp.where(wvec != jnp.int32(0), 1.0, 0.0).astype(jnp.float32)
            den = den + jnp.where(lane_lo, wf, 0.0)
            for r in range(_K):
                def col_body(c, racc):
                    o = c * (_L * 4)
                    out = racc
                    for u in range(4):
                        dlt = (p_buf[slot, r, pl.ds(o + u * _L, _L)]
                               - t_buf[slot, r, pl.ds(o + u * _L, _L)])
                        out = out + dlt * dlt
                    return out
                racc = lax.fori_loop(0, _D // (_L * 4), col_body, zf)
                acc = acc + racc * _splat(wf, r)
            return acc, den

        start(0, 0)
        start(1, 1)

        def pair_body(jj, accs):
            j = jj * 2
            wait(0)
            accs = compute(j, 0, accs)

            @pl.when(j + 2 < n_chunks)
            def _():
                start(j + 2, 0)
            wait(1)
            accs = compute(j + 1, 1, accs)

            @pl.when(j + 3 < n_chunks)
            def _():
                start(j + 3, 1)
            return accs

        acc, den = lax.fori_loop(0, n_chunks // 2, pair_body, (zf, zf))

        acc_v[...] = acc
        pltpu.sync_copy(acc_v, num_hbm.at[wid])
        acc_v[...] = den
        pltpu.sync_copy(acc_v, den_hbm.at[wid])

    mesh = plsc.VectorSubcoreMesh(core_axis_name="c", subcore_axis_name="s")
    sc_bytes = sc_rows * _D * 4 * 2 + sc_rows * 4
    return pl.kernel(
        body,
        mesh=mesh,
        cost_estimate=pl.CostEstimate(
            flops=3 * sc_rows * _D, transcendentals=0,
            bytes_accessed=sc_bytes),
        out_type=[
            jax.ShapeDtypeStruct((_NW, _L), jnp.float32),
            jax.ShapeDtypeStruct((_NW, _L), jnp.float32),
        ],
        scratch_types=[
            pltpu.VMEM((rpw + _L,), jnp.int32),
            pltpu.VMEM((2, _K, _D), jnp.float32),
            pltpu.VMEM((2, _K, _D), jnp.float32),
            pltpu.VMEM((_L,), jnp.float32),
            pltpu.SemaphoreType.DMA,
            pltpu.SemaphoreType.DMA,
            pltpu.SemaphoreType.DMA,
            pltpu.SemaphoreType.DMA,
        ],
    )


@jax.jit
def kernel(prediction, target, mask):
    d = prediction.shape[-1]
    p = prediction.reshape(-1, d)
    t = target.reshape(-1, d)
    n = p.shape[0]
    m = mask.reshape(-1).astype(jnp.int32)

    tc_rows = (n * (_SC_FRAC_DEN - _SC_FRAC_NUM) // _SC_FRAC_DEN)
    tc_rows = (tc_rows // _TC_BLOCK) * _TC_BLOCK

    tc_num, tc_den = _tc_partial(p, t, m.reshape(-1, 1), tc_rows)

    sc_num, sc_den = _make_sc_dense(n, tc_rows)(p, t, m)

    num = tc_num[0, 0] + jnp.sum(sc_num)
    den = tc_den[0, 0] + jnp.sum(sc_den)
    return num / (den * d)

# --- scband reference (transcript-rebuilt; emitter-appended) ---
"""Pipeline reference for scband-padded-sequence-loss-26568667693327 (READ-ONLY COPY).

The authoritative reference and input builder live on the scoring server;
editing this copy changes nothing except your own understanding.
"""

import jax, jax.numpy as jnp
import numpy as np

def setup_inputs(seed: int = 0) -> dict:
    key = jax.random.key(seed)
    k1, k2, k3 = jax.random.split(key, 3)
    prediction = jax.random.normal(k1, (4, 8192, 2048), dtype=jnp.float32)
    target = jax.random.normal(k2, (4, 8192, 2048), dtype=jnp.float32)
    mask = jax.random.randint(k3, (4, 8192), 0, 2, dtype=jnp.int64)
    return {"prediction": prediction, "target": target, "mask": mask}

def reference(prediction, target, mask):
    # flatten(0,1): (B, S, D) -> (B*S, D)
    d = prediction.shape[-1]
    p = prediction.reshape(-1, d)
    t = target.reshape(-1, d)
    # mask.flatten().bool(); valid_value=True so keep mask as-is
    m = (mask.reshape(-1) != 0).astype(p.dtype)
    # Boolean-index selection followed by MSELoss(mean) is equivalent to a
    # mask-weighted mean of squared errors over the valid rows.
    sq = (p - t) ** 2
    num = jnp.sum(sq * m[:, None])
    den = jnp.sum(m) * d
    loss = num / den
    return loss

if __name__ == "__main__":
    import jax
    _d = setup_inputs()
    print(jax.jit(kernel)(*tuple(_d.values())))

</pallas_src>

<mosaic_0001>
#map = affine_map<(d0, d1) -> (0, 0)>
#map1 = affine_map<(d0, d1) -> (0)>
module attributes {stable_mosaic.version = 14 : i64} {
  func.func @body(%arg0: i32, %arg1: i32, %arg2: memref<32768x2048xf32, #tpu.memory_space<hbm>>, %arg3: memref<32768x2048xf32, #tpu.memory_space<hbm>>, %arg4: memref<32768xi32, #tpu.memory_space<hbm>>, %arg5: memref<32x16xf32, #tpu.memory_space<hbm>>, %arg6: memref<32x16xf32, #tpu.memory_space<hbm>>, %arg7: memref<400xi32, #tpu.memory_space<vmem>>, %arg8: memref<2x8x2048xf32, #tpu.memory_space<vmem>>, %arg9: memref<2x8x2048xf32, #tpu.memory_space<vmem>>, %arg10: memref<16xf32, #tpu.memory_space<vmem>>, %arg11: memref<!tpu.dma_semaphore, #tpu.memory_space<semaphore_mem>>, %arg12: memref<!tpu.dma_semaphore, #tpu.memory_space<semaphore_mem>>, %arg13: memref<!tpu.dma_semaphore, #tpu.memory_space<semaphore_mem>>, %arg14: memref<!tpu.dma_semaphore, #tpu.memory_space<semaphore_mem>>) attributes {dimension_semantics = [#tpu.dimension_semantics<core_parallel>, #tpu.dimension_semantics<subcore_parallel>], iteration_bounds = array<i64: 2, 16>, scalar_prefetch = 0 : i64, scratch_operands = 8 : i64, tpu.core_type = #tpu.core_type<sc_vector_subcore>, window_params = [{transform_indices = #map}, {transform_indices = #map}, {transform_indices = #map1}, {transform_indices = #map}, {transform_indices = #map}]} {
    %mul3A = arith.constant 2 : i32
    %mul3A_0 = arith.muli %arg1, %mul3A : i32
    %add3A = arith.addi %mul3A_0, %arg0 : i32
    %mul3A_1 = arith.constant 384 : i32
    %mul3A_2 = arith.muli %add3A, %mul3A_1 : i32
    %add3A_3 = arith.constant 20480 : i32
    %add3A_4 = arith.addi %add3A_3, %mul3A_2 : i32
    "tpu.region"() ({
      %run_scoped3A = tpu.sem_alloc : memref<!tpu.dma_semaphore, #tpu.memory_space<semaphore_mem>>
      %dma_start3A_75 = arith.constant 0 : i32
      %dma_start3A_76 = tpu.memref_slice %arg7[%dma_start3A_75] : memref<400xi32, #tpu.memory_space<vmem>> -> memref<384xi32, #tpu.memory_space<vmem>>
      %dma_start3A_77 = tpu.memref_slice %arg4[%add3A_4] : memref<32768xi32, #tpu.memory_space<hbm>> -> memref<384xi32, #tpu.memory_space<hbm>>
      %dma_start3A_78 = arith.constant 0 : i32
      %dma_start3A_79 = tpu.memref_slice %arg7[%dma_start3A_78] : memref<400xi32, #tpu.memory_space<vmem>> -> memref<384xi32, #tpu.memory_space<vmem>>
      %dma_start3A_80 = tpu.memref_slice %arg4[%add3A_4] : memref<32768xi32, #tpu.memory_space<hbm>> -> memref<384xi32, #tpu.memory_space<hbm>>
      tpu.enqueue_dma source(%dma_start3A_80 : memref<384xi32, #tpu.memory_space<hbm>>) target(%dma_start3A_79 : memref<384xi32, #tpu.memory_space<vmem>>) target_semaphore(%run_scoped3A : memref<!tpu.dma_semaphore, #tpu.memory_space<semaphore_mem>>)
      %dma_wait3A = arith.constant 0 : i32
      %dma_wait3A_81 = tpu.memref_slice %arg7[%dma_wait3A] : memref<400xi32, #tpu.memory_space<vmem>> -> memref<384xi32, #tpu.memory_space<vmem>>
      %dma_wait3A_82 = tpu.memref_slice %arg4[%add3A_4] : memref<32768xi32, #tpu.memory_space<hbm>> -> memref<384xi32, #tpu.memory_space<hbm>>
      %dma_wait3A_83 = arith.constant 0 : i32
      %dma_wait3A_84 = tpu.memref_slice %arg7[%dma_wait3A_83] : memref<400xi32, #tpu.memory_space<vmem>> -> memref<384xi32, #tpu.memory_space<vmem>>
      %dma_wait3A_85 = tpu.memref_slice %arg4[%add3A_4] : memref<32768xi32, #tpu.memory_space<hbm>> -> memref<384xi32, #tpu.memory_space<hbm>>
      tpu.wait_dma2 semaphore(%run_scoped3A : memref<!tpu.dma_semaphore, #tpu.memory_space<semaphore_mem>>) src(%dma_wait3A_85 : memref<384xi32, #tpu.memory_space<hbm>>) dst(%dma_wait3A_84 : memref<384xi32, #tpu.memory_space<vmem>>)
      tpu.yield
    }) : () -> ()
    %broadcast_in_dim3A = arith.constant 0.000000e+00 : f32
    %broadcast_in_dim3A_5 = vector.broadcast %broadcast_in_dim3A : f32 to vector<16xf32>
    %iota3A = tpu.iota {dimensions = array<i32: 0>} : vector<16xi32>
    %lt3A = arith.constant 8 : i32
    %lt3A_6 = vector.broadcast %lt3A : i32 to vector<16xi32>
    %lt3A_7 = arith.cmpi slt, %iota3A, %lt3A_6 : vector<16xi32>
    %add3A_8 = arith.constant 0 : i32
    %add3A_9 = arith.addi %add3A_4, %add3A_8 : i32
    %dma_start3A = arith.constant 0 : i32
    %dma_start3A_10 = arith.constant 0 : i32
    %dma_start3A_11 = arith.constant 0 : i32
    %dma_start3A_12 = tpu.memref_slice %arg8[%dma_start3A, %dma_start3A_10, %dma_start3A_11] : memref<2x8x2048xf32, #tpu.memory_space<vmem>> -> memref<1x8x2048xf32, #tpu.memory_space<vmem>>
    %dma_start3A_13 = tpu.memref_squeeze %dma_start3A_12 : memref<1x8x2048xf32, #tpu.memory_space<vmem>> -> memref<8x2048xf32, #tpu.memory_space<vmem>>
    %dma_start3A_14 = arith.constant 0 : i32
    %dma_start3A_15 = tpu.memref_slice %arg2[%add3A_9, %dma_start3A_14] : memref<32768x2048xf32, #tpu.memory_space<hbm>> -> memref<8x2048xf32, #tpu.memory_space<hbm>>
    %dma_start3A_16 = arith.constant 0 : i32
    %dma_start3A_17 = arith.constant 0 : i32
    %dma_start3A_18 = tpu.memref_slice %arg8[%dma_start3A, %dma_start3A_16, %dma_start3A_17] : memref<2x8x2048xf32, #tpu.memory_space<vmem>> -> memref<1x8x2048xf32, #tpu.memory_space<vmem>>
    %dma_start3A_19 = tpu.memref_squeeze %dma_start3A_18 : memref<1x8x2048xf32, #tpu.memory_space<vmem>> -> memref<8x2048xf32, #tpu.memory_space<vmem>>
    %dma_start3A_20 = arith.constant 0 : i32
    %dma_start3A_21 = tpu.memref_slice %arg2[%add3A_9, %dma_start3A_20] : memref<32768x2048xf32, #tpu.memory_space<hbm>> -> memref<8x2048xf32, #tpu.memory_space<hbm>>
    tpu.enqueue_dma source(%dma_start3A_21 : memref<8x2048xf32, #tpu.memory_space<hbm>>) target(%dma_start3A_19 : memref<8x2048xf32, #tpu.memory_space<vmem>>) target_semaphore(%arg11 : memref<!tpu.dma_semaphore, #tpu.memory_space<semaphore_mem>>)
    %dma_start3A_22 = arith.constant 0 : i32
    %dma_start3A_23 = arith.constant 0 : i32
    %dma_start3A_24 = arith.constant 0 : i32
    %dma_start3A_25 = tpu.memref_slice %arg9[%dma_start3A_22, %dma_start3A_23, %dma_start3A_24] : memref<2x8x2048xf32, #tpu.memory_space<vmem>> -> memref<1x8x2048xf32, #tpu.memory_space<vmem>>
    %dma_start3A_26 = tpu.memref_squeeze %dma_start3A_25 : memref<1x8x2048xf32, #tpu.memory_space<vmem>> -> memref<8x2048xf32, #tpu.memory_space<vmem>>
    %dma_start3A_27 = arith.constant 0 : i32
    %dma_start3A_28 = tpu.memref_slice %arg3[%add3A_9, %dma_start3A_27] : memref<32768x2048xf32, #tpu.memory_space<hbm>> -> memref<8x2048xf32, #tpu.memory_space<hbm>>
    %dma_start3A_29 = arith.constant 0 : i32
    %dma_start3A_30 = arith.constant 0 : i32
    %dma_start3A_31 = tpu.memref_slice %arg9[%dma_start3A_22, %dma_start3A_29, %dma_start3A_30] : memref<2x8x2048xf32, #tpu.memory_space<vmem>> -> memref<1x8x2048xf32, #tpu.memory_space<vmem>>
    %dma_start3A_32 = tpu.memref_squeeze %dma_start3A_31 : memref<1x8x2048xf32, #tpu.memory_space<vmem>> -> memref<8x2048xf32, #tpu.memory_space<vmem>>
    %dma_start3A_33 = arith.constant 0 : i32
    %dma_start3A_34 = tpu.memref_slice %arg3[%add3A_9, %dma_start3A_33] : memref<32768x2048xf32, #tpu.memory_space<hbm>> -> memref<8x2048xf32, #tpu.memory_space<hbm>>
    tpu.enqueue_dma source(%dma_start3A_34 : memref<8x2048xf32, #tpu.memory_space<hbm>>) target(%dma_start3A_32 : memref<8x2048xf32, #tpu.memory_space<vmem>>) target_semaphore(%arg12 : memref<!tpu.dma_semaphore, #tpu.memory_space<semaphore_mem>>)
    %add3A_35 = arith.constant 8 : i32
    %add3A_36 = arith.addi %add3A_4, %add3A_35 : i32
    %dma_start3A_37 = arith.constant 1 : i32
    %dma_start3A_38 = arith.constant 0 : i32
    %dma_start3A_39 = arith.constant 0 : i32
    %dma_start3A_40 = tpu.memref_slice %arg8[%dma_start3A_37, %dma_start3A_38, %dma_start3A_39] : memref<2x8x2048xf32, #tpu.memory_space<vmem>> -> memref<1x8x2048xf32, #tpu.memory_space<vmem>>
    %dma_start3A_41 = tpu.memref_squeeze %dma_start3A_40 : memref<1x8x2048xf32, #tpu.memory_space<vmem>> -> memref<8x2048xf32, #tpu.memory_space<vmem>>
    %dma_start3A_42 = arith.constant 0 : i32
    %dma_start3A_43 = tpu.memref_slice %arg2[%add3A_36, %dma_start3A_42] : memref<32768x2048xf32, #tpu.memory_space<hbm>> -> memref<8x2048xf32, #tpu.memory_space<hbm>>
    %dma_start3A_44 = arith.constant 0 : i32
    %dma_start3A_45 = arith.constant 0 : i32
    %dma_start3A_46 = tpu.memref_slice %arg8[%dma_start3A_37, %dma_start3A_44, %dma_start3A_45] : memref<2x8x2048xf32, #tpu.memory_space<vmem>> -> memref<1x8x2048xf32, #tpu.memory_space<vmem>>
    %dma_start3A_47 = tpu.memref_squeeze %dma_start3A_46 : memref<1x8x2048xf32, #tpu.memory_space<vmem>> -> memref<8x2048xf32, #tpu.memory_space<vmem>>
    %dma_start3A_48 = arith.constant 0 : i32
    %dma_start3A_49 = tpu.memref_slice %arg2[%add3A_36, %dma_start3A_48] : memref<32768x2048xf32, #tpu.memory_space<hbm>> -> memref<8x2048xf32, #tpu.memory_space<hbm>>
    tpu.enqueue_dma source(%dma_start3A_49 : memref<8x2048xf32, #tpu.memory_space<hbm>>) target(%dma_start3A_47 : memref<8x2048xf32, #tpu.memory_space<vmem>>) target_semaphore(%arg13 : memref<!tpu.dma_semaphore, #tpu.memory_space<semaphore_mem>>)
    %dma_start3A_50 = arith.constant 1 : i32
    %dma_start3A_51 = arith.constant 0 : i32
    %dma_start3A_52 = arith.constant 0 : i32
    %dma_start3A_53 = tpu.memref_slice %arg9[%dma_start3A_50, %dma_start3A_51, %dma_start3A_52] : memref<2x8x2048xf32, #tpu.memory_space<vmem>> -> memref<1x8x2048xf32, #tpu.memory_space<vmem>>
    %dma_start3A_54 = tpu.memref_squeeze %dma_start3A_53 : memref<1x8x2048xf32, #tpu.memory_space<vmem>> -> memref<8x2048xf32, #tpu.memory_space<vmem>>
    %dma_start3A_55 = arith.constant 0 : i32
    %dma_start3A_56 = tpu.memref_slice %arg3[%add3A_36, %dma_start3A_55] : memref<32768x2048xf32, #tpu.memory_space<hbm>> -> memref<8x2048xf32, #tpu.memory_space<hbm>>
    %dma_start3A_57 = arith.constant 0 : i32
    %dma_start3A_58 = arith.constant 0 : i32
    %dma_start3A_59 = tpu.memref_slice %arg9[%dma_start3A_50, %dma_start3A_57, %dma_start3A_58] : memref<2x8x2048xf32, #tpu.memory_space<vmem>> -> memref<1x8x2048xf32, #tpu.memory_space<vmem>>
    %dma_start3A_60 = tpu.memref_squeeze %dma_start3A_59 : memref<1x8x2048xf32, #tpu.memory_space<vmem>> -> memref<8x2048xf32, #tpu.memory_space<vmem>>
    %dma_start3A_61 = arith.constant 0 : i32
    %dma_start3A_62 = tpu.memref_slice %arg3[%add3A_36, %dma_start3A_61] : memref<32768x2048xf32, #tpu.memory_space<hbm>> -> memref<8x2048xf32, #tpu.memory_space<hbm>>
    tpu.enqueue_dma source(%dma_start3A_62 : memref<8x2048xf32, #tpu.memory_space<hbm>>) target(%dma_start3A_60 : memref<8x2048xf32, #tpu.memory_space<vmem>>) target_semaphore(%arg14 : memref<!tpu.dma_semaphore, #tpu.memory_space<semaphore_mem>>)
    %scan3A = arith.constant 0 : i32
    %scan3A_63 = arith.constant 24 : i32
    %scan3A_64 = arith.addi %scan3A, %scan3A_63 : i32
    %scan3A_65 = arith.constant 1 : i32
    %scan3A_66:2 = scf.for %scan3A_75 = %scan3A to %scan3A_64 step %scan3A_65 iter_args(%scan3A_76 = %broadcast_in_dim3A_5, %scan3A_77 = %broadcast_in_dim3A_5) -> (vector<16xf32>, vector<16xf32>)  : i32 {
      %mul3A_78 = arith.constant 2 : i32
      %mul3A_79 = arith.muli %scan3A_75, %mul3A_78 : i32
      %dma_wait3A = arith.constant 0 : i32
      %dma_wait3A_80 = arith.constant 0 : i32
      %dma_wait3A_81 = arith.constant 0 : i32
      %dma_wait3A_82 = tpu.memref_slice %arg8[%dma_wait3A, %dma_wait3A_80, %dma_wait3A_81] : memref<2x8x2048xf32, #tpu.memory_space<vmem>> -> memref<1x8x2048xf32, #tpu.memory_space<vmem>>
      %dma_wait3A_83 = tpu.memref_squeeze %dma_wait3A_82 : memref<1x8x2048xf32, #tpu.memory_space<vmem>> -> memref<8x2048xf32, #tpu.memory_space<vmem>>
      %dma_wait3A_84 = arith.constant 0 : i32
      %dma_wait3A_85 = tpu.memref_slice %arg2[%add3A_4, %dma_wait3A_84] : memref<32768x2048xf32, #tpu.memory_space<hbm>> -> memref<8x2048xf32, #tpu.memory_space<hbm>>
      %dma_wait3A_86 = arith.constant 0 : i32
      %dma_wait3A_87 = arith.constant 0 : i32
      %dma_wait3A_88 = tpu.memref_slice %arg8[%dma_wait3A, %dma_wait3A_86, %dma_wait3A_87] : memref<2x8x2048xf32, #tpu.memory_space<vmem>> -> memref<1x8x2048xf32, #tpu.memory_space<vmem>>
      %dma_wait3A_89 = tpu.memref_squeeze %dma_wait3A_88 : memref<1x8x2048xf32, #tpu.memory_space<vmem>> -> memref<8x2048xf32, #tpu.memory_space<vmem>>
      %dma_wait3A_90 = arith.constant 0 : i32
      %dma_wait3A_91 = tpu.memref_slice %arg2[%add3A_4, %dma_wait3A_90] : memref<32768x2048xf32, #tpu.memory_space<hbm>> -> memref<8x2048xf32, #tpu.memory_space<hbm>>
      tpu.wait_dma2 semaphore(%arg11 : memref<!tpu.dma_semaphore, #tpu.memory_space<semaphore_mem>>) src(%dma_wait3A_91 : memref<8x2048xf32, #tpu.memory_space<hbm>>) dst(%dma_wait3A_89 : memref<8x2048xf32, #tpu.memory_space<vmem>>)
      %dma_wait3A_92 = arith.constant 0 : i32
      %dma_wait3A_93 = arith.constant 0 : i32
      %dma_wait3A_94 = arith.constant 0 : i32
      %dma_wait3A_95 = tpu.memref_slice %arg9[%dma_wait3A_92, %dma_wait3A_93, %dma_wait3A_94] : memref<2x8x2048xf32, #tpu.memory_space<vmem>> -> memref<1x8x2048xf32, #tpu.memory_space<vmem>>
      %dma_wait3A_96 = tpu.memref_squeeze %dma_wait3A_95 : memref<1x8x2048xf32, #tpu.memory_space<vmem>> -> memref<8x2048xf32, #tpu.memory_space<vmem>>
      %dma_wait3A_97 = arith.constant 0 : i32
      %dma_wait3A_98 = tpu.memref_slice %arg3[%add3A_4, %dma_wait3A_97] : memref<32768x2048xf32, #tpu.memory_space<hbm>> -> memref<8x2048xf32, #tpu.memory_space<hbm>>
      %dma_wait3A_99 = arith.constant 0 : i32
      %dma_wait3A_100 = arith.constant 0 : i32
      %dma_wait3A_101 = tpu.memref_slice %arg9[%dma_wait3A_92, %dma_wait3A_99, %dma_wait3A_100] : memref<2x8x2048xf32, #tpu.memory_space<vmem>> -> memref<1x8x2048xf32, #tpu.memory_space<vmem>>
      %dma_wait3A_102 = tpu.memref_squeeze %dma_wait3A_101 : memref<1x8x2048xf32, #tpu.memory_space<vmem>> -> memref<8x2048xf32, #tpu.memory_space<vmem>>
      %dma_wait3A_103 = arith.constant 0 : i32
      %dma_wait3A_104 = tpu.memref_slice %arg3[%add3A_4, %dma_wait3A_103] : memref<32768x2048xf32, #tpu.memory_space<hbm>> -> memref<8x2048xf32, #tpu.memory_space<hbm>>
      tpu.wait_dma2 semaphore(%arg12 : memref<!tpu.dma_semaphore, #tpu.memory_space<semaphore_mem>>) src(%dma_wait3A_104 : memref<8x2048xf32, #tpu.memory_space<hbm>>) dst(%dma_wait3A_102 : memref<8x2048xf32, #tpu.memory_space<vmem>>)
      %mul3A_105 = arith.constant 8 : i32
      %mul3A_106 = arith.muli %mul3A_79, %mul3A_105 : i32
      %get3A = arith.index_cast %mul3A_106 : i32 to index
      %get3A_107 = tpu.vector_load %arg7[%get3A] {strides = array<i32>} : memref<400xi32, #tpu.memory_space<vmem>>, vector<16xi32>,
      %get3A_108 = vector.shape_cast %get3A_107 : vector<16xi32> to vector<16xi32>
      %ne3A = arith.constant 0 : i32
      %ne3A_109 = vector.broadcast %ne3A : i32 to vector<16xi32>
      %ne3A_110 = arith.cmpi ne, %get3A_108, %ne3A_109 : vector<16xi32>
      %jit3A = arith.constant 1.000000e+00 : f32
      %jit3A_111 = arith.constant 0.000000e+00 : f32
      %broadcast_in_dim3A_112 = vector.broadcast %jit3A : f32 to vector<16xf32>
      %broadcast_in_dim3A_113 = vector.broadcast %jit3A_111 : f32 to vector<16xf32>
      %select_n3A = arith.select %ne3A_110, %broadcast_in_dim3A_112, %broadcast_in_dim3A_113 : vector<16xi1>, vector<16xf32>
      %jit3A_114 = arith.constant 0.000000e+00 : f32
      %broadcast_in_dim3A_115 = vector.broadcast %jit3A_114 : f32 to vector<16xf32>
      %select_n3A_116 = arith.select %lt3A_7, %select_n3A, %broadcast_in_dim3A_115 : vector<16xi1>, vector<16xf32>
      %add3A_117 = arith.addf %scan3A_77, %select_n3A_116 : vector<16xf32>
      %scan3A_118 = arith.constant 0 : i32
      %scan3A_119 = arith.constant 32 : i32
      %scan3A_120 = arith.addi %scan3A_118, %scan3A_119 : i32
      %scan3A_121 = arith.constant 1 : i32
      %scan3A_122 = scf.for %scan3A_382 = %scan3A_118 to %scan3A_120 step %scan3A_121 iter_args(%scan3A_383 = %broadcast_in_dim3A_5) -> (vector<16xf32>)  : i32 {
        %mul3A_384 = arith.constant 64 : i32
        %mul3A_385 = arith.muli %scan3A_382, %mul3A_384 : i32
        %add3A_386 = arith.constant 0 : i32
        %add3A_387 = arith.addi %mul3A_385, %add3A_386 : i32
        %get3A_388 = arith.constant 0 : i32
        %get3A_389 = arith.constant 0 : i32
        %get3A_390 = arith.index_cast %get3A_388 : i32 to index
        %get3A_391 = arith.index_cast %get3A_389 : i32 to index
        %get3A_392 = arith.index_cast %add3A_387 : i32 to index
        %get3A_393 = tpu.vector_load %arg8[%get3A_390, %get3A_391, %get3A_392] {strides = array<i32>} : memref<2x8x2048xf32, #tpu.memory_space<vmem>>, vector<1x1x16xf32>,
        %get3A_394 = vector.shape_cast %get3A_393 : vector<1x1x16xf32> to vector<16xf32>
        %add3A_395 = arith.constant 0 : i32
        %add3A_396 = arith.addi %mul3A_385, %add3A_395 : i32
        %get3A_397 = arith.constant 0 : i32
        %get3A_398 = arith.constant 0 : i32
        %get3A_399 = arith.index_cast %get3A_397 : i32 to index
        %get3A_400 = arith.index_cast %get3A_398 : i32 to index
        %get3A_401 = arith.index_cast %add3A_396 : i32 to index
        %get3A_402 = tpu.vector_load %arg9[%get3A_399, %get3A_400, %get3A_401] {strides = array<i32>} : memref<2x8x2048xf32, #tpu.memory_space<vmem>>, vector<1x1x16xf32>,
        %get3A_403 = vector.shape_cast %get3A_402 : vector<1x1x16xf32> to vector<16xf32>
        %sub3A = arith.subf %get3A_394, %get3A_403 : vector<16xf32>
        %mul3A_404 = arith.mulf %sub3A, %sub3A : vector<16xf32>
        %add3A_405 = arith.addf %scan3A_383, %mul3A_404 : vector<16xf32>
        %add3A_406 = arith.constant 16 : i32
        %add3A_407 = arith.addi %mul3A_385, %add3A_406 : i32
        %get3A_408 = arith.constant 0 : i32
        %get3A_409 = arith.constant 0 : i32
        %get3A_410 = arith.index_cast %get3A_408 : i32 to index
        %get3A_411 = arith.index_cast %get3A_409 : i32 to index
        %get3A_412 = arith.index_cast %add3A_407 : i32 to index
        %get3A_413 = tpu.vector_load %arg8[%get3A_410, %get3A_411, %get3A_412] {strides = array<i32>} : memref<2x8x2048xf32, #tpu.memory_space<vmem>>, vector<1x1x16xf32>,
        %get3A_414 = vector.shape_cast %get3A_413 : vector<1x1x16xf32> to vector<16xf32>
        %add3A_415 = arith.constant 16 : i32
        %add3A_416 = arith.addi %mul3A_385, %add3A_415 : i32
        %get3A_417 = arith.constant 0 : i32
        %get3A_418 = arith.constant 0 : i32
        %get3A_419 = arith.index_cast %get3A_417 : i32 to index
        %get3A_420 = arith.index_cast %get3A_418 : i32 to index
        %get3A_421 = arith.index_cast %add3A_416 : i32 to index
        %get3A_422 = tpu.vector_load %arg9[%get3A_419, %get3A_420, %get3A_421] {strides = array<i32>} : memref<2x8x2048xf32, #tpu.memory_space<vmem>>, vector<1x1x16xf32>,
        %get3A_423 = vector.shape_cast %get3A_422 : vector<1x1x16xf32> to vector<16xf32>
        %sub3A_424 = arith.subf %get3A_414, %get3A_423 : vector<16xf32>
        %mul3A_425 = arith.mulf %sub3A_424, %sub3A_424 : vector<16xf32>
        %add3A_426 = arith.addf %add3A_405, %mul3A_425 : vector<16xf32>
        %add3A_427 = arith.constant 32 : i32
        %add3A_428 = arith.addi %mul3A_385, %add3A_427 : i32
        %get3A_429 = arith.constant 0 : i32
        %get3A_430 = arith.constant 0 : i32
        %get3A_431 = arith.index_cast %get3A_429 : i32 to index
        %get3A_432 = arith.index_cast %get3A_430 : i32 to index
        %get3A_433 = arith.index_cast %add3A_428 : i32 to index
        %get3A_434 = tpu.vector_load %arg8[%get3A_431, %get3A_432, %get3A_433] {strides = array<i32>} : memref<2x8x2048xf32, #tpu.memory_space<vmem>>, vector<1x1x16xf32>,
        %get3A_435 = vector.shape_cast %get3A_434 : vector<1x1x16xf32> to vector<16xf32>
        %add3A_436 = arith.constant 32 : i32
        %add3A_437 = arith.addi %mul3A_385, %add3A_436 : i32
        %get3A_438 = arith.constant 0 : i32
        %get3A_439 = arith.constant 0 : i32
        %get3A_440 = arith.index_cast %get3A_438 : i32 to index
        %get3A_441 = arith.index_cast %get3A_439 : i32 to index
        %get3A_442 = arith.index_cast %add3A_437 : i32 to index
        %get3A_443 = tpu.vector_load %arg9[%get3A_440, %get3A_441, %get3A_442] {strides = array<i32>} : memref<2x8x2048xf32, #tpu.memory_space<vmem>>, vector<1x1x16xf32>,
        %get3A_444 = vector.shape_cast %get3A_443 : vector<1x1x16xf32> to vector<16xf32>
        %sub3A_445 = arith.subf %get3A_435, %get3A_444 : vector<16xf32>
        %mul3A_446 = arith.mulf %sub3A_445, %sub3A_445 : vector<16xf32>
        %add3A_447 = arith.addf %add3A_426, %mul3A_446 : vector<16xf32>
        %add3A_448 = arith.constant 48 : i32
        %add3A_449 = arith.addi %mul3A_385, %add3A_448 : i32
        %get3A_450 = arith.constant 0 : i32
        %get3A_451 = arith.constant 0 : i32
        %get3A_452 = arith.index_cast %get3A_450 : i32 to index
        %get3A_453 = arith.index_cast %get3A_451 : i32 to index
        %get3A_454 = arith.index_cast %add3A_449 : i32 to index
        %get3A_455 = tpu.vector_load %arg8[%get3A_452, %get3A_453, %get3A_454] {strides = array<i32>} : memref<2x8x2048xf32, #tpu.memory_space<vmem>>, vector<1x1x16xf32>,
        %get3A_456 = vector.shape_cast %get3A_455 : vector<1x1x16xf32> to vector<16xf32>
        %add3A_457 = arith.constant 48 : i32
        %add3A_458 = arith.addi %mul3A_385, %add3A_457 : i32
        %get3A_459 = arith.constant 0 : i32
        %get3A_460 = arith.constant 0 : i32
        %get3A_461 = arith.index_cast %get3A_459 : i32 to index
        %get3A_462 = arith.index_cast %get3A_460 : i32 to index
        %get3A_463 = arith.index_cast %add3A_458 : i32 to index
        %get3A_464 = tpu.vector_load %arg9[%get3A_461, %get3A_462, %get3A_463] {strides = array<i32>} : memref<2x8x2048xf32, #tpu.memory_space<vmem>>, vector<1x1x16xf32>,
        %get3A_465 = vector.shape_cast %get3A_464 : vector<1x1x16xf32> to vector<16xf32>
        %sub3A_466 = arith.subf %get3A_456, %get3A_465 : vector<16xf32>
        %mul3A_467 = arith.mulf %sub3A_466, %sub3A_466 : vector<16xf32>
        %add3A_468 = arith.addf %add3A_447, %mul3A_467 : vector<16xf32>
        scf.yield %add3A_468 : vector<16xf32>
      }
      %scan3A_123 = arith.constant 32 : i32
      %broadcast_in_dim3A_124 = arith.constant 0 : i32
      %broadcast_in_dim3A_125 = vector.broadcast %broadcast_in_dim3A_124 : i32 to vector<16xi32>
      %broadcast_in_dim3A_126 = vector.shape_cast %broadcast_in_dim3A_125 : vector<16xi32> to vector<16x1xi32>
      %gather3A = vector.shape_cast %broadcast_in_dim3A_126 : vector<16x1xi32> to vector<16xi32>
      %gather3A_127 = tpu.dynamic_gather %select_n3A[%gather3A] in [0] : vector<16xf32>, vector<16xi32> -> vector<16xf32>
      %mul3A_128 = arith.mulf %scan3A_122, %gather3A_127 : vector<16xf32>
      %add3A_129 = arith.addf %scan3A_76, %mul3A_128 : vector<16xf32>
      %scan3A_130 = arith.constant 0 : i32
      %scan3A_131 = arith.constant 32 : i32
      %scan3A_132 = arith.addi %scan3A_130, %scan3A_131 : i32
      %scan3A_133 = arith.constant 1 : i32
      %scan3A_134 = scf.for %scan3A_382 = %scan3A_130 to %scan3A_132 step %scan3A_133 iter_args(%scan3A_383 = %broadcast_in_dim3A_5) -> (vector<16xf32>)  : i32 {
        %mul3A_384 = arith.constant 64 : i32
        %mul3A_385 = arith.muli %scan3A_382, %mul3A_384 : i32
        %add3A_386 = arith.constant 0 : i32
        %add3A_387 = arith.addi %mul3A_385, %add3A_386 : i32
        %get3A_388 = arith.constant 0 : i32
        %get3A_389 = arith.constant 1 : i32
        %get3A_390 = arith.index_cast %get3A_388 : i32 to index
        %get3A_391 = arith.index_cast %get3A_389 : i32 to index
        %get3A_392 = arith.index_cast %add3A_387 : i32 to index
        %get3A_393 = tpu.vector_load %arg8[%get3A_390, %get3A_391, %get3A_392] {strides = array<i32>} : memref<2x8x2048xf32, #tpu.memory_space<vmem>>, vector<1x1x16xf32>,
        %get3A_394 = vector.shape_cast %get3A_393 : vector<1x1x16xf32> to vector<16xf32>
        %add3A_395 = arith.constant 0 : i32
        %add3A_396 = arith.addi %mul3A_385, %add3A_395 : i32
        %get3A_397 = arith.constant 0 : i32
        %get3A_398 = arith.constant 1 : i32
        %get3A_399 = arith.index_cast %get3A_397 : i32 to index
        %get3A_400 = arith.index_cast %get3A_398 : i32 to index
        %get3A_401 = arith.index_cast %add3A_396 : i32 to index
        %get3A_402 = tpu.vector_load %arg9[%get3A_399, %get3A_400, %get3A_401] {strides = array<i32>} : memref<2x8x2048xf32, #tpu.memory_space<vmem>>, vector<1x1x16xf32>,
        %get3A_403 = vector.shape_cast %get3A_402 : vector<1x1x16xf32> to vector<16xf32>
        %sub3A = arith.subf %get3A_394, %get3A_403 : vector<16xf32>
        %mul3A_404 = arith.mulf %sub3A, %sub3A : vector<16xf32>
        %add3A_405 = arith.addf %scan3A_383, %mul3A_404 : vector<16xf32>
        %add3A_406 = arith.constant 16 : i32
        %add3A_407 = arith.addi %mul3A_385, %add3A_406 : i32
        %get3A_408 = arith.constant 0 : i32
        %get3A_409 = arith.constant 1 : i32
        %get3A_410 = arith.index_cast %get3A_408 : i32 to index
        %get3A_411 = arith.index_cast %get3A_409 : i32 to index
        %get3A_412 = arith.index_cast %add3A_407 : i32 to index
        %get3A_413 = tpu.vector_load %arg8[%get3A_410, %get3A_411, %get3A_412] {strides = array<i32>} : memref<2x8x2048xf32, #tpu.memory_space<vmem>>, vector<1x1x16xf32>,
        %get3A_414 = vector.shape_cast %get3A_413 : vector<1x1x16xf32> to vector<16xf32>
        %add3A_415 = arith.constant 16 : i32
        %add3A_416 = arith.addi %mul3A_385, %add3A_415 : i32
        %get3A_417 = arith.constant 0 : i32
        %get3A_418 = arith.constant 1 : i32
        %get3A_419 = arith.index_cast %get3A_417 : i32 to index
        %get3A_420 = arith.index_cast %get3A_418 : i32 to index
        %get3A_421 = arith.index_cast %add3A_416 : i32 to index
        %get3A_422 = tpu.vector_load %arg9[%get3A_419, %get3A_420, %get3A_421] {strides = array<i32>} : memref<2x8x2048xf32, #tpu.memory_space<vmem>>, vector<1x1x16xf32>,
        %get3A_423 = vector.shape_cast %get3A_422 : vector<1x1x16xf32> to vector<16xf32>
        %sub3A_424 = arith.subf %get3A_414, %get3A_423 : vector<16xf32>
        %mul3A_425 = arith.mulf %sub3A_424, %sub3A_424 : vector<16xf32>
        %add3A_426 = arith.addf %add3A_405, %mul3A_425 : vector<16xf32>
        %add3A_427 = arith.constant 32 : i32
        %add3A_428 = arith.addi %mul3A_385, %add3A_427 : i32
        %get3A_429 = arith.constant 0 : i32
        %get3A_430 = arith.constant 1 : i32
        %get3A_431 = arith.index_cast %get3A_429 : i32 to index
        %get3A_432 = arith.index_cast %get3A_430 : i32 to index
        %get3A_433 = arith.index_cast %add3A_428 : i32 to index
        %get3A_434 = tpu.vector_load %arg8[%get3A_431, %get3A_432, %get3A_433] {strides = array<i32>} : memref<2x8x2048xf32, #tpu.memory_space<vmem>>, vector<1x1x16xf32>,
        %get3A_435 = vector.shape_cast %get3A_434 : vector<1x1x16xf32> to vector<16xf32>
        %add3A_436 = arith.constant 32 : i32
        %add3A_437 = arith.addi %mul3A_385, %add3A_436 : i32
        %get3A_438 = arith.constant 0 : i32
        %get3A_439 = arith.constant 1 : i32
        %get3A_440 = arith.index_cast %get3A_438 : i32 to index
        %get3A_441 = arith.index_cast %get3A_439 : i32 to index
        %get3A_442 = arith.index_cast %add3A_437 : i32 to index
        %get3A_443 = tpu.vector_load %arg9[%get3A_440, %get3A_441, %get3A_442] {strides = array<i32>} : memref<2x8x2048xf32, #tpu.memory_space<vmem>>, vector<1x1x16xf32>,
        %get3A_444 = vector.shape_cast %get3A_443 : vector<1x1x16xf32> to vector<16xf32>
        %sub3A_445 = arith.subf %get3A_435, %get3A_444 : vector<16xf32>
        %mul3A_446 = arith.mulf %sub3A_445, %sub3A_445 : vector<16xf32>
        %add3A_447 = arith.addf %add3A_426, %mul3A_446 : vector<16xf32>
        %add3A_448 = arith.constant 48 : i32
        %add3A_449 = arith.addi %mul3A_385, %add3A_448 : i32
        %get3A_450 = arith.constant 0 : i32
        %get3A_451 = arith.constant 1 : i32
        %get3A_452 = arith.index_cast %get3A_450 : i32 to index
        %get3A_453 = arith.index_cast %get3A_451 : i32 to index
        %get3A_454 = arith.index_cast %add3A_449 : i32 to index
        %get3A_455 = tpu.vector_load %arg8[%get3A_452, %get3A_453, %get3A_454] {strides = array<i32>} : memref<2x8x2048xf32, #tpu.memory_space<vmem>>, vector<1x1x16xf32>,
        %get3A_456 = vector.shape_cast %get3A_455 : vector<1x1x16xf32> to vector<16xf32>
        %add3A_457 = arith.constant 48 : i32
        %add3A_458 = arith.addi %mul3A_385, %add3A_457 : i32
        %get3A_459 = arith.constant 0 : i32
        %get3A_460 = arith.constant 1 : i32
        %get3A_461 = arith.index_cast %get3A_459 : i32 to index
        %get3A_462 = arith.index_cast %get3A_460 : i32 to index
        %get3A_463 = arith.index_cast %add3A_458 : i32 to index
        %get3A_464 = tpu.vector_load %arg9[%get3A_461, %get3A_462, %get3A_463] {strides = array<i32>} : memref<2x8x2048xf32, #tpu.memory_space<vmem>>, vector<1x1x16xf32>,
        %get3A_465 = vector.shape_cast %get3A_464 : vector<1x1x16xf32> to vector<16xf32>
        %sub3A_466 = arith.subf %get3A_456, %get3A_465 : vector<16xf32>
        %mul3A_467 = arith.mulf %sub3A_466, %sub3A_466 : vector<16xf32>
        %add3A_468 = arith.addf %add3A_447, %mul3A_467 : vector<16xf32>
        scf.yield %add3A_468 : vector<16xf32>
      }
      %scan3A_135 = arith.constant 32 : i32
      %broadcast_in_dim3A_136 = arith.constant 1 : i32
      %broadcast_in_dim3A_137 = vector.broadcast %broadcast_in_dim3A_136 : i32 to vector<16xi32>
      %broadcast_in_dim3A_138 = vector.shape_cast %broadcast_in_dim3A_137 : vector<16xi32> to vector<16x1xi32>
      %gather3A_139 = vector.shape_cast %broadcast_in_dim3A_138 : vector<16x1xi32> to vector<16xi32>
      %gather3A_140 = tpu.dynamic_gather %select_n3A[%gather3A_139] in [0] : vector<16xf32>, vector<16xi32> -> vector<16xf32>
      %mul3A_141 = arith.mulf %scan3A_134, %gather3A_140 : vector<16xf32>
      %add3A_142 = arith.addf %add3A_129, %mul3A_141 : vector<16xf32>
      %scan3A_143 = arith.constant 0 : i32
      %scan3A_144 = arith.constant 32 : i32
      %scan3A_145 = arith.addi %scan3A_143, %scan3A_144 : i32
      %scan3A_146 = arith.constant 1 : i32
      %scan3A_147 = scf.for %scan3A_382 = %scan3A_143 to %scan3A_145 step %scan3A_146 iter_args(%scan3A_383 = %broadcast_in_dim3A_5) -> (vector<16xf32>)  : i32 {
        %mul3A_384 = arith.constant 64 : i32
        %mul3A_385 = arith.muli %scan3A_382, %mul3A_384 : i32
        %add3A_386 = arith.constant 0 : i32
        %add3A_387 = arith.addi %mul3A_385, %add3A_386 : i32
        %get3A_388 = arith.constant 0 : i32
        %get3A_389 = arith.constant 2 : i32
        %get3A_390 = arith.index_cast %get3A_388 : i32 to index
        %get3A_391 = arith.index_cast %get3A_389 : i32 to index
        %get3A_392 = arith.index_cast %add3A_387 : i32 to index
        %get3A_393 = tpu.vector_load %arg8[%get3A_390, %get3A_391, %get3A_392] {strides = array<i32>} : memref<2x8x2048xf32, #tpu.memory_space<vmem>>, vector<1x1x16xf32>,
        %get3A_394 = vector.shape_cast %get3A_393 : vector<1x1x16xf32> to vector<16xf32>
        %add3A_395 = arith.constant 0 : i32
        %add3A_396 = arith.addi %mul3A_385, %add3A_395 : i32
        %get3A_397 = arith.constant 0 : i32
        %get3A_398 = arith.constant 2 : i32
        %get3A_399 = arith.index_cast %get3A_397 : i32 to index
        %get3A_400 = arith.index_cast %get3A_398 : i32 to index
        %get3A_401 = arith.index_cast %add3A_396 : i32 to index
        %get3A_402 = tpu.vector_load %arg9[%get3A_399, %get3A_400, %get3A_401] {strides = array<i32>} : memref<2x8x2048xf32, #tpu.memory_space<vmem>>, vector<1x1x16xf32>,
        %get3A_403 = vector.shape_cast %get3A_402 : vector<1x1x16xf32> to vector<16xf32>
        %sub3A = arith.subf %get3A_394, %get3A_403 : vector<16xf32>
        %mul3A_404 = arith.mulf %sub3A, %sub3A : vector<16xf32>
        %add3A_405 = arith.addf %scan3A_383, %mul3A_404 : vector<16xf32>
        %add3A_406 = arith.constant 16 : i32
        %add3A_407 = arith.addi %mul3A_385, %add3A_406 : i32
        %get3A_408 = arith.constant 0 : i32
        %get3A_409 = arith.constant 2 : i32
        %get3A_410 = arith.index_cast %get3A_408 : i32 to index
        %get3A_411 = arith.index_cast %get3A_409 : i32 to index
        %get3A_412 = arith.index_cast %add3A_407 : i32 to index
        %get3A_413 = tpu.vector_load %arg8[%get3A_410, %get3A_411, %get3A_412] {strides = array<i32>} : memref<2x8x2048xf32, #tpu.memory_space<vmem>>, vector<1x1x16xf32>,
        %get3A_414 = vector.shape_cast %get3A_413 : vector<1x1x16xf32> to vector<16xf32>
        %add3A_415 = arith.constant 16 : i32
        %add3A_416 = arith.addi %mul3A_385, %add3A_415 : i32
        %get3A_417 = arith.constant 0 : i32
        %get3A_418 = arith.constant 2 : i32
        %get3A_419 = arith.index_cast %get3A_417 : i32 to index
        %get3A_420 = arith.index_cast %get3A_418 : i32 to index
        %get3A_421 = arith.index_cast %add3A_416 : i32 to index
        %get3A_422 = tpu.vector_load %arg9[%get3A_419, %get3A_420, %get3A_421] {strides = array<i32>} : memref<2x8x2048xf32, #tpu.memory_space<vmem>>, vector<1x1x16xf32>,
        %get3A_423 = vector.shape_cast %get3A_422 : vector<1x1x16xf32> to vector<16xf32>
        %sub3A_424 = arith.subf %get3A_414, %get3A_423 : vector<16xf32>
        %mul3A_425 = arith.mulf %sub3A_424, %sub3A_424 : vector<16xf32>
        %add3A_426 = arith.addf %add3A_405, %mul3A_425 : vector<16xf32>
        %add3A_427 = arith.constant 32 : i32
        %add3A_428 = arith.addi %mul3A_385, %add3A_427 : i32
        %get3A_429 = arith.constant 0 : i32
        %get3A_430 = arith.constant 2 : i32
        %get3A_431 = arith.index_cast %get3A_429 : i32 to index
        %get3A_432 = arith.index_cast %get3A_430 : i32 to index
        %get3A_433 = arith.index_cast %add3A_428 : i32 to index
        %get3A_434 = tpu.vector_load %arg8[%get3A_431, %get3A_432, %get3A_433] {strides = array<i32>} : memref<2x8x2048xf32, #tpu.memory_space<vmem>>, vector<1x1x16xf32>,
        %get3A_435 = vector.shape_cast %get3A_434 : vector<1x1x16xf32> to vector<16xf32>
        %add3A_436 = arith.constant 32 : i32
        %add3A_437 = arith.addi %mul3A_385, %add3A_436 : i32
        %get3A_438 = arith.constant 0 : i32
        %get3A_439 = arith.constant 2 : i32
        %get3A_440 = arith.index_cast %get3A_438 : i32 to index
        %get3A_441 = arith.index_cast %get3A_439 : i32 to index
        %get3A_442 = arith.index_cast %add3A_437 : i32 to index
        %get3A_443 = tpu.vector_load %arg9[%get3A_440, %get3A_441, %get3A_442] {strides = array<i32>} : memref<2x8x2048xf32, #tpu.memory_space<vmem>>, vector<1x1x16xf32>,
        %get3A_444 = vector.shape_cast %get3A_443 : vector<1x1x16xf32> to vector<16xf32>
        %sub3A_445 = arith.subf %get3A_435, %get3A_444 : vector<16xf32>
        %mul3A_446 = arith.mulf %sub3A_445, %sub3A_445 : vector<16xf32>
        %add3A_447 = arith.addf %add3A_426, %mul3A_446 : vector<16xf32>
        %add3A_448 = arith.constant 48 : i32
        %add3A_449 = arith.addi %mul3A_385, %add3A_448 : i32
        %get3A_450 = arith.constant 0 : i32
        %get3A_451 = arith.constant 2 : i32
        %get3A_452 = arith.index_cast %get3A_450 : i32 to index
        %get3A_453 = arith.index_cast %get3A_451 : i32 to index
        %get3A_454 = arith.index_cast %add3A_449 : i32 to index
        %get3A_455 = tpu.vector_load %arg8[%get3A_452, %get3A_453, %get3A_454] {strides = array<i32>} : memref<2x8x2048xf32, #tpu.memory_space<vmem>>, vector<1x1x16xf32>,
        %get3A_456 = vector.shape_cast %get3A_455 : vector<1x1x16xf32> to vector<16xf32>
        %add3A_457 = arith.constant 48 : i32
        %add3A_458 = arith.addi %mul3A_385, %add3A_457 : i32
        %get3A_459 = arith.constant 0 : i32
        %get3A_460 = arith.constant 2 : i32
        %get3A_461 = arith.index_cast %get3A_459 : i32 to index
        %get3A_462 = arith.index_cast %get3A_460 : i32 to index
        %get3A_463 = arith.index_cast %add3A_458 : i32 to index
        %get3A_464 = tpu.vector_load %arg9[%get3A_461, %get3A_462, %get3A_463] {strides = array<i32>} : memref<2x8x2048xf32, #tpu.memory_space<vmem>>, vector<1x1x16xf32>,
        %get3A_465 = vector.shape_cast %get3A_464 : vector<1x1x16xf32> to vector<16xf32>
        %sub3A_466 = arith.subf %get3A_456, %get3A_465 : vector<16xf32>
        %mul3A_467 = arith.mulf %sub3A_466, %sub3A_466 : vector<16xf32>
        %add3A_468 = arith.addf %add3A_447, %mul3A_467 : vector<16xf32>
        scf.yield %add3A_468 : vector<16xf32>
      }
      %scan3A_148 = arith.constant 32 : i32
      %broadcast_in_dim3A_149 = arith.constant 2 : i32
      %broadcast_in_dim3A_150 = vector.broadcast %broadcast_in_dim3A_149 : i32 to vector<16xi32>
      %broadcast_in_dim3A_151 = vector.shape_cast %broadcast_in_dim3A_150 : vector<16xi32> to vector<16x1xi32>
      %gather3A_152 = vector.shape_cast %broadcast_in_dim3A_151 : vector<16x1xi32> to vector<16xi32>
      %gather3A_153 = tpu.dynamic_gather %select_n3A[%gather3A_152] in [0] : vector<16xf32>, vector<16xi32> -> vector<16xf32>
      %mul3A_154 = arith.mulf %scan3A_147, %gather3A_153 : vector<16xf32>
      %add3A_155 = arith.addf %add3A_142, %mul3A_154 : vector<16xf32>
      %scan3A_156 = arith.constant 0 : i32
      %scan3A_157 = arith.constant 32 : i32
      %scan3A_158 = arith.addi %scan3A_156, %scan3A_157 : i32
      %scan3A_159 = arith.constant 1 : i32
      %scan3A_160 = scf.for %scan3A_382 = %scan3A_156 to %scan3A_158 step %scan3A_159 iter_args(%scan3A_383 = %broadcast_in_dim3A_5) -> (vector<16xf32>)  : i32 {
        %mul3A_384 = arith.constant 64 : i32
        %mul3A_385 = arith.muli %scan3A_382, %mul3A_384 : i32
        %add3A_386 = arith.constant 0 : i32
        %add3A_387 = arith.addi %mul3A_385, %add3A_386 : i32
        %get3A_388 = arith.constant 0 : i32
        %get3A_389 = arith.constant 3 : i32
        %get3A_390 = arith.index_cast %get3A_388 : i32 to index
        %get3A_391 = arith.index_cast %get3A_389 : i32 to index
        %get3A_392 = arith.index_cast %add3A_387 : i32 to index
        %get3A_393 = tpu.vector_load %arg8[%get3A_390, %get3A_391, %get3A_392] {strides = array<i32>} : memref<2x8x2048xf32, #tpu.memory_space<vmem>>, vector<1x1x16xf32>,
        %get3A_394 = vector.shape_cast %get3A_393 : vector<1x1x16xf32> to vector<16xf32>
        %add3A_395 = arith.constant 0 : i32
        %add3A_396 = arith.addi %mul3A_385, %add3A_395 : i32
        %get3A_397 = arith.constant 0 : i32
        %get3A_398 = arith.constant 3 : i32
        %get3A_399 = arith.index_cast %get3A_397 : i32 to index
        %get3A_400 = arith.index_cast %get3A_398 : i32 to index
        %get3A_401 = arith.index_cast %add3A_396 : i32 to index
        %get3A_402 = tpu.vector_load %arg9[%get3A_399, %get3A_400, %get3A_401] {strides = array<i32>} : memref<2x8x2048xf32, #tpu.memory_space<vmem>>, vector<1x1x16xf32>,
        %get3A_403 = vector.shape_cast %get3A_402 : vector<1x1x16xf32> to vector<16xf32>
        %sub3A = arith.subf %get3A_394, %get3A_403 : vector<16xf32>
        %mul3A_404 = arith.mulf %sub3A, %sub3A : vector<16xf32>
        %add3A_405 = arith.addf %scan3A_383, %mul3A_404 : vector<16xf32>
        %add3A_406 = arith.constant 16 : i32
        %add3A_407 = arith.addi %mul3A_385, %add3A_406 : i32
        %get3A_408 = arith.constant 0 : i32
        %get3A_409 = arith.constant 3 : i32
        %get3A_410 = arith.index_cast %get3A_408 : i32 to index
        %get3A_411 = arith.index_cast %get3A_409 : i32 to index
        %get3A_412 = arith.index_cast %add3A_407 : i32 to index
        %get3A_413 = tpu.vector_load %arg8[%get3A_410, %get3A_411, %get3A_412] {strides = array<i32>} : memref<2x8x2048xf32, #tpu.memory_space<vmem>>, vector<1x1x16xf32>,
        %get3A_414 = vector.shape_cast %get3A_413 : vector<1x1x16xf32> to vector<16xf32>
        %add3A_415 = arith.constant 16 : i32
        %add3A_416 = arith.addi %mul3A_385, %add3A_415 : i32
        %get3A_417 = arith.constant 0 : i32
        %get3A_418 = arith.constant 3 : i32
        %get3A_419 = arith.index_cast %get3A_417 : i32 to index
        %get3A_420 = arith.index_cast %get3A_418 : i32 to index
        %get3A_421 = arith.index_cast %add3A_416 : i32 to index
        %get3A_422 = tpu.vector_load %arg9[%get3A_419, %get3A_420, %get3A_421] {strides = array<i32>} : memref<2x8x2048xf32, #tpu.memory_space<vmem>>, vector<1x1x16xf32>,
        %get3A_423 = vector.shape_cast %get3A_422 : vector<1x1x16xf32> to vector<16xf32>
        %sub3A_424 = arith.subf %get3A_414, %get3A_423 : vector<16xf32>
        %mul3A_425 = arith.mulf %sub3A_424, %sub3A_424 : vector<16xf32>
        %add3A_426 = arith.addf %add3A_405, %mul3A_425 : vector<16xf32>
        %add3A_427 = arith.constant 32 : i32
        %add3A_428 = arith.addi %mul3A_385, %add3A_427 : i32
        %get3A_429 = arith.constant 0 : i32
        %get3A_430 = arith.constant 3 : i32
        %get3A_431 = arith.index_cast %get3A_429 : i32 to index
        %get3A_432 = arith.index_cast %get3A_430 : i32 to index
        %get3A_433 = arith.index_cast %add3A_428 : i32 to index
        %get3A_434 = tpu.vector_load %arg8[%get3A_431, %get3A_432, %get3A_433] {strides = array<i32>} : memref<2x8x2048xf32, #tpu.memory_space<vmem>>, vector<1x1x16xf32>,
        %get3A_435 = vector.shape_cast %get3A_434 : vector<1x1x16xf32> to vector<16xf32>
        %add3A_436 = arith.constant 32 : i32
        %add3A_437 = arith.addi %mul3A_385, %add3A_436 : i32
        %get3A_438 = arith.constant 0 : i32
        %get3A_439 = arith.constant 3 : i32
        %get3A_440 = arith.index_cast %get3A_438 : i32 to index
        %get3A_441 = arith.index_cast %get3A_439 : i32 to index
        %get3A_442 = arith.index_cast %add3A_437 : i32 to index
        %get3A_443 = tpu.vector_load %arg9[%get3A_440, %get3A_441, %get3A_442] {strides = array<i32>} : memref<2x8x2048xf32, #tpu.memory_space<vmem>>, vector<1x1x16xf32>,
        %get3A_444 = vector.shape_cast %get3A_443 : vector<1x1x16xf32> to vector<16xf32>
        %sub3A_445 = arith.subf %get3A_435, %get3A_444 : vector<16xf32>
        %mul3A_446 = arith.mulf %sub3A_445, %sub3A_445 : vector<16xf32>
        %add3A_447 = arith.addf %add3A_426, %mul3A_446 : vector<16xf32>
        %add3A_448 = arith.constant 48 : i32
        %add3A_449 = arith.addi %mul3A_385, %add3A_448 : i32
        %get3A_450 = arith.constant 0 : i32
        %get3A_451 = arith.constant 3 : i32
        %get3A_452 = arith.index_cast %get3A_450 : i32 to index
        %get3A_453 = arith.index_cast %get3A_451 : i32 to index
        %get3A_454 = arith.index_cast %add3A_449 : i32 to index
        %get3A_455 = tpu.vector_load %arg8[%get3A_452, %get3A_453, %get3A_454] {strides = array<i32>} : memref<2x8x2048xf32, #tpu.memory_space<vmem>>, vector<1x1x16xf32>,
        %get3A_456 = vector.shape_cast %get3A_455 : vector<1x1x16xf32> to vector<16xf32>
        %add3A_457 = arith.constant 48 : i32
        %add3A_458 = arith.addi %mul3A_385, %add3A_457 : i32
        %get3A_459 = arith.constant 0 : i32
        %get3A_460 = arith.constant 3 : i32
        %get3A_461 = arith.index_cast %get3A_459 : i32 to index
        %get3A_462 = arith.index_cast %get3A_460 : i32 to index
        %get3A_463 = arith.index_cast %add3A_458 : i32 to index
        %get3A_464 = tpu.vector_load %arg9[%get3A_461, %get3A_462, %get3A_463] {strides = array<i32>} : memref<2x8x2048xf32, #tpu.memory_space<vmem>>, vector<1x1x16xf32>,
        %get3A_465 = vector.shape_cast %get3A_464 : vector<1x1x16xf32> to vector<16xf32>
        %sub3A_466 = arith.subf %get3A_456, %get3A_465 : vector<16xf32>
        %mul3A_467 = arith.mulf %sub3A_466, %sub3A_466 : vector<16xf32>
        %add3A_468 = arith.addf %add3A_447, %mul3A_467 : vector<16xf32>
        scf.yield %add3A_468 : vector<16xf32>
      }
      %scan3A_161 = arith.constant 32 : i32
      %broadcast_in_dim3A_162 = arith.constant 3 : i32
      %broadcast_in_dim3A_163 = vector.broadcast %broadcast_in_dim3A_162 : i32 to vector<16xi32>
      %broadcast_in_dim3A_164 = vector.shape_cast %broadcast_in_dim3A_163 : vector<16xi32> to vector<16x1xi32>
      %gather3A_165 = vector.shape_cast %broadcast_in_dim3A_164 : vector<16x1xi32> to vector<16xi32>
      %gather3A_166 = tpu.dynamic_gather %select_n3A[%gather3A_165] in [0] : vector<16xf32>, vector<16xi32> -> vector<16xf32>
      %mul3A_167 = arith.mulf %scan3A_160, %gather3A_166 : vector<16xf32>
      %add3A_168 = arith.addf %add3A_155, %mul3A_167 : vector<16xf32>
      %scan3A_169 = arith.constant 0 : i32
      %scan3A_170 = arith.constant 32 : i32
      %scan3A_171 = arith.addi %scan3A_169, %scan3A_170 : i32
      %scan3A_172 = arith.constant 1 : i32
      %scan3A_173 = scf.for %scan3A_382 = %scan3A_169 to %scan3A_171 step %scan3A_172 iter_args(%scan3A_383 = %broadcast_in_dim3A_5) -> (vector<16xf32>)  : i32 {
        %mul3A_384 = arith.constant 64 : i32
        %mul3A_385 = arith.muli %scan3A_382, %mul3A_384 : i32
        %add3A_386 = arith.constant 0 : i32
        %add3A_387 = arith.addi %mul3A_385, %add3A_386 : i32
        %get3A_388 = arith.constant 0 : i32
        %get3A_389 = arith.constant 4 : i32
        %get3A_390 = arith.index_cast %get3A_388 : i32 to index
        %get3A_391 = arith.index_cast %get3A_389 : i32 to index
        %get3A_392 = arith.index_cast %add3A_387 : i32 to index
        %get3A_393 = tpu.vector_load %arg8[%get3A_390, %get3A_391, %get3A_392] {strides = array<i32>} : memref<2x8x2048xf32, #tpu.memory_space<vmem>>, vector<1x1x16xf32>,
        %get3A_394 = vector.shape_cast %get3A_393 : vector<1x1x16xf32> to vector<16xf32>
        %add3A_395 = arith.constant 0 : i32
        %add3A_396 = arith.addi %mul3A_385, %add3A_395 : i32
        %get3A_397 = arith.constant 0 : i32
        %get3A_398 = arith.constant 4 : i32
        %get3A_399 = arith.index_cast %get3A_397 : i32 to index
        %get3A_400 = arith.index_cast %get3A_398 : i32 to index
        %get3A_401 = arith.index_cast %add3A_396 : i32 to index
        %get3A_402 = tpu.vector_load %arg9[%get3A_399, %get3A_400, %get3A_401] {strides = array<i32>} : memref<2x8x2048xf32, #tpu.memory_space<vmem>>, vector<1x1x16xf32>,
        %get3A_403 = vector.shape_cast %get3A_402 : vector<1x1x16xf32> to vector<16xf32>
        %sub3A = arith.subf %get3A_394, %get3A_403 : vector<16xf32>
        %mul3A_404 = arith.mulf %sub3A, %sub3A : vector<16xf32>
        %add3A_405 = arith.addf %scan3A_383, %mul3A_404 : vector<16xf32>
        %add3A_406 = arith.constant 16 : i32
        %add3A_407 = arith.addi %mul3A_385, %add3A_406 : i32
        %get3A_408 = arith.constant 0 : i32
        %get3A_409 = arith.constant 4 : i32
        %get3A_410 = arith.index_cast %get3A_408 : i32 to index
        %get3A_411 = arith.index_cast %get3A_409 : i32 to index
        %get3A_412 = arith.index_cast %add3A_407 : i32 to index
        %get3A_413 = tpu.vector_load %arg8[%get3A_410, %get3A_411, %get3A_412] {strides = array<i32>} : memref<2x8x2048xf32, #tpu.memory_space<vmem>>, vector<1x1x16xf32>,
        %get3A_414 = vector.shape_cast %get3A_413 : vector<1x1x16xf32> to vector<16xf32>
        %add3A_415 = arith.constant 16 : i32
        %add3A_416 = arith.addi %mul3A_385, %add3A_415 : i32
        %get3A_417 = arith.constant 0 : i32
        %get3A_418 = arith.constant 4 : i32
        %get3A_419 = arith.index_cast %get3A_417 : i32 to index
        %get3A_420 = arith.index_cast %get3A_418 : i32 to index
        %get3A_421 = arith.index_cast %add3A_416 : i32 to index
        %get3A_422 = tpu.vector_load %arg9[%get3A_419, %get3A_420, %get3A_421] {strides = array<i32>} : memref<2x8x2048xf32, #tpu.memory_space<vmem>>, vector<1x1x16xf32>,
        %get3A_423 = vector.shape_cast %get3A_422 : vector<1x1x16xf32> to vector<16xf32>
        %sub3A_424 = arith.subf %get3A_414, %get3A_423 : vector<16xf32>
        %mul3A_425 = arith.mulf %sub3A_424, %sub3A_424 : vector<16xf32>
        %add3A_426 = arith.addf %add3A_405, %mul3A_425 : vector<16xf32>
        %add3A_427 = arith.constant 32 : i32
        %add3A_428 = arith.addi %mul3A_385, %add3A_427 : i32
        %get3A_429 = arith.constant 0 : i32
        %get3A_430 = arith.constant 4 : i32
        %get3A_431 = arith.index_cast %get3A_429 : i32 to index
        %get3A_432 = arith.index_cast %get3A_430 : i32 to index
        %get3A_433 = arith.index_cast %add3A_428 : i32 to index
        %get3A_434 = tpu.vector_load %arg8[%get3A_431, %get3A_432, %get3A_433] {strides = array<i32>} : memref<2x8x2048xf32, #tpu.memory_space<vmem>>, vector<1x1x16xf32>,
        %get3A_435 = vector.shape_cast %get3A_434 : vector<1x1x16xf32> to vector<16xf32>
        %add3A_436 = arith.constant 32 : i32
        %add3A_437 = arith.addi %mul3A_385, %add3A_436 : i32
        %get3A_438 = arith.constant 0 : i32
        %get3A_439 = arith.constant 4 : i32
        %get3A_440 = arith.index_cast %get3A_438 : i32 to index
        %get3A_441 = arith.index_cast %get3A_439 : i32 to index
        %get3A_442 = arith.index_cast %add3A_437 : i32 to index
        %get3A_443 = tpu.vector_load %arg9[%get3A_440, %get3A_441, %get3A_442] {strides = array<i32>} : memref<2x8x2048xf32, #tpu.memory_space<vmem>>, vector<1x1x16xf32>,
        %get3A_444 = vector.shape_cast %get3A_443 : vector<1x1x16xf32> to vector<16xf32>
        %sub3A_445 = arith.subf %get3A_435, %get3A_444 : vector<16xf32>
        %mul3A_446 = arith.mulf %sub3A_445, %sub3A_445 : vector<16xf32>
        %add3A_447 = arith.addf %add3A_426, %mul3A_446 : vector<16xf32>
        %add3A_448 = arith.constant 48 : i32
        %add3A_449 = arith.addi %mul3A_385, %add3A_448 : i32
        %get3A_450 = arith.constant 0 : i32
        %get3A_451 = arith.constant 4 : i32
        %get3A_452 = arith.index_cast %get3A_450 : i32 to index
        %get3A_453 = arith.index_cast %get3A_451 : i32 to index
        %get3A_454 = arith.index_cast %add3A_449 : i32 to index
        %get3A_455 = tpu.vector_load %arg8[%get3A_452, %get3A_453, %get3A_454] {strides = array<i32>} : memref<2x8x2048xf32, #tpu.memory_space<vmem>>, vector<1x1x16xf32>,
        %get3A_456 = vector.shape_cast %get3A_455 : vector<1x1x16xf32> to vector<16xf32>
        %add3A_457 = arith.constant 48 : i32
        %add3A_458 = arith.addi %mul3A_385, %add3A_457 : i32
        %get3A_459 = arith.constant 0 : i32
        %get3A_460 = arith.constant 4 : i32
        %get3A_461 = arith.index_cast %get3A_459 : i32 to index
        %get3A_462 = arith.index_cast %get3A_460 : i32 to index
        %get3A_463 = arith.index_cast %add3A_458 : i32 to index
        %get3A_464 = tpu.vector_load %arg9[%get3A_461, %get3A_462, %get3A_463] {strides = array<i32>} : memref<2x8x2048xf32, #tpu.memory_space<vmem>>, vector<1x1x16xf32>,
        %get3A_465 = vector.shape_cast %get3A_464 : vector<1x1x16xf32> to vector<16xf32>
        %sub3A_466 = arith.subf %get3A_456, %get3A_465 : vector<16xf32>
        %mul3A_467 = arith.mulf %sub3A_466, %sub3A_466 : vector<16xf32>
        %add3A_468 = arith.addf %add3A_447, %mul3A_467 : vector<16xf32>
        scf.yield %add3A_468 : vector<16xf32>
      }
      %scan3A_174 = arith.constant 32 : i32
      %broadcast_in_dim3A_175 = arith.constant 4 : i32
      %broadcast_in_dim3A_176 = vector.broadcast %broadcast_in_dim3A_175 : i32 to vector<16xi32>
      %broadcast_in_dim3A_177 = vector.shape_cast %broadcast_in_dim3A_176 : vector<16xi32> to vector<16x1xi32>
      %gather3A_178 = vector.shape_cast %broadcast_in_dim3A_177 : vector<16x1xi32> to vector<16xi32>
      %gather3A_179 = tpu.dynamic_gather %select_n3A[%gather3A_178] in [0] : vector<16xf32>, vector<16xi32> -> vector<16xf32>
      %mul3A_180 = arith.mulf %scan3A_173, %gather3A_179 : vector<16xf32>
      %add3A_181 = arith.addf %add3A_168, %mul3A_180 : vector<16xf32>
      %scan3A_182 = arith.constant 0 : i32
      %scan3A_183 = arith.constant 32 : i32
      %scan3A_184 = arith.addi %scan3A_182, %scan3A_183 : i32
      %scan3A_185 = arith.constant 1 : i32
      %scan3A_186 = scf.for %scan3A_382 = %scan3A_182 to %scan3A_184 step %scan3A_185 iter_args(%scan3A_383 = %broadcast_in_dim3A_5) -> (vector<16xf32>)  : i32 {
        %mul3A_384 = arith.constant 64 : i32
        %mul3A_385 = arith.muli %scan3A_382, %mul3A_384 : i32
        %add3A_386 = arith.constant 0 : i32
        %add3A_387 = arith.addi %mul3A_385, %add3A_386 : i32
        %get3A_388 = arith.constant 0 : i32
        %get3A_389 = arith.constant 5 : i32
        %get3A_390 = arith.index_cast %get3A_388 : i32 to index
        %get3A_391 = arith.index_cast %get3A_389 : i32 to index
        %get3A_392 = arith.index_cast %add3A_387 : i32 to index
        %get3A_393 = tpu.vector_load %arg8[%get3A_390, %get3A_391, %get3A_392] {strides = array<i32>} : memref<2x8x2048xf32, #tpu.memory_space<vmem>>, vector<1x1x16xf32>,
        %get3A_394 = vector.shape_cast %get3A_393 : vector<1x1x16xf32> to vector<16xf32>
        %add3A_395 = arith.constant 0 : i32
        %add3A_396 = arith.addi %mul3A_385, %add3A_395 : i32
        %get3A_397 = arith.constant 0 : i32
        %get3A_398 = arith.constant 5 : i32
        %get3A_399 = arith.index_cast %get3A_397 : i32 to index
        %get3A_400 = arith.index_cast %get3A_398 : i32 to index
        %get3A_401 = arith.index_cast %add3A_396 : i32 to index
        %get3A_402 = tpu.vector_load %arg9[%get3A_399, %get3A_400, %get3A_401] {strides = array<i32>} : memref<2x8x2048xf32, #tpu.memory_space<vmem>>, vector<1x1x16xf32>,
        %get3A_403 = vector.shape_cast %get3A_402 : vector<1x1x16xf32> to vector<16xf32>
        %sub3A = arith.subf %get3A_394, %get3A_403 : vector<16xf32>
        %mul3A_404 = arith.mulf %sub3A, %sub3A : vector<16xf32>
        %add3A_405 = arith.addf %scan3A_383, %mul3A_404 : vector<16xf32>
        %add3A_406 = arith.constant 16 : i32
        %add3A_407 = arith.addi %mul3A_385, %add3A_406 : i32
        %get3A_408 = arith.constant 0 : i32
        %get3A_409 = arith.constant 5 : i32
        %get3A_410 = arith.index_cast %get3A_408 : i32 to index
        %get3A_411 = arith.index_cast %get3A_409 : i32 to index
        %get3A_412 = arith.index_cast %add3A_407 : i32 to index
        %get3A_413 = tpu.vector_load %arg8[%get3A_410, %get3A_411, %get3A_412] {strides = array<i32>} : memref<2x8x2048xf32, #tpu.memory_space<vmem>>, vector<1x1x16xf32>,
        %get3A_414 = vector.shape_cast %get3A_413 : vector<1x1x16xf32> to vector<16xf32>
        %add3A_415 = arith.constant 16 : i32
        %add3A_416 = arith.addi %mul3A_385, %add3A_415 : i32
        %get3A_417 = arith.constant 0 : i32
        %get3A_418 = arith.constant 5 : i32
        %get3A_419 = arith.index_cast %get3A_417 : i32 to index
        %get3A_420 = arith.index_cast %get3A_418 : i32 to index
        %get3A_421 = arith.index_cast %add3A_416 : i32 to index
        %get3A_422 = tpu.vector_load %arg9[%get3A_419, %get3A_420, %get3A_421] {strides = array<i32>} : memref<2x8x2048xf32, #tpu.memory_space<vmem>>, vector<1x1x16xf32>,
        %get3A_423 = vector.shape_cast %get3A_422 : vector<1x1x16xf32> to vector<16xf32>
        %sub3A_424 = arith.subf %get3A_414, %get3A_423 : vector<16xf32>
        %mul3A_425 = arith.mulf %sub3A_424, %sub3A_424 : vector<16xf32>
        %add3A_426 = arith.addf %add3A_405, %mul3A_425 : vector<16xf32>
        %add3A_427 = arith.constant 32 : i32
        %add3A_428 = arith.addi %mul3A_385, %add3A_427 : i32
        %get3A_429 = arith.constant 0 : i32
        %get3A_430 = arith.constant 5 : i32
        %get3A_431 = arith.index_cast %get3A_429 : i32 to index
        %get3A_432 = arith.index_cast %get3A_430 : i32 to index
        %get3A_433 = arith.index_cast %add3A_428 : i32 to index
        %get3A_434 = tpu.vector_load %arg8[%get3A_431, %get3A_432, %get3A_433] {strides = array<i32>} : memref<2x8x2048xf32, #tpu.memory_space<vmem>>, vector<1x1x16xf32>,
        %get3A_435 = vector.shape_cast %get3A_434 : vector<1x1x16xf32> to vector<16xf32>
        %add3A_436 = arith.constant 32 : i32
        %add3A_437 = arith.addi %mul3A_385, %add3A_436 : i32
        %get3A_438 = arith.constant 0 : i32
        %get3A_439 = arith.constant 5 : i32
        %get3A_440 = arith.index_cast %get3A_438 : i32 to index
        %get3A_441 = arith.index_cast %get3A_439 : i32 to index
        %get3A_442 = arith.index_cast %add3A_437 : i32 to index
        %get3A_443 = tpu.vector_load %arg9[%get3A_440, %get3A_441, %get3A_442] {strides = array<i32>} : memref<2x8x2048xf32, #tpu.memory_space<vmem>>, vector<1x1x16xf32>,
        %get3A_444 = vector.shape_cast %get3A_443 : vector<1x1x16xf32> to vector<16xf32>
        %sub3A_445 = arith.subf %get3A_435, %get3A_444 : vector<16xf32>
        %mul3A_446 = arith.mulf %sub3A_445, %sub3A_445 : vector<16xf32>
        %add3A_447 = arith.addf %add3A_426, %mul3A_446 : vector<16xf32>
        %add3A_448 = arith.constant 48 : i32
        %add3A_449 = arith.addi %mul3A_385, %add3A_448 : i32
        %get3A_450 = arith.constant 0 : i32
        %get3A_451 = arith.constant 5 : i32
        %get3A_452 = arith.index_cast %get3A_450 : i32 to index
        %get3A_453 = arith.index_cast %get3A_451 : i32 to index
        %get3A_454 = arith.index_cast %add3A_449 : i32 to index
        %get3A_455 = tpu.vector_load %arg8[%get3A_452, %get3A_453, %get3A_454] {strides = array<i32>} : memref<2x8x2048xf32, #tpu.memory_space<vmem>>, vector<1x1x16xf32>,
        %get3A_456 = vector.shape_cast %get3A_455 : vector<1x1x16xf32> to vector<16xf32>
        %add3A_457 = arith.constant 48 : i32
        %add3A_458 = arith.addi %mul3A_385, %add3A_457 : i32
        %get3A_459 = arith.constant 0 : i32
        %get3A_460 = arith.constant 5 : i32
        %get3A_461 = arith.index_cast %get3A_459 : i32 to index
        %get3A_462 = arith.index_cast %get3A_460 : i32 to index
        %get3A_463 = arith.index_cast %add3A_458 : i32 to index
        %get3A_464 = tpu.vector_load %arg9[%get3A_461, %get3A_462, %get3A_463] {strides = array<i32>} : memref<2x8x2048xf32, #tpu.memory_space<vmem>>, vector<1x1x16xf32>,
        %get3A_465 = vector.shape_cast %get3A_464 : vector<1x1x16xf32> to vector<16xf32>
        %sub3A_466 = arith.subf %get3A_456, %get3A_465 : vector<16xf32>
        %mul3A_467 = arith.mulf %sub3A_466, %sub3A_466 : vector<16xf32>
        %add3A_468 = arith.addf %add3A_447, %mul3A_467 : vector<16xf32>
        scf.yield %add3A_468 : vector<16xf32>
      }
      %scan3A_187 = arith.constant 32 : i32
      %broadcast_in_dim3A_188 = arith.constant 5 : i32
      %broadcast_in_dim3A_189 = vector.broadcast %broadcast_in_dim3A_188 : i32 to vector<16xi32>
      %broadcast_in_dim3A_190 = vector.shape_cast %broadcast_in_dim3A_189 : vector<16xi32> to vector<16x1xi32>
      %gather3A_191 = vector.shape_cast %broadcast_in_dim3A_190 : vector<16x1xi32> to vector<16xi32>
      %gather3A_192 = tpu.dynamic_gather %select_n3A[%gather3A_191] in [0] : vector<16xf32>, vector<16xi32> -> vector<16xf32>
      %mul3A_193 = arith.mulf %scan3A_186, %gather3A_192 : vector<16xf32>
      %add3A_194 = arith.addf %add3A_181, %mul3A_193 : vector<16xf32>
      %scan3A_195 = arith.constant 0 : i32
      %scan3A_196 = arith.constant 32 : i32
      %scan3A_197 = arith.addi %scan3A_195, %scan3A_196 : i32
      %scan3A_198 = arith.constant 1 : i32
      %scan3A_199 = scf.for %scan3A_382 = %scan3A_195 to %scan3A_197 step %scan3A_198 iter_args(%scan3A_383 = %broadcast_in_dim3A_5) -> (vector<16xf32>)  : i32 {
        %mul3A_384 = arith.constant 64 : i32
        %mul3A_385 = arith.muli %scan3A_382, %mul3A_384 : i32
        %add3A_386 = arith.constant 0 : i32
        %add3A_387 = arith.addi %mul3A_385, %add3A_386 : i32
        %get3A_388 = arith.constant 0 : i32
        %get3A_389 = arith.constant 6 : i32
        %get3A_390 = arith.index_cast %get3A_388 : i32 to index
        %get3A_391 = arith.index_cast %get3A_389 : i32 to index
        %get3A_392 = arith.index_cast %add3A_387 : i32 to index
        %get3A_393 = tpu.vector_load %arg8[%get3A_390, %get3A_391, %get3A_392] {strides = array<i32>} : memref<2x8x2048xf32, #tpu.memory_space<vmem>>, vector<1x1x16xf32>,
        %get3A_394 = vector.shape_cast %get3A_393 : vector<1x1x16xf32> to vector<16xf32>
        %add3A_395 = arith.constant 0 : i32
        %add3A_396 = arith.addi %mul3A_385, %add3A_395 : i32
        %get3A_397 = arith.constant 0 : i32
        %get3A_398 = arith.constant 6 : i32
        %get3A_399 = arith.index_cast %get3A_397 : i32 to index
        %get3A_400 = arith.index_cast %get3A_398 : i32 to index
        %get3A_401 = arith.index_cast %add3A_396 : i32 to index
        %get3A_402 = tpu.vector_load %arg9[%get3A_399, %get3A_400, %get3A_401] {strides = array<i32>} : memref<2x8x2048xf32, #tpu.memory_space<vmem>>, vector<1x1x16xf32>,
        %get3A_403 = vector.shape_cast %get3A_402 : vector<1x1x16xf32> to vector<16xf32>
        %sub3A = arith.subf %get3A_394, %get3A_403 : vector<16xf32>
        %mul3A_404 = arith.mulf %sub3A, %sub3A : vector<16xf32>
        %add3A_405 = arith.addf %scan3A_383, %mul3A_404 : vector<16xf32>
        %add3A_406 = arith.constant 16 : i32
        %add3A_407 = arith.addi %mul3A_385, %add3A_406 : i32
        %get3A_408 = arith.constant 0 : i32
        %get3A_409 = arith.constant 6 : i32
        %get3A_410 = arith.index_cast %get3A_408 : i32 to index
        %get3A_411 = arith.index_cast %get3A_409 : i32 to index
        %get3A_412 = arith.index_cast %add3A_407 : i32 to index
        %get3A_413 = tpu.vector_load %arg8[%get3A_410, %get3A_411, %get3A_412] {strides = array<i32>} : memref<2x8x2048xf32, #tpu.memory_space<vmem>>, vector<1x1x16xf32>,
        %get3A_414 = vector.shape_cast %get3A_413 : vector<1x1x16xf32> to vector<16xf32>
        %add3A_415 = arith.constant 16 : i32
        %add3A_416 = arith.addi %mul3A_385, %add3A_415 : i32
        %get3A_417 = arith.constant 0 : i32
        %get3A_418 = arith.constant 6 : i32
        %get3A_419 = arith.index_cast %get3A_417 : i32 to index
        %get3A_420 = arith.index_cast %get3A_418 : i32 to index
        %get3A_421 = arith.index_cast %add3A_416 : i32 to index
        %get3A_422 = tpu.vector_load %arg9[%get3A_419, %get3A_420, %get3A_421] {strides = array<i32>} : memref<2x8x2048xf32, #tpu.memory_space<vmem>>, vector<1x1x16xf32>,
        %get3A_423 = vector.shape_cast %get3A_422 : vector<1x1x16xf32> to vector<16xf32>
        %sub3A_424 = arith.subf %get3A_414, %get3A_423 : vector<16xf32>
        %mul3A_425 = arith.mulf %sub3A_424, %sub3A_424 : vector<16xf32>
        %add3A_426 = arith.addf %add3A_405, %mul3A_425 : vector<16xf32>
        %add3A_427 = arith.constant 32 : i32
        %add3A_428 = arith.addi %mul3A_385, %add3A_427 : i32
        %get3A_429 = arith.constant 0 : i32
        %get3A_430 = arith.constant 6 : i32
        %get3A_431 = arith.index_cast %get3A_429 : i32 to index
        %get3A_432 = arith.index_cast %get3A_430 : i32 to index
        %get3A_433 = arith.index_cast %add3A_428 : i32 to index
        %get3A_434 = tpu.vector_load %arg8[%get3A_431, %get3A_432, %get3A_433] {strides = array<i32>} : memref<2x8x2048xf32, #tpu.memory_space<vmem>>, vector<1x1x16xf32>,
        %get3A_435 = vector.shape_cast %get3A_434 : vector<1x1x16xf32> to vector<16xf32>
        %add3A_436 = arith.constant 32 : i32
        %add3A_437 = arith.addi %mul3A_385, %add3A_436 : i32
        %get3A_438 = arith.constant 0 : i32
        %get3A_439 = arith.constant 6 : i32
        %get3A_440 = arith.index_cast %get3A_438 : i32 to index
        %get3A_441 = arith.index_cast %get3A_439 : i32 to index
        %get3A_442 = arith.index_cast %add3A_437 : i32 to index
        %get3A_443 = tpu.vector_load %arg9[%get3A_440, %get3A_441, %get3A_442] {strides = array<i32>} : memref<2x8x2048xf32, #tpu.memory_space<vmem>>, vector<1x1x16xf32>,
        %get3A_444 = vector.shape_cast %get3A_443 : vector<1x1x16xf32> to vector<16xf32>
        %sub3A_445 = arith.subf %get3A_435, %get3A_444 : vector<16xf32>
        %mul3A_446 = arith.mulf %sub3A_445, %sub3A_445 : vector<16xf32>
        %add3A_447 = arith.addf %add3A_426, %mul3A_446 : vector<16xf32>
        %add3A_448 = arith.constant 48 : i32
        %add3A_449 = arith.addi %mul3A_385, %add3A_448 : i32
        %get3A_450 = arith.constant 0 : i32
        %get3A_451 = arith.constant 6 : i32
        %get3A_452 = arith.index_cast %get3A_450 : i32 to index
        %get3A_453 = arith.index_cast %get3A_451 : i32 to index
        %get3A_454 = arith.index_cast %add3A_449 : i32 to index
        %get3A_455 = tpu.vector_load %arg8[%get3A_452, %get3A_453, %get3A_454] {strides = array<i32>} : memref<2x8x2048xf32, #tpu.memory_space<vmem>>, vector<1x1x16xf32>,
        %get3A_456 = vector.shape_cast %get3A_455 : vector<1x1x16xf32> to vector<16xf32>
        %add3A_457 = arith.constant 48 : i32
        %add3A_458 = arith.addi %mul3A_385, %add3A_457 : i32
        %get3A_459 = arith.constant 0 : i32
        %get3A_460 = arith.constant 6 : i32
        %get3A_461 = arith.index_cast %get3A_459 : i32 to index
        %get3A_462 = arith.index_cast %get3A_460 : i32 to index
        %get3A_463 = arith.index_cast %add3A_458 : i32 to index
        %get3A_464 = tpu.vector_load %arg9[%get3A_461, %get3A_462, %get3A_463] {strides = array<i32>} : memref<2x8x2048xf32, #tpu.memory_space<vmem>>, vector<1x1x16xf32>,
        %get3A_465 = vector.shape_cast %get3A_464 : vector<1x1x16xf32> to vector<16xf32>
        %sub3A_466 = arith.subf %get3A_456, %get3A_465 : vector<16xf32>
        %mul3A_467 = arith.mulf %sub3A_466, %sub3A_466 : vector<16xf32>
        %add3A_468 = arith.addf %add3A_447, %mul3A_467 : vector<16xf32>
        scf.yield %add3A_468 : vector<16xf32>
      }
      %scan3A_200 = arith.constant 32 : i32
      %broadcast_in_dim3A_201 = arith.constant 6 : i32
      %broadcast_in_dim3A_202 = vector.broadcast %broadcast_in_dim3A_201 : i32 to vector<16xi32>
      %broadcast_in_dim3A_203 = vector.shape_cast %broadcast_in_dim3A_202 : vector<16xi32> to vector<16x1xi32>
      %gather3A_204 = vector.shape_cast %broadcast_in_dim3A_203 : vector<16x1xi32> to vector<16xi32>
      %gather3A_205 = tpu.dynamic_gather %select_n3A[%gather3A_204] in [0] : vector<16xf32>, vector<16xi32> -> vector<16xf32>
      %mul3A_206 = arith.mulf %scan3A_199, %gather3A_205 : vector<16xf32>
      %add3A_207 = arith.addf %add3A_194, %mul3A_206 : vector<16xf32>
      %scan3A_208 = arith.constant 0 : i32
      %scan3A_209 = arith.constant 32 : i32
      %scan3A_210 = arith.addi %scan3A_208, %scan3A_209 : i32
      %scan3A_211 = arith.constant 1 : i32
      %scan3A_212 = scf.for %scan3A_382 = %scan3A_208 to %scan3A_210 step %scan3A_211 iter_args(%scan3A_383 = %broadcast_in_dim3A_5) -> (vector<16xf32>)  : i32 {
        %mul3A_384 = arith.constant 64 : i32
        %mul3A_385 = arith.muli %scan3A_382, %mul3A_384 : i32
        %add3A_386 = arith.constant 0 : i32
        %add3A_387 = arith.addi %mul3A_385, %add3A_386 : i32
        %get3A_388 = arith.constant 0 : i32
        %get3A_389 = arith.constant 7 : i32
        %get3A_390 = arith.index_cast %get3A_388 : i32 to index
        %get3A_391 = arith.index_cast %get3A_389 : i32 to index
        %get3A_392 = arith.index_cast %add3A_387 : i32 to index
        %get3A_393 = tpu.vector_load %arg8[%get3A_390, %get3A_391, %get3A_392] {strides = array<i32>} : memref<2x8x2048xf32, #tpu.memory_space<vmem>>, vector<1x1x16xf32>,
        %get3A_394 = vector.shape_cast %get3A_393 : vector<1x1x16xf32> to vector<16xf32>
        %add3A_395 = arith.constant 0 : i32
        %add3A_396 = arith.addi %mul3A_385, %add3A_395 : i32
        %get3A_397 = arith.constant 0 : i32
        %get3A_398 = arith.constant 7 : i32
        %get3A_399 = arith.index_cast %get3A_397 : i32 to index
        %get3A_400 = arith.index_cast %get3A_398 : i32 to index
        %get3A_401 = arith.index_cast %add3A_396 : i32 to index
        %get3A_402 = tpu.vector_load %arg9[%get3A_399, %get3A_400, %get3A_401] {strides = array<i32>} : memref<2x8x2048xf32, #tpu.memory_space<vmem>>, vector<1x1x16xf32>,
        %get3A_403 = vector.shape_cast %get3A_402 : vector<1x1x16xf32> to vector<16xf32>
        %sub3A = arith.subf %get3A_394, %get3A_403 : vector<16xf32>
        %mul3A_404 = arith.mulf %sub3A, %sub3A : vector<16xf32>
        %add3A_405 = arith.addf %scan3A_383, %mul3A_404 : vector<16xf32>
        %add3A_406 = arith.constant 16 : i32
        %add3A_407 = arith.addi %mul3A_385, %add3A_406 : i32
        %get3A_408 = arith.constant 0 : i32
        %get3A_409 = arith.constant 7 : i32
        %get3A_410 = arith.index_cast %get3A_408 : i32 to index
        %get3A_411 = arith.index_cast %get3A_409 : i32 to index
        %get3A_412 = arith.index_cast %add3A_407 : i32 to index
        %get3A_413 = tpu.vector_load %arg8[%get3A_410, %get3A_411, %get3A_412] {strides = array<i32>} : memref<2x8x2048xf32, #tpu.memory_space<vmem>>, vector<1x1x16xf32>,
        %get3A_414 = vector.shape_cast %get3A_413 : vector<1x1x16xf32> to vector<16xf32>
        %add3A_415 = arith.constant 16 : i32
        %add3A_416 = arith.addi %mul3A_385, %add3A_415 : i32
        %get3A_417 = arith.constant 0 : i32
        %get3A_418 = arith.constant 7 : i32
        %get3A_419 = arith.index_cast %get3A_417 : i32 to index
        %get3A_420 = arith.index_cast %get3A_418 : i32 to index
        %get3A_421 = arith.index_cast %add3A_416 : i32 to index
        %get3A_422 = tpu.vector_load %arg9[%get3A_419, %get3A_420, %get3A_421] {strides = array<i32>} : memref<2x8x2048xf32, #tpu.memory_space<vmem>>, vector<1x1x16xf32>,
        %get3A_423 = vector.shape_cast %get3A_422 : vector<1x1x16xf32> to vector<16xf32>
        %sub3A_424 = arith.subf %get3A_414, %get3A_423 : vector<16xf32>
        %mul3A_425 = arith.mulf %sub3A_424, %sub3A_424 : vector<16xf32>
        %add3A_426 = arith.addf %add3A_405, %mul3A_425 : vector<16xf32>
        %add3A_427 = arith.constant 32 : i32
        %add3A_428 = arith.addi %mul3A_385, %add3A_427 : i32
        %get3A_429 = arith.constant 0 : i32
        %get3A_430 = arith.constant 7 : i32
        %get3A_431 = arith.index_cast %get3A_429 : i32 to index
        %get3A_432 = arith.index_cast %get3A_430 : i32 to index
        %get3A_433 = arith.index_cast %add3A_428 : i32 to index
        %get3A_434 = tpu.vector_load %arg8[%get3A_431, %get3A_432, %get3A_433] {strides = array<i32>} : memref<2x8x2048xf32, #tpu.memory_space<vmem>>, vector<1x1x16xf32>,
        %get3A_435 = vector.shape_cast %get3A_434 : vector<1x1x16xf32> to vector<16xf32>
        %add3A_436 = arith.constant 32 : i32
        %add3A_437 = arith.addi %mul3A_385, %add3A_436 : i32
        %get3A_438 = arith.constant 0 : i32
        %get3A_439 = arith.constant 7 : i32
        %get3A_440 = arith.index_cast %get3A_438 : i32 to index
        %get3A_441 = arith.index_cast %get3A_439 : i32 to index
        %get3A_442 = arith.index_cast %add3A_437 : i32 to index
        %get3A_443 = tpu.vector_load %arg9[%get3A_440, %get3A_441, %get3A_442] {strides = array<i32>} : memref<2x8x2048xf32, #tpu.memory_space<vmem>>, vector<1x1x16xf32>,
        %get3A_444 = vector.shape_cast %get3A_443 : vector<1x1x16xf32> to vector<16xf32>
        %sub3A_445 = arith.subf %get3A_435, %get3A_444 : vector<16xf32>
        %mul3A_446 = arith.mulf %sub3A_445, %sub3A_445 : vector<16xf32>
        %add3A_447 = arith.addf %add3A_426, %mul3A_446 : vector<16xf32>
        %add3A_448 = arith.constant 48 : i32
        %add3A_449 = arith.addi %mul3A_385, %add3A_448 : i32
        %get3A_450 = arith.constant 0 : i32
        %get3A_451 = arith.constant 7 : i32
        %get3A_452 = arith.index_cast %get3A_450 : i32 to index
        %get3A_453 = arith.index_cast %get3A_451 : i32 to index
        %get3A_454 = arith.index_cast %add3A_449 : i32 to index
        %get3A_455 = tpu.vector_load %arg8[%get3A_452, %get3A_453, %get3A_454] {strides = array<i32>} : memref<2x8x2048xf32, #tpu.memory_space<vmem>>, vector<1x1x16xf32>,
        %get3A_456 = vector.shape_cast %get3A_455 : vector<1x1x16xf32> to vector<16xf32>
        %add3A_457 = arith.constant 48 : i32
        %add3A_458 = arith.addi %mul3A_385, %add3A_457 : i32
        %get3A_459 = arith.constant 0 : i32
        %get3A_460 = arith.constant 7 : i32
        %get3A_461 = arith.index_cast %get3A_459 : i32 to index
        %get3A_462 = arith.index_cast %get3A_460 : i32 to index
        %get3A_463 = arith.index_cast %add3A_458 : i32 to index
        %get3A_464 = tpu.vector_load %arg9[%get3A_461, %get3A_462, %get3A_463] {strides = array<i32>} : memref<2x8x2048xf32, #tpu.memory_space<vmem>>, vector<1x1x16xf32>,
        %get3A_465 = vector.shape_cast %get3A_464 : vector<1x1x16xf32> to vector<16xf32>
        %sub3A_466 = arith.subf %get3A_456, %get3A_465 : vector<16xf32>
        %mul3A_467 = arith.mulf %sub3A_466, %sub3A_466 : vector<16xf32>
        %add3A_468 = arith.addf %add3A_447, %mul3A_467 : vector<16xf32>
        scf.yield %add3A_468 : vector<16xf32>
      }
      %scan3A_213 = arith.constant 32 : i32
      %broadcast_in_dim3A_214 = arith.constant 7 : i32
      %broadcast_in_dim3A_215 = vector.broadcast %broadcast_in_dim3A_214 : i32 to vector<16xi32>
      %broadcast_in_dim3A_216 = vector.shape_cast %broadcast_in_dim3A_215 : vector<16xi32> to vector<16x1xi32>
      %gather3A_217 = vector.shape_cast %broadcast_in_dim3A_216 : vector<16x1xi32> to vector<16xi32>
      %gather3A_218 = tpu.dynamic_gather %select_n3A[%gather3A_217] in [0] : vector<16xf32>, vector<16xi32> -> vector<16xf32>
      %mul3A_219 = arith.mulf %scan3A_212, %gather3A_218 : vector<16xf32>
      %add3A_220 = arith.addf %add3A_207, %mul3A_219 : vector<16xf32>
      %add3A_221 = arith.constant 2 : i32
      %add3A_222 = arith.addi %mul3A_79, %add3A_221 : i32
      %lt3A_223 = arith.constant 48 : i32
      %lt3A_224 = arith.cmpi slt, %add3A_222, %lt3A_223 : i32
      %convert_element_type3A = arith.extui %lt3A_224 : i1 to i32
      %cond3A = arith.constant 0 : i32
      %cond3A_225 = arith.cmpi ne, %convert_element_type3A, %cond3A : i32
      scf.if %cond3A_225 {
        %add3A_382 = arith.constant 2 : i32
        %add3A_383 = arith.addi %mul3A_79, %add3A_382 : i32
        %mul3A_384 = arith.constant 8 : i32
        %mul3A_385 = arith.muli %add3A_383, %mul3A_384 : i32
        %add3A_386 = arith.addi %add3A_4, %mul3A_385 : i32
        %dma_start3A_387 = arith.constant 0 : i32
        %dma_start3A_388 = arith.constant 0 : i32
        %dma_start3A_389 = arith.constant 0 : i32
        %dma_start3A_390 = tpu.memref_slice %arg8[%dma_start3A_387, %dma_start3A_388, %dma_start3A_389] : memref<2x8x2048xf32, #tpu.memory_space<vmem>> -> memref<1x8x2048xf32, #tpu.memory_space<vmem>>
        %dma_start3A_391 = tpu.memref_squeeze %dma_start3A_390 : memref<1x8x2048xf32, #tpu.memory_space<vmem>> -> memref<8x2048xf32, #tpu.memory_space<vmem>>
        %dma_start3A_392 = arith.constant 0 : i32
        %dma_start3A_393 = tpu.memref_slice %arg2[%add3A_386, %dma_start3A_392] : memref<32768x2048xf32, #tpu.memory_space<hbm>> -> memref<8x2048xf32, #tpu.memory_space<hbm>>
        %dma_start3A_394 = arith.constant 0 : i32
        %dma_start3A_395 = arith.constant 0 : i32
        %dma_start3A_396 = tpu.memref_slice %arg8[%dma_start3A_387, %dma_start3A_394, %dma_start3A_395] : memref<2x8x2048xf32, #tpu.memory_space<vmem>> -> memref<1x8x2048xf32, #tpu.memory_space<vmem>>
        %dma_start3A_397 = tpu.memref_squeeze %dma_start3A_396 : memref<1x8x2048xf32, #tpu.memory_space<vmem>> -> memref<8x2048xf32, #tpu.memory_space<vmem>>
        %dma_start3A_398 = arith.constant 0 : i32
        %dma_start3A_399 = tpu.memref_slice %arg2[%add3A_386, %dma_start3A_398] : memref<32768x2048xf32, #tpu.memory_space<hbm>> -> memref<8x2048xf32, #tpu.memory_space<hbm>>
        tpu.enqueue_dma source(%dma_start3A_399 : memref<8x2048xf32, #tpu.memory_space<hbm>>) target(%dma_start3A_397 : memref<8x2048xf32, #tpu.memory_space<vmem>>) target_semaphore(%arg11 : memref<!tpu.dma_semaphore, #tpu.memory_space<semaphore_mem>>)
        %dma_start3A_400 = arith.constant 0 : i32
        %dma_start3A_401 = arith.constant 0 : i32
        %dma_start3A_402 = arith.constant 0 : i32
        %dma_start3A_403 = tpu.memref_slice %arg9[%dma_start3A_400, %dma_start3A_401, %dma_start3A_402] : memref<2x8x2048xf32, #tpu.memory_space<vmem>> -> memref<1x8x2048xf32, #tpu.memory_space<vmem>>
        %dma_start3A_404 = tpu.memref_squeeze %dma_start3A_403 : memref<1x8x2048xf32, #tpu.memory_space<vmem>> -> memref<8x2048xf32, #tpu.memory_space<vmem>>
        %dma_start3A_405 = arith.constant 0 : i32
        %dma_start3A_406 = tpu.memref_slice %arg3[%add3A_386, %dma_start3A_405] : memref<32768x2048xf32, #tpu.memory_space<hbm>> -> memref<8x2048xf32, #tpu.memory_space<hbm>>
        %dma_start3A_407 = arith.constant 0 : i32
        %dma_start3A_408 = arith.constant 0 : i32
        %dma_start3A_409 = tpu.memref_slice %arg9[%dma_start3A_400, %dma_start3A_407, %dma_start3A_408] : memref<2x8x2048xf32, #tpu.memory_space<vmem>> -> memref<1x8x2048xf32, #tpu.memory_space<vmem>>
        %dma_start3A_410 = tpu.memref_squeeze %dma_start3A_409 : memref<1x8x2048xf32, #tpu.memory_space<vmem>> -> memref<8x2048xf32, #tpu.memory_space<vmem>>
        %dma_start3A_411 = arith.constant 0 : i32
        %dma_start3A_412 = tpu.memref_slice %arg3[%add3A_386, %dma_start3A_411] : memref<32768x2048xf32, #tpu.memory_space<hbm>> -> memref<8x2048xf32, #tpu.memory_space<hbm>>
        tpu.enqueue_dma source(%dma_start3A_412 : memref<8x2048xf32, #tpu.memory_space<hbm>>) target(%dma_start3A_410 : memref<8x2048xf32, #tpu.memory_space<vmem>>) target_semaphore(%arg12 : memref<!tpu.dma_semaphore, #tpu.memory_space<semaphore_mem>>)
      } else {
      }
      %dma_wait3A_226 = arith.constant 1 : i32
      %dma_wait3A_227 = arith.constant 0 : i32
      %dma_wait3A_228 = arith.constant 0 : i32
      %dma_wait3A_229 = tpu.memref_slice %arg8[%dma_wait3A_226, %dma_wait3A_227, %dma_wait3A_228] : memref<2x8x2048xf32, #tpu.memory_space<vmem>> -> memref<1x8x2048xf32, #tpu.memory_space<vmem>>
      %dma_wait3A_230 = tpu.memref_squeeze %dma_wait3A_229 : memref<1x8x2048xf32, #tpu.memory_space<vmem>> -> memref<8x2048xf32, #tpu.memory_space<vmem>>
      %dma_wait3A_231 = arith.constant 0 : i32
      %dma_wait3A_232 = tpu.memref_slice %arg2[%add3A_4, %dma_wait3A_231] : memref<32768x2048xf32, #tpu.memory_space<hbm>> -> memref<8x2048xf32, #tpu.memory_space<hbm>>
      %dma_wait3A_233 = arith.constant 0 : i32
      %dma_wait3A_234 = arith.constant 0 : i32
      %dma_wait3A_235 = tpu.memref_slice %arg8[%dma_wait3A_226, %dma_wait3A_233, %dma_wait3A_234] : memref<2x8x2048xf32, #tpu.memory_space<vmem>> -> memref<1x8x2048xf32, #tpu.memory_space<vmem>>
      %dma_wait3A_236 = tpu.memref_squeeze %dma_wait3A_235 : memref<1x8x2048xf32, #tpu.memory_space<vmem>> -> memref<8x2048xf32, #tpu.memory_space<vmem>>
      %dma_wait3A_237 = arith.constant 0 : i32
      %dma_wait3A_238 = tpu.memref_slice %arg2[%add3A_4, %dma_wait3A_237] : memref<32768x2048xf32, #tpu.memory_space<hbm>> -> memref<8x2048xf32, #tpu.memory_space<hbm>>
      tpu.wait_dma2 semaphore(%arg13 : memref<!tpu.dma_semaphore, #tpu.memory_space<semaphore_mem>>) src(%dma_wait3A_238 : memref<8x2048xf32, #tpu.memory_space<hbm>>) dst(%dma_wait3A_236 : memref<8x2048xf32, #tpu.memory_space<vmem>>)
      %dma_wait3A_239 = arith.constant 1 : i32
      %dma_wait3A_240 = arith.constant 0 : i32
      %dma_wait3A_241 = arith.constant 0 : i32
      %dma_wait3A_242 = tpu.memref_slice %arg9[%dma_wait3A_239, %dma_wait3A_240, %dma_wait3A_241] : memref<2x8x2048xf32, #tpu.memory_space<vmem>> -> memref<1x8x2048xf32, #tpu.memory_space<vmem>>
      %dma_wait3A_243 = tpu.memref_squeeze %dma_wait3A_242 : memref<1x8x2048xf32, #tpu.memory_space<vmem>> -> memref<8x2048xf32, #tpu.memory_space<vmem>>
      %dma_wait3A_244 = arith.constant 0 : i32
      %dma_wait3A_245 = tpu.memref_slice %arg3[%add3A_4, %dma_wait3A_244] : memref<32768x2048xf32, #tpu.memory_space<hbm>> -> memref<8x2048xf32, #tpu.memory_space<hbm>>
      %dma_wait3A_246 = arith.constant 0 : i32
      %dma_wait3A_247 = arith.constant 0 : i32
      %dma_wait3A_248 = tpu.memref_slice %arg9[%dma_wait3A_239, %dma_wait3A_246, %dma_wait3A_247] : memref<2x8x2048xf32, #tpu.memory_space<vmem>> -> memref<1x8x2048xf32, #tpu.memory_space<vmem>>
      %dma_wait3A_249 = tpu.memref_squeeze %dma_wait3A_248 : memref<1x8x2048xf32, #tpu.memory_space<vmem>> -> memref<8x2048xf32, #tpu.memory_space<vmem>>
      %dma_wait3A_250 = arith.constant 0 : i32
      %dma_wait3A_251 = tpu.memref_slice %arg3[%add3A_4, %dma_wait3A_250] : memref<32768x2048xf32, #tpu.memory_space<hbm>> -> memref<8x2048xf32, #tpu.memory_space<hbm>>
      tpu.wait_dma2 semaphore(%arg14 : memref<!tpu.dma_semaphore, #tpu.memory_space<semaphore_mem>>) src(%dma_wait3A_251 : memref<8x2048xf32, #tpu.memory_space<hbm>>) dst(%dma_wait3A_249 : memref<8x2048xf32, #tpu.memory_space<vmem>>)
      %add3A_252 = arith.constant 1 : i32
      %add3A_253 = arith.addi %mul3A_79, %add3A_252 : i32
      %mul3A_254 = arith.constant 8 : i32
      %mul3A_255 = arith.muli %add3A_253, %mul3A_254 : i32
      %get3A_256 = arith.index_cast %mul3A_255 : i32 to index
      %get3A_257 = tpu.vector_load %arg7[%get3A_256] {strides = array<i32>} : memref<400xi32, #tpu.memory_space<vmem>>, vector<16xi32>,
      %get3A_258 = vector.shape_cast %get3A_257 : vector<16xi32> to vector<16xi32>
      %ne3A_259 = arith.constant 0 : i32
      %ne3A_260 = vector.broadcast %ne3A_259 : i32 to vector<16xi32>
      %ne3A_261 = arith.cmpi ne, %get3A_258, %ne3A_260 : vector<16xi32>
      %jit3A_262 = arith.constant 1.000000e+00 : f32
      %jit3A_263 = arith.constant 0.000000e+00 : f32
      %broadcast_in_dim3A_264 = vector.broadcast %jit3A_262 : f32 to vector<16xf32>
      %broadcast_in_dim3A_265 = vector.broadcast %jit3A_263 : f32 to vector<16xf32>
      %select_n3A_266 = arith.select %ne3A_261, %broadcast_in_dim3A_264, %broadcast_in_dim3A_265 : vector<16xi1>, vector<16xf32>
      %jit3A_267 = arith.constant 0.000000e+00 : f32
      %broadcast_in_dim3A_268 = vector.broadcast %jit3A_267 : f32 to vector<16xf32>
      %select_n3A_269 = arith.select %lt3A_7, %select_n3A_266, %broadcast_in_dim3A_268 : vector<16xi1>, vector<16xf32>
      %add3A_270 = arith.addf %add3A_117, %select_n3A_269 : vector<16xf32>
      %scan3A_271 = arith.constant 0 : i32
      %scan3A_272 = arith.constant 32 : i32
      %scan3A_273 = arith.addi %scan3A_271, %scan3A_272 : i32
      %scan3A_274 = arith.constant 1 : i32
      %scan3A_275 = scf.for %scan3A_382 = %scan3A_271 to %scan3A_273 step %scan3A_274 iter_args(%scan3A_383 = %broadcast_in_dim3A_5) -> (vector<16xf32>)  : i32 {
        %mul3A_384 = arith.constant 64 : i32
        %mul3A_385 = arith.muli %scan3A_382, %mul3A_384 : i32
        %add3A_386 = arith.constant 0 : i32
        %add3A_387 = arith.addi %mul3A_385, %add3A_386 : i32
        %get3A_388 = arith.constant 1 : i32
        %get3A_389 = arith.constant 0 : i32
        %get3A_390 = arith.index_cast %get3A_388 : i32 to index
        %get3A_391 = arith.index_cast %get3A_389 : i32 to index
        %get3A_392 = arith.index_cast %add3A_387 : i32 to index
        %get3A_393 = tpu.vector_load %arg8[%get3A_390, %get3A_391, %get3A_392] {strides = array<i32>} : memref<2x8x2048xf32, #tpu.memory_space<vmem>>, vector<1x1x16xf32>,
        %get3A_394 = vector.shape_cast %get3A_393 : vector<1x1x16xf32> to vector<16xf32>
        %add3A_395 = arith.constant 0 : i32
        %add3A_396 = arith.addi %mul3A_385, %add3A_395 : i32
        %get3A_397 = arith.constant 1 : i32
        %get3A_398 = arith.constant 0 : i32
        %get3A_399 = arith.index_cast %get3A_397 : i32 to index
        %get3A_400 = arith.index_cast %get3A_398 : i32 to index
        %get3A_401 = arith.index_cast %add3A_396 : i32 to index
        %get3A_402 = tpu.vector_load %arg9[%get3A_399, %get3A_400, %get3A_401] {strides = array<i32>} : memref<2x8x2048xf32, #tpu.memory_space<vmem>>, vector<1x1x16xf32>,
        %get3A_403 = vector.shape_cast %get3A_402 : vector<1x1x16xf32> to vector<16xf32>
        %sub3A = arith.subf %get3A_394, %get3A_403 : vector<16xf32>
        %mul3A_404 = arith.mulf %sub3A, %sub3A : vector<16xf32>
        %add3A_405 = arith.addf %scan3A_383, %mul3A_404 : vector<16xf32>
        %add3A_406 = arith.constant 16 : i32
        %add3A_407 = arith.addi %mul3A_385, %add3A_406 : i32
        %get3A_408 = arith.constant 1 : i32
        %get3A_409 = arith.constant 0 : i32
        %get3A_410 = arith.index_cast %get3A_408 : i32 to index
        %get3A_411 = arith.index_cast %get3A_409 : i32 to index
        %get3A_412 = arith.index_cast %add3A_407 : i32 to index
        %get3A_413 = tpu.vector_load %arg8[%get3A_410, %get3A_411, %get3A_412] {strides = array<i32>} : memref<2x8x2048xf32, #tpu.memory_space<vmem>>, vector<1x1x16xf32>,
        %get3A_414 = vector.shape_cast %get3A_413 : vector<1x1x16xf32> to vector<16xf32>
        %add3A_415 = arith.constant 16 : i32
        %add3A_416 = arith.addi %mul3A_385, %add3A_415 : i32
        %get3A_417 = arith.constant 1 : i32
        %get3A_418 = arith.constant 0 : i32
        %get3A_419 = arith.index_cast %get3A_417 : i32 to index
        %get3A_420 = arith.index_cast %get3A_418 : i32 to index
        %get3A_421 = arith.index_cast %add3A_416 : i32 to index
        %get3A_422 = tpu.vector_load %arg9[%get3A_419, %get3A_420, %get3A_421] {strides = array<i32>} : memref<2x8x2048xf32, #tpu.memory_space<vmem>>, vector<1x1x16xf32>,
        %get3A_423 = vector.shape_cast %get3A_422 : vector<1x1x16xf32> to vector<16xf32>
        %sub3A_424 = arith.subf %get3A_414, %get3A_423 : vector<16xf32>
        %mul3A_425 = arith.mulf %sub3A_424, %sub3A_424 : vector<16xf32>
        %add3A_426 = arith.addf %add3A_405, %mul3A_425 : vector<16xf32>
        %add3A_427 = arith.constant 32 : i32
        %add3A_428 = arith.addi %mul3A_385, %add3A_427 : i32
        %get3A_429 = arith.constant 1 : i32
        %get3A_430 = arith.constant 0 : i32
        %get3A_431 = arith.index_cast %get3A_429 : i32 to index
        %get3A_432 = arith.index_cast %get3A_430 : i32 to index
        %get3A_433 = arith.index_cast %add3A_428 : i32 to index
        %get3A_434 = tpu.vector_load %arg8[%get3A_431, %get3A_432, %get3A_433] {strides = array<i32>} : memref<2x8x2048xf32, #tpu.memory_space<vmem>>, vector<1x1x16xf32>,
        %get3A_435 = vector.shape_cast %get3A_434 : vector<1x1x16xf32> to vector<16xf32>
        %add3A_436 = arith.constant 32 : i32
        %add3A_437 = arith.addi %mul3A_385, %add3A_436 : i32
        %get3A_438 = arith.constant 1 : i32
        %get3A_439 = arith.constant 0 : i32
        %get3A_440 = arith.index_cast %get3A_438 : i32 to index
        %get3A_441 = arith.index_cast %get3A_439 : i32 to index
        %get3A_442 = arith.index_cast %add3A_437 : i32 to index
        %get3A_443 = tpu.vector_load %arg9[%get3A_440, %get3A_441, %get3A_442] {strides = array<i32>} : memref<2x8x2048xf32, #tpu.memory_space<vmem>>, vector<1x1x16xf32>,
        %get3A_444 = vector.shape_cast %get3A_443 : vector<1x1x16xf32> to vector<16xf32>
        %sub3A_445 = arith.subf %get3A_435, %get3A_444 : vector<16xf32>
        %mul3A_446 = arith.mulf %sub3A_445, %sub3A_445 : vector<16xf32>
        %add3A_447 = arith.addf %add3A_426, %mul3A_446 : vector<16xf32>
        %add3A_448 = arith.constant 48 : i32
        %add3A_449 = arith.addi %mul3A_385, %add3A_448 : i32
        %get3A_450 = arith.constant 1 : i32
        %get3A_451 = arith.constant 0 : i32
        %get3A_452 = arith.index_cast %get3A_450 : i32 to index
        %get3A_453 = arith.index_cast %get3A_451 : i32 to index
        %get3A_454 = arith.index_cast %add3A_449 : i32 to index
        %get3A_455 = tpu.vector_load %arg8[%get3A_452, %get3A_453, %get3A_454] {strides = array<i32>} : memref<2x8x2048xf32, #tpu.memory_space<vmem>>, vector<1x1x16xf32>,
        %get3A_456 = vector.shape_cast %get3A_455 : vector<1x1x16xf32> to vector<16xf32>
        %add3A_457 = arith.constant 48 : i32
        %add3A_458 = arith.addi %mul3A_385, %add3A_457 : i32
        %get3A_459 = arith.constant 1 : i32
        %get3A_460 = arith.constant 0 : i32
        %get3A_461 = arith.index_cast %get3A_459 : i32 to index
        %get3A_462 = arith.index_cast %get3A_460 : i32 to index
        %get3A_463 = arith.index_cast %add3A_458 : i32 to index
        %get3A_464 = tpu.vector_load %arg9[%get3A_461, %get3A_462, %get3A_463] {strides = array<i32>} : memref<2x8x2048xf32, #tpu.memory_space<vmem>>, vector<1x1x16xf32>,
        %get3A_465 = vector.shape_cast %get3A_464 : vector<1x1x16xf32> to vector<16xf32>
        %sub3A_466 = arith.subf %get3A_456, %get3A_465 : vector<16xf32>
        %mul3A_467 = arith.mulf %sub3A_466, %sub3A_466 : vector<16xf32>
        %add3A_468 = arith.addf %add3A_447, %mul3A_467 : vector<16xf32>
        scf.yield %add3A_468 : vector<16xf32>
      }
      %scan3A_276 = arith.constant 32 : i32
      %broadcast_in_dim3A_277 = arith.constant 0 : i32
      %broadcast_in_dim3A_278 = vector.broadcast %broadcast_in_dim3A_277 : i32 to vector<16xi32>
      %broadcast_in_dim3A_279 = vector.shape_cast %broadcast_in_dim3A_278 : vector<16xi32> to vector<16x1xi32>
      %gather3A_280 = vector.shape_cast %broadcast_in_dim3A_279 : vector<16x1xi32> to vector<16xi32>
      %gather3A_281 = tpu.dynamic_gather %select_n3A_266[%gather3A_280] in [0] : vector<16xf32>, vector<16xi32> -> vector<16xf32>
      %mul3A_282 = arith.mulf %scan3A_275, %gather3A_281 : vector<16xf32>
      %add3A_283 = arith.addf %add3A_220, %mul3A_282 : vector<16xf32>
      %scan3A_284 = arith.constant 0 : i32
      %scan3A_285 = arith.constant 32 : i32
      %scan3A_286 = arith.addi %scan3A_284, %scan3A_285 : i32
      %scan3A_287 = arith.constant 1 : i32
      %scan3A_288 = scf.for %scan3A_382 = %scan3A_284 to %scan3A_286 step %scan3A_287 iter_args(%scan3A_383 = %broadcast_in_dim3A_5) -> (vector<16xf32>)  : i32 {
        %mul3A_384 = arith.constant 64 : i32
        %mul3A_385 = arith.muli %scan3A_382, %mul3A_384 : i32
        %add3A_386 = arith.constant 0 : i32
        %add3A_387 = arith.addi %mul3A_385, %add3A_386 : i32
        %get3A_388 = arith.constant 1 : i32
        %get3A_389 = arith.constant 1 : i32
        %get3A_390 = arith.index_cast %get3A_388 : i32 to index
        %get3A_391 = arith.index_cast %get3A_389 : i32 to index
        %get3A_392 = arith.index_cast %add3A_387 : i32 to index
        %get3A_393 = tpu.vector_load %arg8[%get3A_390, %get3A_391, %get3A_392] {strides = array<i32>} : memref<2x8x2048xf32, #tpu.memory_space<vmem>>, vector<1x1x16xf32>,
        %get3A_394 = vector.shape_cast %get3A_393 : vector<1x1x16xf32> to vector<16xf32>
        %add3A_395 = arith.constant 0 : i32
        %add3A_396 = arith.addi %mul3A_385, %add3A_395 : i32
        %get3A_397 = arith.constant 1 : i32
        %get3A_398 = arith.constant 1 : i32
        %get3A_399 = arith.index_cast %get3A_397 : i32 to index
        %get3A_400 = arith.index_cast %get3A_398 : i32 to index
        %get3A_401 = arith.index_cast %add3A_396 : i32 to index
        %get3A_402 = tpu.vector_load %arg9[%get3A_399, %get3A_400, %get3A_401] {strides = array<i32>} : memref<2x8x2048xf32, #tpu.memory_space<vmem>>, vector<1x1x16xf32>,
        %get3A_403 = vector.shape_cast %get3A_402 : vector<1x1x16xf32> to vector<16xf32>
        %sub3A = arith.subf %get3A_394, %get3A_403 : vector<16xf32>
        %mul3A_404 = arith.mulf %sub3A, %sub3A : vector<16xf32>
        %add3A_405 = arith.addf %scan3A_383, %mul3A_404 : vector<16xf32>
        %add3A_406 = arith.constant 16 : i32
        %add3A_407 = arith.addi %mul3A_385, %add3A_406 : i32
        %get3A_408 = arith.constant 1 : i32
        %get3A_409 = arith.constant 1 : i32
        %get3A_410 = arith.index_cast %get3A_408 : i32 to index
        %get3A_411 = arith.index_cast %get3A_409 : i32 to index
        %get3A_412 = arith.index_cast %add3A_407 : i32 to index
        %get3A_413 = tpu.vector_load %arg8[%get3A_410, %get3A_411, %get3A_412] {strides = array<i32>} : memref<2x8x2048xf32, #tpu.memory_space<vmem>>, vector<1x1x16xf32>,
        %get3A_414 = vector.shape_cast %get3A_413 : vector<1x1x16xf32> to vector<16xf32>
        %add3A_415 = arith.constant 16 : i32
        %add3A_416 = arith.addi %mul3A_385, %add3A_415 : i32
        %get3A_417 = arith.constant 1 : i32
        %get3A_418 = arith.constant 1 : i32
        %get3A_419 = arith.index_cast %get3A_417 : i32 to index
        %get3A_420 = arith.index_cast %get3A_418 : i32 to index
        %get3A_421 = arith.index_cast %add3A_416 : i32 to index
        %get3A_422 = tpu.vector_load %arg9[%get3A_419, %get3A_420, %get3A_421] {strides = array<i32>} : memref<2x8x2048xf32, #tpu.memory_space<vmem>>, vector<1x1x16xf32>,
        %get3A_423 = vector.shape_cast %get3A_422 : vector<1x1x16xf32> to vector<16xf32>
        %sub3A_424 = arith.subf %get3A_414, %get3A_423 : vector<16xf32>
        %mul3A_425 = arith.mulf %sub3A_424, %sub3A_424 : vector<16xf32>
        %add3A_426 = arith.addf %add3A_405, %mul3A_425 : vector<16xf32>
        %add3A_427 = arith.constant 32 : i32
        %add3A_428 = arith.addi %mul3A_385, %add3A_427 : i32
        %get3A_429 = arith.constant 1 : i32
        %get3A_430 = arith.constant 1 : i32
        %get3A_431 = arith.index_cast %get3A_429 : i32 to index
        %get3A_432 = arith.index_cast %get3A_430 : i32 to index
        %get3A_433 = arith.index_cast %add3A_428 : i32 to index
        %get3A_434 = tpu.vector_load %arg8[%get3A_431, %get3A_432, %get3A_433] {strides = array<i32>} : memref<2x8x2048xf32, #tpu.memory_space<vmem>>, vector<1x1x16xf32>,
        %get3A_435 = vector.shape_cast %get3A_434 : vector<1x1x16xf32> to vector<16xf32>
        %add3A_436 = arith.constant 32 : i32
        %add3A_437 = arith.addi %mul3A_385, %add3A_436 : i32
        %get3A_438 = arith.constant 1 : i32
        %get3A_439 = arith.constant 1 : i32
        %get3A_440 = arith.index_cast %get3A_438 : i32 to index
        %get3A_441 = arith.index_cast %get3A_439 : i32 to index
        %get3A_442 = arith.index_cast %add3A_437 : i32 to index
        %get3A_443 = tpu.vector_load %arg9[%get3A_440, %get3A_441, %get3A_442] {strides = array<i32>} : memref<2x8x2048xf32, #tpu.memory_space<vmem>>, vector<1x1x16xf32>,
        %get3A_444 = vector.shape_cast %get3A_443 : vector<1x1x16xf32> to vector<16xf32>
        %sub3A_445 = arith.subf %get3A_435, %get3A_444 : vector<16xf32>
        %mul3A_446 = arith.mulf %sub3A_445, %sub3A_445 : vector<16xf32>
        %add3A_447 = arith.addf %add3A_426, %mul3A_446 : vector<16xf32>
        %add3A_448 = arith.constant 48 : i32
        %add3A_449 = arith.addi %mul3A_385, %add3A_448 : i32
        %get3A_450 = arith.constant 1 : i32
        %get3A_451 = arith.constant 1 : i32
        %get3A_452 = arith.index_cast %get3A_450 : i32 to index
        %get3A_453 = arith.index_cast %get3A_451 : i32 to index
        %get3A_454 = arith.index_cast %add3A_449 : i32 to index
        %get3A_455 = tpu.vector_load %arg8[%get3A_452, %get3A_453, %get3A_454] {strides = array<i32>} : memref<2x8x2048xf32, #tpu.memory_space<vmem>>, vector<1x1x16xf32>,
        %get3A_456 = vector.shape_cast %get3A_455 : vector<1x1x16xf32> to vector<16xf32>
        %add3A_457 = arith.constant 48 : i32
        %add3A_458 = arith.addi %mul3A_385, %add3A_457 : i32
        %get3A_459 = arith.constant 1 : i32
        %get3A_460 = arith.constant 1 : i32
        %get3A_461 = arith.index_cast %get3A_459 : i32 to index
        %get3A_462 = arith.index_cast %get3A_460 : i32 to index
        %get3A_463 = arith.index_cast %add3A_458 : i32 to index
        %get3A_464 = tpu.vector_load %arg9[%get3A_461, %get3A_462, %get3A_463] {strides = array<i32>} : memref<2x8x2048xf32, #tpu.memory_space<vmem>>, vector<1x1x16xf32>,
        %get3A_465 = vector.shape_cast %get3A_464 : vector<1x1x16xf32> to vector<16xf32>
        %sub3A_466 = arith.subf %get3A_456, %get3A_465 : vector<16xf32>
        %mul3A_467 = arith.mulf %sub3A_466, %sub3A_466 : vector<16xf32>
        %add3A_468 = arith.addf %add3A_447, %mul3A_467 : vector<16xf32>
        scf.yield %add3A_468 : vector<16xf32>
      }
      %scan3A_289 = arith.constant 32 : i32
      %broadcast_in_dim3A_290 = arith.constant 1 : i32
      %broadcast_in_dim3A_291 = vector.broadcast %broadcast_in_dim3A_290 : i32 to vector<16xi32>
      %broadcast_in_dim3A_292 = vector.shape_cast %broadcast_in_dim3A_291 : vector<16xi32> to vector<16x1xi32>
      %gather3A_293 = vector.shape_cast %broadcast_in_dim3A_292 : vector<16x1xi32> to vector<16xi32>
      %gather3A_294 = tpu.dynamic_gather %select_n3A_266[%gather3A_293] in [0] : vector<16xf32>, vector<16xi32> -> vector<16xf32>
      %mul3A_295 = arith.mulf %scan3A_288, %gather3A_294 : vector<16xf32>
      %add3A_296 = arith.addf %add3A_283, %mul3A_295 : vector<16xf32>
      %scan3A_297 = arith.constant 0 : i32
      %scan3A_298 = arith.constant 32 : i32
      %scan3A_299 = arith.addi %scan3A_297, %scan3A_298 : i32
      %scan3A_300 = arith.constant 1 : i32
      %scan3A_301 = scf.for %scan3A_382 = %scan3A_297 to %scan3A_299 step %scan3A_300 iter_args(%scan3A_383 = %broadcast_in_dim3A_5) -> (vector<16xf32>)  : i32 {
        %mul3A_384 = arith.constant 64 : i32
        %mul3A_385 = arith.muli %scan3A_382, %mul3A_384 : i32
        %add3A_386 = arith.constant 0 : i32
        %add3A_387 = arith.addi %mul3A_385, %add3A_386 : i32
        %get3A_388 = arith.constant 1 : i32
        %get3A_389 = arith.constant 2 : i32
        %get3A_390 = arith.index_cast %get3A_388 : i32 to index
        %get3A_391 = arith.index_cast %get3A_389 : i32 to index
        %get3A_392 = arith.index_cast %add3A_387 : i32 to index
        %get3A_393 = tpu.vector_load %arg8[%get3A_390, %get3A_391, %get3A_392] {strides = array<i32>} : memref<2x8x2048xf32, #tpu.memory_space<vmem>>, vector<1x1x16xf32>,
        %get3A_394 = vector.shape_cast %get3A_393 : vector<1x1x16xf32> to vector<16xf32>
        %add3A_395 = arith.constant 0 : i32
        %add3A_396 = arith.addi %mul3A_385, %add3A_395 : i32
        %get3A_397 = arith.constant 1 : i32
        %get3A_398 = arith.constant 2 : i32
        %get3A_399 = arith.index_cast %get3A_397 : i32 to index
        %get3A_400 = arith.index_cast %get3A_398 : i32 to index
        %get3A_401 = arith.index_cast %add3A_396 : i32 to index
        %get3A_402 = tpu.vector_load %arg9[%get3A_399, %get3A_400, %get3A_401] {strides = array<i32>} : memref<2x8x2048xf32, #tpu.memory_space<vmem>>, vector<1x1x16xf32>,
        %get3A_403 = vector.shape_cast %get3A_402 : vector<1x1x16xf32> to vector<16xf32>
        %sub3A = arith.subf %get3A_394, %get3A_403 : vector<16xf32>
        %mul3A_404 = arith.mulf %sub3A, %sub3A : vector<16xf32>
        %add3A_405 = arith.addf %scan3A_383, %mul3A_404 : vector<16xf32>
        %add3A_406 = arith.constant 16 : i32
        %add3A_407 = arith.addi %mul3A_385, %add3A_406 : i32
        %get3A_408 = arith.constant 1 : i32
        %get3A_409 = arith.constant 2 : i32
        %get3A_410 = arith.index_cast %get3A_408 : i32 to index
        %get3A_411 = arith.index_cast %get3A_409 : i32 to index
        %get3A_412 = arith.index_cast %add3A_407 : i32 to index
        %get3A_413 = tpu.vector_load %arg8[%get3A_410, %get3A_411, %get3A_412] {strides = array<i32>} : memref<2x8x2048xf32, #tpu.memory_space<vmem>>, vector<1x1x16xf32>,
        %get3A_414 = vector.shape_cast %get3A_413 : vector<1x1x16xf32> to vector<16xf32>
        %add3A_415 = arith.constant 16 : i32
        %add3A_416 = arith.addi %mul3A_385, %add3A_415 : i32
        %get3A_417 = arith.constant 1 : i32
        %get3A_418 = arith.constant 2 : i32
        %get3A_419 = arith.index_cast %get3A_417 : i32 to index
        %get3A_420 = arith.index_cast %get3A_418 : i32 to index
        %get3A_421 = arith.index_cast %add3A_416 : i32 to index
        %get3A_422 = tpu.vector_load %arg9[%get3A_419, %get3A_420, %get3A_421] {strides = array<i32>} : memref<2x8x2048xf32, #tpu.memory_space<vmem>>, vector<1x1x16xf32>,
        %get3A_423 = vector.shape_cast %get3A_422 : vector<1x1x16xf32> to vector<16xf32>
        %sub3A_424 = arith.subf %get3A_414, %get3A_423 : vector<16xf32>
        %mul3A_425 = arith.mulf %sub3A_424, %sub3A_424 : vector<16xf32>
        %add3A_426 = arith.addf %add3A_405, %mul3A_425 : vector<16xf32>
        %add3A_427 = arith.constant 32 : i32
        %add3A_428 = arith.addi %mul3A_385, %add3A_427 : i32
        %get3A_429 = arith.constant 1 : i32
        %get3A_430 = arith.constant 2 : i32
        %get3A_431 = arith.index_cast %get3A_429 : i32 to index
        %get3A_432 = arith.index_cast %get3A_430 : i32 to index
        %get3A_433 = arith.index_cast %add3A_428 : i32 to index
        %get3A_434 = tpu.vector_load %arg8[%get3A_431, %get3A_432, %get3A_433] {strides = array<i32>} : memref<2x8x2048xf32, #tpu.memory_space<vmem>>, vector<1x1x16xf32>,
        %get3A_435 = vector.shape_cast %get3A_434 : vector<1x1x16xf32> to vector<16xf32>
        %add3A_436 = arith.constant 32 : i32
        %add3A_437 = arith.addi %mul3A_385, %add3A_436 : i32
        %get3A_438 = arith.constant 1 : i32
        %get3A_439 = arith.constant 2 : i32
        %get3A_440 = arith.index_cast %get3A_438 : i32 to index
        %get3A_441 = arith.index_cast %get3A_439 : i32 to index
        %get3A_442 = arith.index_cast %add3A_437 : i32 to index
        %get3A_443 = tpu.vector_load %arg9[%get3A_440, %get3A_441, %get3A_442] {strides = array<i32>} : memref<2x8x2048xf32, #tpu.memory_space<vmem>>, vector<1x1x16xf32>,
        %get3A_444 = vector.shape_cast %get3A_443 : vector<1x1x16xf32> to vector<16xf32>
        %sub3A_445 = arith.subf %get3A_435, %get3A_444 : vector<16xf32>
        %mul3A_446 = arith.mulf %sub3A_445, %sub3A_445 : vector<16xf32>
        %add3A_447 = arith.addf %add3A_426, %mul3A_446 : vector<16xf32>
        %add3A_448 = arith.constant 48 : i32
        %add3A_449 = arith.addi %mul3A_385, %add3A_448 : i32
        %get3A_450 = arith.constant 1 : i32
        %get3A_451 = arith.constant 2 : i32
        %get3A_452 = arith.index_cast %get3A_450 : i32 to index
        %get3A_453 = arith.index_cast %get3A_451 : i32 to index
        %get3A_454 = arith.index_cast %add3A_449 : i32 to index
        %get3A_455 = tpu.vector_load %arg8[%get3A_452, %get3A_453, %get3A_454] {strides = array<i32>} : memref<2x8x2048xf32, #tpu.memory_space<vmem>>, vector<1x1x16xf32>,
        %get3A_456 = vector.shape_cast %get3A_455 : vector<1x1x16xf32> to vector<16xf32>
        %add3A_457 = arith.constant 48 : i32
        %add3A_458 = arith.addi %mul3A_385, %add3A_457 : i32
        %get3A_459 = arith.constant 1 : i32
        %get3A_460 = arith.constant 2 : i32
        %get3A_461 = arith.index_cast %get3A_459 : i32 to index
        %get3A_462 = arith.index_cast %get3A_460 : i32 to index
        %get3A_463 = arith.index_cast %add3A_458 : i32 to index
        %get3A_464 = tpu.vector_load %arg9[%get3A_461, %get3A_462, %get3A_463] {strides = array<i32>} : memref<2x8x2048xf32, #tpu.memory_space<vmem>>, vector<1x1x16xf32>,
        %get3A_465 = vector.shape_cast %get3A_464 : vector<1x1x16xf32> to vector<16xf32>
        %sub3A_466 = arith.subf %get3A_456, %get3A_465 : vector<16xf32>
        %mul3A_467 = arith.mulf %sub3A_466, %sub3A_466 : vector<16xf32>
        %add3A_468 = arith.addf %add3A_447, %mul3A_467 : vector<16xf32>
        scf.yield %add3A_468 : vector<16xf32>
      }
      %scan3A_302 = arith.constant 32 : i32
      %broadcast_in_dim3A_303 = arith.constant 2 : i32
      %broadcast_in_dim3A_304 = vector.broadcast %broadcast_in_dim3A_303 : i32 to vector<16xi32>
      %broadcast_in_dim3A_305 = vector.shape_cast %broadcast_in_dim3A_304 : vector<16xi32> to vector<16x1xi32>
      %gather3A_306 = vector.shape_cast %broadcast_in_dim3A_305 : vector<16x1xi32> to vector<16xi32>
      %gather3A_307 = tpu.dynamic_gather %select_n3A_266[%gather3A_306] in [0] : vector<16xf32>, vector<16xi32> -> vector<16xf32>
      %mul3A_308 = arith.mulf %scan3A_301, %gather3A_307 : vector<16xf32>
      %add3A_309 = arith.addf %add3A_296, %mul3A_308 : vector<16xf32>
      %scan3A_310 = arith.constant 0 : i32
      %scan3A_311 = arith.constant 32 : i32
      %scan3A_312 = arith.addi %scan3A_310, %scan3A_311 : i32
      %scan3A_313 = arith.constant 1 : i32
      %scan3A_314 = scf.for %scan3A_382 = %scan3A_310 to %scan3A_312 step %scan3A_313 iter_args(%scan3A_383 = %broadcast_in_dim3A_5) -> (vector<16xf32>)  : i32 {
        %mul3A_384 = arith.constant 64 : i32
        %mul3A_385 = arith.muli %scan3A_382, %mul3A_384 : i32
        %add3A_386 = arith.constant 0 : i32
        %add3A_387 = arith.addi %mul3A_385, %add3A_386 : i32
        %get3A_388 = arith.constant 1 : i32
        %get3A_389 = arith.constant 3 : i32
        %get3A_390 = arith.index_cast %get3A_388 : i32 to index
        %get3A_391 = arith.index_cast %get3A_389 : i32 to index
        %get3A_392 = arith.index_cast %add3A_387 : i32 to index
        %get3A_393 = tpu.vector_load %arg8[%get3A_390, %get3A_391, %get3A_392] {strides = array<i32>} : memref<2x8x2048xf32, #tpu.memory_space<vmem>>, vector<1x1x16xf32>,
        %get3A_394 = vector.shape_cast %get3A_393 : vector<1x1x16xf32> to vector<16xf32>
        %add3A_395 = arith.constant 0 : i32
        %add3A_396 = arith.addi %mul3A_385, %add3A_395 : i32
        %get3A_397 = arith.constant 1 : i32
        %get3A_398 = arith.constant 3 : i32
        %get3A_399 = arith.index_cast %get3A_397 : i32 to index
        %get3A_400 = arith.index_cast %get3A_398 : i32 to index
        %get3A_401 = arith.index_cast %add3A_396 : i32 to index
        %get3A_402 = tpu.vector_load %arg9[%get3A_399, %get3A_400, %get3A_401] {strides = array<i32>} : memref<2x8x2048xf32, #tpu.memory_space<vmem>>, vector<1x1x16xf32>,
        %get3A_403 = vector.shape_cast %get3A_402 : vector<1x1x16xf32> to vector<16xf32>
        %sub3A = arith.subf %get3A_394, %get3A_403 : vector<16xf32>
        %mul3A_404 = arith.mulf %sub3A, %sub3A : vector<16xf32>
        %add3A_405 = arith.addf %scan3A_383, %mul3A_404 : vector<16xf32>
        %add3A_406 = arith.constant 16 : i32
        %add3A_407 = arith.addi %mul3A_385, %add3A_406 : i32
        %get3A_408 = arith.constant 1 : i32
        %get3A_409 = arith.constant 3 : i32
        %get3A_410 = arith.index_cast %get3A_408 : i32 to index
        %get3A_411 = arith.index_cast %get3A_409 : i32 to index
        %get3A_412 = arith.index_cast %add3A_407 : i32 to index
        %get3A_413 = tpu.vector_load %arg8[%get3A_410, %get3A_411, %get3A_412] {strides = array<i32>} : memref<2x8x2048xf32, #tpu.memory_space<vmem>>, vector<1x1x16xf32>,
        %get3A_414 = vector.shape_cast %get3A_413 : vector<1x1x16xf32> to vector<16xf32>
        %add3A_415 = arith.constant 16 : i32
        %add3A_416 = arith.addi %mul3A_385, %add3A_415 : i32
        %get3A_417 = arith.constant 1 : i32
        %get3A_418 = arith.constant 3 : i32
        %get3A_419 = arith.index_cast %get3A_417 : i32 to index
        %get3A_420 = arith.index_cast %get3A_418 : i32 to index
        %get3A_421 = arith.index_cast %add3A_416 : i32 to index
        %get3A_422 = tpu.vector_load %arg9[%get3A_419, %get3A_420, %get3A_421] {strides = array<i32>} : memref<2x8x2048xf32, #tpu.memory_space<vmem>>, vector<1x1x16xf32>,
        %get3A_423 = vector.shape_cast %get3A_422 : vector<1x1x16xf32> to vector<16xf32>
        %sub3A_424 = arith.subf %get3A_414, %get3A_423 : vector<16xf32>
        %mul3A_425 = arith.mulf %sub3A_424, %sub3A_424 : vector<16xf32>
        %add3A_426 = arith.addf %add3A_405, %mul3A_425 : vector<16xf32>
        %add3A_427 = arith.constant 32 : i32
        %add3A_428 = arith.addi %mul3A_385, %add3A_427 : i32
        %get3A_429 = arith.constant 1 : i32
        %get3A_430 = arith.constant 3 : i32
        %get3A_431 = arith.index_cast %get3A_429 : i32 to index
        %get3A_432 = arith.index_cast %get3A_430 : i32 to index
        %get3A_433 = arith.index_cast %add3A_428 : i32 to index
        %get3A_434 = tpu.vector_load %arg8[%get3A_431, %get3A_432, %get3A_433] {strides = array<i32>} : memref<2x8x2048xf32, #tpu.memory_space<vmem>>, vector<1x1x16xf32>,
        %get3A_435 = vector.shape_cast %get3A_434 : vector<1x1x16xf32> to vector<16xf32>
        %add3A_436 = arith.constant 32 : i32
        %add3A_437 = arith.addi %mul3A_385, %add3A_436 : i32
        %get3A_438 = arith.constant 1 : i32
        %get3A_439 = arith.constant 3 : i32
        %get3A_440 = arith.index_cast %get3A_438 : i32 to index
        %get3A_441 = arith.index_cast %get3A_439 : i32 to index
        %get3A_442 = arith.index_cast %add3A_437 : i32 to index
        %get3A_443 = tpu.vector_load %arg9[%get3A_440, %get3A_441, %get3A_442] {strides = array<i32>} : memref<2x8x2048xf32, #tpu.memory_space<vmem>>, vector<1x1x16xf32>,
        %get3A_444 = vector.shape_cast %get3A_443 : vector<1x1x16xf32> to vector<16xf32>
        %sub3A_445 = arith.subf %get3A_435, %get3A_444 : vector<16xf32>
        %mul3A_446 = arith.mulf %sub3A_445, %sub3A_445 : vector<16xf32>
        %add3A_447 = arith.addf %add3A_426, %mul3A_446 : vector<16xf32>
        %add3A_448 = arith.constant 48 : i32
        %add3A_449 = arith.addi %mul3A_385, %add3A_448 : i32
        %get3A_450 = arith.constant 1 : i32
        %get3A_451 = arith.constant 3 : i32
        %get3A_452 = arith.index_cast %get3A_450 : i32 to index
        %get3A_453 = arith.index_cast %get3A_451 : i32 to index
        %get3A_454 = arith.index_cast %add3A_449 : i32 to index
        %get3A_455 = tpu.vector_load %arg8[%get3A_452, %get3A_453, %get3A_454] {strides = array<i32>} : memref<2x8x2048xf32, #tpu.memory_space<vmem>>, vector<1x1x16xf32>,
        %get3A_456 = vector.shape_cast %get3A_455 : vector<1x1x16xf32> to vector<16xf32>
        %add3A_457 = arith.constant 48 : i32
        %add3A_458 = arith.addi %mul3A_385, %add3A_457 : i32
        %get3A_459 = arith.constant 1 : i32
        %get3A_460 = arith.constant 3 : i32
        %get3A_461 = arith.index_cast %get3A_459 : i32 to index
        %get3A_462 = arith.index_cast %get3A_460 : i32 to index
        %get3A_463 = arith.index_cast %add3A_458 : i32 to index
        %get3A_464 = tpu.vector_load %arg9[%get3A_461, %get3A_462, %get3A_463] {strides = array<i32>} : memref<2x8x2048xf32, #tpu.memory_space<vmem>>, vector<1x1x16xf32>,
        %get3A_465 = vector.shape_cast %get3A_464 : vector<1x1x16xf32> to vector<16xf32>
        %sub3A_466 = arith.subf %get3A_456, %get3A_465 : vector<16xf32>
        %mul3A_467 = arith.mulf %sub3A_466, %sub3A_466 : vector<16xf32>
        %add3A_468 = arith.addf %add3A_447, %mul3A_467 : vector<16xf32>
        scf.yield %add3A_468 : vector<16xf32>
      }
      %scan3A_315 = arith.constant 32 : i32
      %broadcast_in_dim3A_316 = arith.constant 3 : i32
      %broadcast_in_dim3A_317 = vector.broadcast %broadcast_in_dim3A_316 : i32 to vector<16xi32>
      %broadcast_in_dim3A_318 = vector.shape_cast %broadcast_in_dim3A_317 : vector<16xi32> to vector<16x1xi32>
      %gather3A_319 = vector.shape_cast %broadcast_in_dim3A_318 : vector<16x1xi32> to vector<16xi32>
      %gather3A_320 = tpu.dynamic_gather %select_n3A_266[%gather3A_319] in [0] : vector<16xf32>, vector<16xi32> -> vector<16xf32>
      %mul3A_321 = arith.mulf %scan3A_314, %gather3A_320 : vector<16xf32>
      %add3A_322 = arith.addf %add3A_309, %mul3A_321 : vector<16xf32>
      %scan3A_323 = arith.constant 0 : i32
      %scan3A_324 = arith.constant 32 : i32
      %scan3A_325 = arith.addi %scan3A_323, %scan3A_324 : i32
      %scan3A_326 = arith.constant 1 : i32
      %scan3A_327 = scf.for %scan3A_382 = %scan3A_323 to %scan3A_325 step %scan3A_326 iter_args(%scan3A_383 = %broadcast_in_dim3A_5) -> (vector<16xf32>)  : i32 {
        %mul3A_384 = arith.constant 64 : i32
        %mul3A_385 = arith.muli %scan3A_382, %mul3A_384 : i32
        %add3A_386 = arith.constant 0 : i32
        %add3A_387 = arith.addi %mul3A_385, %add3A_386 : i32
        %get3A_388 = arith.constant 1 : i32
        %get3A_389 = arith.constant 4 : i32
        %get3A_390 = arith.index_cast %get3A_388 : i32 to index
        %get3A_391 = arith.index_cast %get3A_389 : i32 to index
        %get3A_392 = arith.index_cast %add3A_387 : i32 to index
        %get3A_393 = tpu.vector_load %arg8[%get3A_390, %get3A_391, %get3A_392] {strides = array<i32>} : memref<2x8x2048xf32, #tpu.memory_space<vmem>>, vector<1x1x16xf32>,
        %get3A_394 = vector.shape_cast %get3A_393 : vector<1x1x16xf32> to vector<16xf32>
        %add3A_395 = arith.constant 0 : i32
        %add3A_396 = arith.addi %mul3A_385, %add3A_395 : i32
        %get3A_397 = arith.constant 1 : i32
        %get3A_398 = arith.constant 4 : i32
        %get3A_399 = arith.index_cast %get3A_397 : i32 to index
        %get3A_400 = arith.index_cast %get3A_398 : i32 to index
        %get3A_401 = arith.index_cast %add3A_396 : i32 to index
        %get3A_402 = tpu.vector_load %arg9[%get3A_399, %get3A_400, %get3A_401] {strides = array<i32>} : memref<2x8x2048xf32, #tpu.memory_space<vmem>>, vector<1x1x16xf32>,
        %get3A_403 = vector.shape_cast %get3A_402 : vector<1x1x16xf32> to vector<16xf32>
        %sub3A = arith.subf %get3A_394, %get3A_403 : vector<16xf32>
        %mul3A_404 = arith.mulf %sub3A, %sub3A : vector<16xf32>
        %add3A_405 = arith.addf %scan3A_383, %mul3A_404 : vector<16xf32>
        %add3A_406 = arith.constant 16 : i32
        %add3A_407 = arith.addi %mul3A_385, %add3A_406 : i32
        %get3A_408 = arith.constant 1 : i32
        %get3A_409 = arith.constant 4 : i32
        %get3A_410 = arith.index_cast %get3A_408 : i32 to index
        %get3A_411 = arith.index_cast %get3A_409 : i32 to index
        %get3A_412 = arith.index_cast %add3A_407 : i32 to index
        %get3A_413 = tpu.vector_load %arg8[%get3A_410, %get3A_411, %get3A_412] {strides = array<i32>} : memref<2x8x2048xf32, #tpu.memory_space<vmem>>, vector<1x1x16xf32>,
        %get3A_414 = vector.shape_cast %get3A_413 : vector<1x1x16xf32> to vector<16xf32>
        %add3A_415 = arith.constant 16 : i32
        %add3A_416 = arith.addi %mul3A_385, %add3A_415 : i32
        %get3A_417 = arith.constant 1 : i32
        %get3A_418 = arith.constant 4 : i32
        %get3A_419 = arith.index_cast %get3A_417 : i32 to index
        %get3A_420 = arith.index_cast %get3A_418 : i32 to index
        %get3A_421 = arith.index_cast %add3A_416 : i32 to index
        %get3A_422 = tpu.vector_load %arg9[%get3A_419, %get3A_420, %get3A_421] {strides = array<i32>} : memref<2x8x2048xf32, #tpu.memory_space<vmem>>, vector<1x1x16xf32>,
        %get3A_423 = vector.shape_cast %get3A_422 : vector<1x1x16xf32> to vector<16xf32>
        %sub3A_424 = arith.subf %get3A_414, %get3A_423 : vector<16xf32>
        %mul3A_425 = arith.mulf %sub3A_424, %sub3A_424 : vector<16xf32>
        %add3A_426 = arith.addf %add3A_405, %mul3A_425 : vector<16xf32>
        %add3A_427 = arith.constant 32 : i32
        %add3A_428 = arith.addi %mul3A_385, %add3A_427 : i32
        %get3A_429 = arith.constant 1 : i32
        %get3A_430 = arith.constant 4 : i32
        %get3A_431 = arith.index_cast %get3A_429 : i32 to index
        %get3A_432 = arith.index_cast %get3A_430 : i32 to index
        %get3A_433 = arith.index_cast %add3A_428 : i32 to index
        %get3A_434 = tpu.vector_load %arg8[%get3A_431, %get3A_432, %get3A_433] {strides = array<i32>} : memref<2x8x2048xf32, #tpu.memory_space<vmem>>, vector<1x1x16xf32>,
        %get3A_435 = vector.shape_cast %get3A_434 : vector<1x1x16xf32> to vector<16xf32>
        %add3A_436 = arith.constant 32 : i32
        %add3A_437 = arith.addi %mul3A_385, %add3A_436 : i32
        %get3A_438 = arith.constant 1 : i32
        %get3A_439 = arith.constant 4 : i32
        %get3A_440 = arith.index_cast %get3A_438 : i32 to index
        %get3A_441 = arith.index_cast %get3A_439 : i32 to index
        %get3A_442 = arith.index_cast %add3A_437 : i32 to index
        %get3A_443 = tpu.vector_load %arg9[%get3A_440, %get3A_441, %get3A_442] {strides = array<i32>} : memref<2x8x2048xf32, #tpu.memory_space<vmem>>, vector<1x1x16xf32>,
        %get3A_444 = vector.shape_cast %get3A_443 : vector<1x1x16xf32> to vector<16xf32>
        %sub3A_445 = arith.subf %get3A_435, %get3A_444 : vector<16xf32>
        %mul3A_446 = arith.mulf %sub3A_445, %sub3A_445 : vector<16xf32>
        %add3A_447 = arith.addf %add3A_426, %mul3A_446 : vector<16xf32>
        %add3A_448 = arith.constant 48 : i32
        %add3A_449 = arith.addi %mul3A_385, %add3A_448 : i32
        %get3A_450 = arith.constant 1 : i32
        %get3A_451 = arith.constant 4 : i32
        %get3A_452 = arith.index_cast %get3A_450 : i32 to index
        %get3A_453 = arith.index_cast %get3A_451 : i32 to index
        %get3A_454 = arith.index_cast %add3A_449 : i32 to index
        %get3A_455 = tpu.vector_load %arg8[%get3A_452, %get3A_453, %get3A_454] {strides = array<i32>} : memref<2x8x2048xf32, #tpu.memory_space<vmem>>, vector<1x1x16xf32>,
        %get3A_456 = vector.shape_cast %get3A_455 : vector<1x1x16xf32> to vector<16xf32>
        %add3A_457 = arith.constant 48 : i32
        %add3A_458 = arith.addi %mul3A_385, %add3A_457 : i32
        %get3A_459 = arith.constant 1 : i32
        %get3A_460 = arith.constant 4 : i32
        %get3A_461 = arith.index_cast %get3A_459 : i32 to index
        %get3A_462 = arith.index_cast %get3A_460 : i32 to index
        %get3A_463 = arith.index_cast %add3A_458 : i32 to index
        %get3A_464 = tpu.vector_load %arg9[%get3A_461, %get3A_462, %get3A_463] {strides = array<i32>} : memref<2x8x2048xf32, #tpu.memory_space<vmem>>, vector<1x1x16xf32>,
        %get3A_465 = vector.shape_cast %get3A_464 : vector<1x1x16xf32> to vector<16xf32>
        %sub3A_466 = arith.subf %get3A_456, %get3A_465 : vector<16xf32>
        %mul3A_467 = arith.mulf %sub3A_466, %sub3A_466 : vector<16xf32>
        %add3A_468 = arith.addf %add3A_447, %mul3A_467 : vector<16xf32>
        scf.yield %add3A_468 : vector<16xf32>
      }
      %scan3A_328 = arith.constant 32 : i32
      %broadcast_in_dim3A_329 = arith.constant 4 : i32
      %broadcast_in_dim3A_330 = vector.broadcast %broadcast_in_dim3A_329 : i32 to vector<16xi32>
      %broadcast_in_dim3A_331 = vector.shape_cast %broadcast_in_dim3A_330 : vector<16xi32> to vector<16x1xi32>
      %gather3A_332 = vector.shape_cast %broadcast_in_dim3A_331 : vector<16x1xi32> to vector<16xi32>
      %gather3A_333 = tpu.dynamic_gather %select_n3A_266[%gather3A_332] in [0] : vector<16xf32>, vector<16xi32> -> vector<16xf32>
      %mul3A_334 = arith.mulf %scan3A_327, %gather3A_333 : vector<16xf32>
      %add3A_335 = arith.addf %add3A_322, %mul3A_334 : vector<16xf32>
      %scan3A_336 = arith.constant 0 : i32
      %scan3A_337 = arith.constant 32 : i32
      %scan3A_338 = arith.addi %scan3A_336, %scan3A_337 : i32
      %scan3A_339 = arith.constant 1 : i32
      %scan3A_340 = scf.for %scan3A_382 = %scan3A_336 to %scan3A_338 step %scan3A_339 iter_args(%scan3A_383 = %broadcast_in_dim3A_5) -> (vector<16xf32>)  : i32 {
        %mul3A_384 = arith.constant 64 : i32
        %mul3A_385 = arith.muli %scan3A_382, %mul3A_384 : i32
        %add3A_386 = arith.constant 0 : i32
        %add3A_387 = arith.addi %mul3A_385, %add3A_386 : i32
        %get3A_388 = arith.constant 1 : i32
        %get3A_389 = arith.constant 5 : i32
        %get3A_390 = arith.index_cast %get3A_388 : i32 to index
        %get3A_391 = arith.index_cast %get3A_389 : i32 to index
        %get3A_392 = arith.index_cast %add3A_387 : i32 to index
        %get3A_393 = tpu.vector_load %arg8[%get3A_390, %get3A_391, %get3A_392] {strides = array<i32>} : memref<2x8x2048xf32, #tpu.memory_space<vmem>>, vector<1x1x16xf32>,
        %get3A_394 = vector.shape_cast %get3A_393 : vector<1x1x16xf32> to vector<16xf32>
        %add3A_395 = arith.constant 0 : i32
        %add3A_396 = arith.addi %mul3A_385, %add3A_395 : i32
        %get3A_397 = arith.constant 1 : i32
        %get3A_398 = arith.constant 5 : i32
        %get3A_399 = arith.index_cast %get3A_397 : i32 to index
        %get3A_400 = arith.index_cast %get3A_398 : i32 to index
        %get3A_401 = arith.index_cast %add3A_396 : i32 to index
        %get3A_402 = tpu.vector_load %arg9[%get3A_399, %get3A_400, %get3A_401] {strides = array<i32>} : memref<2x8x2048xf32, #tpu.memory_space<vmem>>, vector<1x1x16xf32>,
        %get3A_403 = vector.shape_cast %get3A_402 : vector<1x1x16xf32> to vector<16xf32>
        %sub3A = arith.subf %get3A_394, %get3A_403 : vector<16xf32>
        %mul3A_404 = arith.mulf %sub3A, %sub3A : vector<16xf32>
        %add3A_405 = arith.addf %scan3A_383, %mul3A_404 : vector<16xf32>
        %add3A_406 = arith.constant 16 : i32
        %add3A_407 = arith.addi %mul3A_385, %add3A_406 : i32
        %get3A_408 = arith.constant 1 : i32
        %get3A_409 = arith.constant 5 : i32
        %get3A_410 = arith.index_cast %get3A_408 : i32 to index
        %get3A_411 = arith.index_cast %get3A_409 : i32 to index
        %get3A_412 = arith.index_cast %add3A_407 : i32 to index
        %get3A_413 = tpu.vector_load %arg8[%get3A_410, %get3A_411, %get3A_412] {strides = array<i32>} : memref<2x8x2048xf32, #tpu.memory_space<vmem>>, vector<1x1x16xf32>,
        %get3A_414 = vector.shape_cast %get3A_413 : vector<1x1x16xf32> to vector<16xf32>
        %add3A_415 = arith.constant 16 : i32
        %add3A_416 = arith.addi %mul3A_385, %add3A_415 : i32
        %get3A_417 = arith.constant 1 : i32
        %get3A_418 = arith.constant 5 : i32
        %get3A_419 = arith.index_cast %get3A_417 : i32 to index
        %get3A_420 = arith.index_cast %get3A_418 : i32 to index
        %get3A_421 = arith.index_cast %add3A_416 : i32 to index
        %get3A_422 = tpu.vector_load %arg9[%get3A_419, %get3A_420, %get3A_421] {strides = array<i32>} : memref<2x8x2048xf32, #tpu.memory_space<vmem>>, vector<1x1x16xf32>,
        %get3A_423 = vector.shape_cast %get3A_422 : vector<1x1x16xf32> to vector<16xf32>
        %sub3A_424 = arith.subf %get3A_414, %get3A_423 : vector<16xf32>
        %mul3A_425 = arith.mulf %sub3A_424, %sub3A_424 : vector<16xf32>
        %add3A_426 = arith.addf %add3A_405, %mul3A_425 : vector<16xf32>
        %add3A_427 = arith.constant 32 : i32
        %add3A_428 = arith.addi %mul3A_385, %add3A_427 : i32
        %get3A_429 = arith.constant 1 : i32
        %get3A_430 = arith.constant 5 : i32
        %get3A_431 = arith.index_cast %get3A_429 : i32 to index
        %get3A_432 = arith.index_cast %get3A_430 : i32 to index
        %get3A_433 = arith.index_cast %add3A_428 : i32 to index
        %get3A_434 = tpu.vector_load %arg8[%get3A_431, %get3A_432, %get3A_433] {strides = array<i32>} : memref<2x8x2048xf32, #tpu.memory_space<vmem>>, vector<1x1x16xf32>,
        %get3A_435 = vector.shape_cast %get3A_434 : vector<1x1x16xf32> to vector<16xf32>
        %add3A_436 = arith.constant 32 : i32
        %add3A_437 = arith.addi %mul3A_385, %add3A_436 : i32
        %get3A_438 = arith.constant 1 : i32
        %get3A_439 = arith.constant 5 : i32
        %get3A_440 = arith.index_cast %get3A_438 : i32 to index
        %get3A_441 = arith.index_cast %get3A_439 : i32 to index
        %get3A_442 = arith.index_cast %add3A_437 : i32 to index
        %get3A_443 = tpu.vector_load %arg9[%get3A_440, %get3A_441, %get3A_442] {strides = array<i32>} : memref<2x8x2048xf32, #tpu.memory_space<vmem>>, vector<1x1x16xf32>,
        %get3A_444 = vector.shape_cast %get3A_443 : vector<1x1x16xf32> to vector<16xf32>
        %sub3A_445 = arith.subf %get3A_435, %get3A_444 : vector<16xf32>
        %mul3A_446 = arith.mulf %sub3A_445, %sub3A_445 : vector<16xf32>
        %add3A_447 = arith.addf %add3A_426, %mul3A_446 : vector<16xf32>
        %add3A_448 = arith.constant 48 : i32
        %add3A_449 = arith.addi %mul3A_385, %add3A_448 : i32
        %get3A_450 = arith.constant 1 : i32
        %get3A_451 = arith.constant 5 : i32
        %get3A_452 = arith.index_cast %get3A_450 : i32 to index
        %get3A_453 = arith.index_cast %get3A_451 : i32 to index
        %get3A_454 = arith.index_cast %add3A_449 : i32 to index
        %get3A_455 = tpu.vector_load %arg8[%get3A_452, %get3A_453, %get3A_454] {strides = array<i32>} : memref<2x8x2048xf32, #tpu.memory_space<vmem>>, vector<1x1x16xf32>,
        %get3A_456 = vector.shape_cast %get3A_455 : vector<1x1x16xf32> to vector<16xf32>
        %add3A_457 = arith.constant 48 : i32
        %add3A_458 = arith.addi %mul3A_385, %add3A_457 : i32
        %get3A_459 = arith.constant 1 : i32
        %get3A_460 = arith.constant 5 : i32
        %get3A_461 = arith.index_cast %get3A_459 : i32 to index
        %get3A_462 = arith.index_cast %get3A_460 : i32 to index
        %get3A_463 = arith.index_cast %add3A_458 : i32 to index
        %get3A_464 = tpu.vector_load %arg9[%get3A_461, %get3A_462, %get3A_463] {strides = array<i32>} : memref<2x8x2048xf32, #tpu.memory_space<vmem>>, vector<1x1x16xf32>,
        %get3A_465 = vector.shape_cast %get3A_464 : vector<1x1x16xf32> to vector<16xf32>
        %sub3A_466 = arith.subf %get3A_456, %get3A_465 : vector<16xf32>
        %mul3A_467 = arith.mulf %sub3A_466, %sub3A_466 : vector<16xf32>
        %add3A_468 = arith.addf %add3A_447, %mul3A_467 : vector<16xf32>
        scf.yield %add3A_468 : vector<16xf32>
      }
      %scan3A_341 = arith.constant 32 : i32
      %broadcast_in_dim3A_342 = arith.constant 5 : i32
      %broadcast_in_dim3A_343 = vector.broadcast %broadcast_in_dim3A_342 : i32 to vector<16xi32>
      %broadcast_in_dim3A_344 = vector.shape_cast %broadcast_in_dim3A_343 : vector<16xi32> to vector<16x1xi32>
      %gather3A_345 = vector.shape_cast %broadcast_in_dim3A_344 : vector<16x1xi32> to vector<16xi32>
      %gather3A_346 = tpu.dynamic_gather %select_n3A_266[%gather3A_345] in [0] : vector<16xf32>, vector<16xi32> -> vector<16xf32>
      %mul3A_347 = arith.mulf %scan3A_340, %gather3A_346 : vector<16xf32>
      %add3A_348 = arith.addf %add3A_335, %mul3A_347 : vector<16xf32>
      %scan3A_349 = arith.constant 0 : i32
      %scan3A_350 = arith.constant 32 : i32
      %scan3A_351 = arith.addi %scan3A_349, %scan3A_350 : i32
      %scan3A_352 = arith.constant 1 : i32
      %scan3A_353 = scf.for %scan3A_382 = %scan3A_349 to %scan3A_351 step %scan3A_352 iter_args(%scan3A_383 = %broadcast_in_dim3A_5) -> (vector<16xf32>)  : i32 {
        %mul3A_384 = arith.constant 64 : i32
        %mul3A_385 = arith.muli %scan3A_382, %mul3A_384 : i32
        %add3A_386 = arith.constant 0 : i32
        %add3A_387 = arith.addi %mul3A_385, %add3A_386 : i32
        %get3A_388 = arith.constant 1 : i32
        %get3A_389 = arith.constant 6 : i32
        %get3A_390 = arith.index_cast %get3A_388 : i32 to index
        %get3A_391 = arith.index_cast %get3A_389 : i32 to index
        %get3A_392 = arith.index_cast %add3A_387 : i32 to index
        %get3A_393 = tpu.vector_load %arg8[%get3A_390, %get3A_391, %get3A_392] {strides = array<i32>} : memref<2x8x2048xf32, #tpu.memory_space<vmem>>, vector<1x1x16xf32>,
        %get3A_394 = vector.shape_cast %get3A_393 : vector<1x1x16xf32> to vector<16xf32>
        %add3A_395 = arith.constant 0 : i32
        %add3A_396 = arith.addi %mul3A_385, %add3A_395 : i32
        %get3A_397 = arith.constant 1 : i32
        %get3A_398 = arith.constant 6 : i32
        %get3A_399 = arith.index_cast %get3A_397 : i32 to index
        %get3A_400 = arith.index_cast %get3A_398 : i32 to index
        %get3A_401 = arith.index_cast %add3A_396 : i32 to index
        %get3A_402 = tpu.vector_load %arg9[%get3A_399, %get3A_400, %get3A_401] {strides = array<i32>} : memref<2x8x2048xf32, #tpu.memory_space<vmem>>, vector<1x1x16xf32>,
        %get3A_403 = vector.shape_cast %get3A_402 : vector<1x1x16xf32> to vector<16xf32>
        %sub3A = arith.subf %get3A_394, %get3A_403 : vector<16xf32>
        %mul3A_404 = arith.mulf %sub3A, %sub3A : vector<16xf32>
        %add3A_405 = arith.addf %scan3A_383, %mul3A_404 : vector<16xf32>
        %add3A_406 = arith.constant 16 : i32
        %add3A_407 = arith.addi %mul3A_385, %add3A_406 : i32
        %get3A_408 = arith.constant 1 : i32
        %get3A_409 = arith.constant 6 : i32
        %get3A_410 = arith.index_cast %get3A_408 : i32 to index
        %get3A_411 = arith.index_cast %get3A_409 : i32 to index
        %get3A_412 = arith.index_cast %add3A_407 : i32 to index
        %get3A_413 = tpu.vector_load %arg8[%get3A_410, %get3A_411, %get3A_412] {strides = array<i32>} : memref<2x8x2048xf32, #tpu.memory_space<vmem>>, vector<1x1x16xf32>,
        %get3A_414 = vector.shape_cast %get3A_413 : vector<1x1x16xf32> to vector<16xf32>
        %add3A_415 = arith.constant 16 : i32
        %add3A_416 = arith.addi %mul3A_385, %add3A_415 : i32
        %get3A_417 = arith.constant 1 : i32
        %get3A_418 = arith.constant 6 : i32
        %get3A_419 = arith.index_cast %get3A_417 : i32 to index
        %get3A_420 = arith.index_cast %get3A_418 : i32 to index
        %get3A_421 = arith.index_cast %add3A_416 : i32 to index
        %get3A_422 = tpu.vector_load %arg9[%get3A_419, %get3A_420, %get3A_421] {strides = array<i32>} : memref<2x8x2048xf32, #tpu.memory_space<vmem>>, vector<1x1x16xf32>,
        %get3A_423 = vector.shape_cast %get3A_422 : vector<1x1x16xf32> to vector<16xf32>
        %sub3A_424 = arith.subf %get3A_414, %get3A_423 : vector<16xf32>
        %mul3A_425 = arith.mulf %sub3A_424, %sub3A_424 : vector<16xf32>
        %add3A_426 = arith.addf %add3A_405, %mul3A_425 : vector<16xf32>
        %add3A_427 = arith.constant 32 : i32
        %add3A_428 = arith.addi %mul3A_385, %add3A_427 : i32
        %get3A_429 = arith.constant 1 : i32
        %get3A_430 = arith.constant 6 : i32
        %get3A_431 = arith.index_cast %get3A_429 : i32 to index
        %get3A_432 = arith.index_cast %get3A_430 : i32 to index
        %get3A_433 = arith.index_cast %add3A_428 : i32 to index
        %get3A_434 = tpu.vector_load %arg8[%get3A_431, %get3A_432, %get3A_433] {strides = array<i32>} : memref<2x8x2048xf32, #tpu.memory_space<vmem>>, vector<1x1x16xf32>,
        %get3A_435 = vector.shape_cast %get3A_434 : vector<1x1x16xf32> to vector<16xf32>
        %add3A_436 = arith.constant 32 : i32
        %add3A_437 = arith.addi %mul3A_385, %add3A_436 : i32
        %get3A_438 = arith.constant 1 : i32
        %get3A_439 = arith.constant 6 : i32
        %get3A_440 = arith.index_cast %get3A_438 : i32 to index
        %get3A_441 = arith.index_cast %get3A_439 : i32 to index
        %get3A_442 = arith.index_cast %add3A_437 : i32 to index
        %get3A_443 = tpu.vector_load %arg9[%get3A_440, %get3A_441, %get3A_442] {strides = array<i32>} : memref<2x8x2048xf32, #tpu.memory_space<vmem>>, vector<1x1x16xf32>,
        %get3A_444 = vector.shape_cast %get3A_443 : vector<1x1x16xf32> to vector<16xf32>
        %sub3A_445 = arith.subf %get3A_435, %get3A_444 : vector<16xf32>
        %mul3A_446 = arith.mulf %sub3A_445, %sub3A_445 : vector<16xf32>
        %add3A_447 = arith.addf %add3A_426, %mul3A_446 : vector<16xf32>
        %add3A_448 = arith.constant 48 : i32
        %add3A_449 = arith.addi %mul3A_385, %add3A_448 : i32
        %get3A_450 = arith.constant 1 : i32
        %get3A_451 = arith.constant 6 : i32
        %get3A_452 = arith.index_cast %get3A_450 : i32 to index
        %get3A_453 = arith.index_cast %get3A_451 : i32 to index
        %get3A_454 = arith.index_cast %add3A_449 : i32 to index
        %get3A_455 = tpu.vector_load %arg8[%get3A_452, %get3A_453, %get3A_454] {strides = array<i32>} : memref<2x8x2048xf32, #tpu.memory_space<vmem>>, vector<1x1x16xf32>,
        %get3A_456 = vector.shape_cast %get3A_455 : vector<1x1x16xf32> to vector<16xf32>
        %add3A_457 = arith.constant 48 : i32
        %add3A_458 = arith.addi %mul3A_385, %add3A_457 : i32
        %get3A_459 = arith.constant 1 : i32
        %get3A_460 = arith.constant 6 : i32
        %get3A_461 = arith.index_cast %get3A_459 : i32 to index
        %get3A_462 = arith.index_cast %get3A_460 : i32 to index
        %get3A_463 = arith.index_cast %add3A_458 : i32 to index
        %get3A_464 = tpu.vector_load %arg9[%get3A_461, %get3A_462, %get3A_463] {strides = array<i32>} : memref<2x8x2048xf32, #tpu.memory_space<vmem>>, vector<1x1x16xf32>,
        %get3A_465 = vector.shape_cast %get3A_464 : vector<1x1x16xf32> to vector<16xf32>
        %sub3A_466 = arith.subf %get3A_456, %get3A_465 : vector<16xf32>
        %mul3A_467 = arith.mulf %sub3A_466, %sub3A_466 : vector<16xf32>
        %add3A_468 = arith.addf %add3A_447, %mul3A_467 : vector<16xf32>
        scf.yield %add3A_468 : vector<16xf32>
      }
      %scan3A_354 = arith.constant 32 : i32
      %broadcast_in_dim3A_355 = arith.constant 6 : i32
      %broadcast_in_dim3A_356 = vector.broadcast %broadcast_in_dim3A_355 : i32 to vector<16xi32>
      %broadcast_in_dim3A_357 = vector.shape_cast %broadcast_in_dim3A_356 : vector<16xi32> to vector<16x1xi32>
      %gather3A_358 = vector.shape_cast %broadcast_in_dim3A_357 : vector<16x1xi32> to vector<16xi32>
      %gather3A_359 = tpu.dynamic_gather %select_n3A_266[%gather3A_358] in [0] : vector<16xf32>, vector<16xi32> -> vector<16xf32>
      %mul3A_360 = arith.mulf %scan3A_353, %gather3A_359 : vector<16xf32>
      %add3A_361 = arith.addf %add3A_348, %mul3A_360 : vector<16xf32>
      %scan3A_362 = arith.constant 0 : i32
      %scan3A_363 = arith.constant 32 : i32
      %scan3A_364 = arith.addi %scan3A_362, %scan3A_363 : i32
      %scan3A_365 = arith.constant 1 : i32
      %scan3A_366 = scf.for %scan3A_382 = %scan3A_362 to %scan3A_364 step %scan3A_365 iter_args(%scan3A_383 = %broadcast_in_dim3A_5) -> (vector<16xf32>)  : i32 {
        %mul3A_384 = arith.constant 64 : i32
        %mul3A_385 = arith.muli %scan3A_382, %mul3A_384 : i32
        %add3A_386 = arith.constant 0 : i32
        %add3A_387 = arith.addi %mul3A_385, %add3A_386 : i32
        %get3A_388 = arith.constant 1 : i32
        %get3A_389 = arith.constant 7 : i32
        %get3A_390 = arith.index_cast %get3A_388 : i32 to index
        %get3A_391 = arith.index_cast %get3A_389 : i32 to index
        %get3A_392 = arith.index_cast %add3A_387 : i32 to index
        %get3A_393 = tpu.vector_load %arg8[%get3A_390, %get3A_391, %get3A_392] {strides = array<i32>} : memref<2x8x2048xf32, #tpu.memory_space<vmem>>, vector<1x1x16xf32>,
        %get3A_394 = vector.shape_cast %get3A_393 : vector<1x1x16xf32> to vector<16xf32>
        %add3A_395 = arith.constant 0 : i32
        %add3A_396 = arith.addi %mul3A_385, %add3A_395 : i32
        %get3A_397 = arith.constant 1 : i32
        %get3A_398 = arith.constant 7 : i32
        %get3A_399 = arith.index_cast %get3A_397 : i32 to index
        %get3A_400 = arith.index_cast %get3A_398 : i32 to index
        %get3A_401 = arith.index_cast %add3A_396 : i32 to index
        %get3A_402 = tpu.vector_load %arg9[%get3A_399, %get3A_400, %get3A_401] {strides = array<i32>} : memref<2x8x2048xf32, #tpu.memory_space<vmem>>, vector<1x1x16xf32>,
        %get3A_403 = vector.shape_cast %get3A_402 : vector<1x1x16xf32> to vector<16xf32>
        %sub3A = arith.subf %get3A_394, %get3A_403 : vector<16xf32>
        %mul3A_404 = arith.mulf %sub3A, %sub3A : vector<16xf32>
        %add3A_405 = arith.addf %scan3A_383, %mul3A_404 : vector<16xf32>
        %add3A_406 = arith.constant 16 : i32
        %add3A_407 = arith.addi %mul3A_385, %add3A_406 : i32
        %get3A_408 = arith.constant 1 : i32
        %get3A_409 = arith.constant 7 : i32
        %get3A_410 = arith.index_cast %get3A_408 : i32 to index
        %get3A_411 = arith.index_cast %get3A_409 : i32 to index
        %get3A_412 = arith.index_cast %add3A_407 : i32 to index
        %get3A_413 = tpu.vector_load %arg8[%get3A_410, %get3A_411, %get3A_412] {strides = array<i32>} : memref<2x8x2048xf32, #tpu.memory_space<vmem>>, vector<1x1x16xf32>,
        %get3A_414 = vector.shape_cast %get3A_413 : vector<1x1x16xf32> to vector<16xf32>
        %add3A_415 = arith.constant 16 : i32
        %add3A_416 = arith.addi %mul3A_385, %add3A_415 : i32
        %get3A_417 = arith.constant 1 : i32
        %get3A_418 = arith.constant 7 : i32
        %get3A_419 = arith.index_cast %get3A_417 : i32 to index
        %get3A_420 = arith.index_cast %get3A_418 : i32 to index
        %get3A_421 = arith.index_cast %add3A_416 : i32 to index
        %get3A_422 = tpu.vector_load %arg9[%get3A_419, %get3A_420, %get3A_421] {strides = array<i32>} : memref<2x8x2048xf32, #tpu.memory_space<vmem>>, vector<1x1x16xf32>,
        %get3A_423 = vector.shape_cast %get3A_422 : vector<1x1x16xf32> to vector<16xf32>
        %sub3A_424 = arith.subf %get3A_414, %get3A_423 : vector<16xf32>
        %mul3A_425 = arith.mulf %sub3A_424, %sub3A_424 : vector<16xf32>
        %add3A_426 = arith.addf %add3A_405, %mul3A_425 : vector<16xf32>
        %add3A_427 = arith.constant 32 : i32
        %add3A_428 = arith.addi %mul3A_385, %add3A_427 : i32
        %get3A_429 = arith.constant 1 : i32
        %get3A_430 = arith.constant 7 : i32
        %get3A_431 = arith.index_cast %get3A_429 : i32 to index
        %get3A_432 = arith.index_cast %get3A_430 : i32 to index
        %get3A_433 = arith.index_cast %add3A_428 : i32 to index
        %get3A_434 = tpu.vector_load %arg8[%get3A_431, %get3A_432, %get3A_433] {strides = array<i32>} : memref<2x8x2048xf32, #tpu.memory_space<vmem>>, vector<1x1x16xf32>,
        %get3A_435 = vector.shape_cast %get3A_434 : vector<1x1x16xf32> to vector<16xf32>
        %add3A_436 = arith.constant 32 : i32
        %add3A_437 = arith.addi %mul3A_385, %add3A_436 : i32
        %get3A_438 = arith.constant 1 : i32
        %get3A_439 = arith.constant 7 : i32
        %get3A_440 = arith.index_cast %get3A_438 : i32 to index
        %get3A_441 = arith.index_cast %get3A_439 : i32 to index
        %get3A_442 = arith.index_cast %add3A_437 : i32 to index
        %get3A_443 = tpu.vector_load %arg9[%get3A_440, %get3A_441, %get3A_442] {strides = array<i32>} : memref<2x8x2048xf32, #tpu.memory_space<vmem>>, vector<1x1x16xf32>,
        %get3A_444 = vector.shape_cast %get3A_443 : vector<1x1x16xf32> to vector<16xf32>
        %sub3A_445 = arith.subf %get3A_435, %get3A_444 : vector<16xf32>
        %mul3A_446 = arith.mulf %sub3A_445, %sub3A_445 : vector<16xf32>
        %add3A_447 = arith.addf %add3A_426, %mul3A_446 : vector<16xf32>
        %add3A_448 = arith.constant 48 : i32
        %add3A_449 = arith.addi %mul3A_385, %add3A_448 : i32
        %get3A_450 = arith.constant 1 : i32
        %get3A_451 = arith.constant 7 : i32
        %get3A_452 = arith.index_cast %get3A_450 : i32 to index
        %get3A_453 = arith.index_cast %get3A_451 : i32 to index
        %get3A_454 = arith.index_cast %add3A_449 : i32 to index
        %get3A_455 = tpu.vector_load %arg8[%get3A_452, %get3A_453, %get3A_454] {strides = array<i32>} : memref<2x8x2048xf32, #tpu.memory_space<vmem>>, vector<1x1x16xf32>,
        %get3A_456 = vector.shape_cast %get3A_455 : vector<1x1x16xf32> to vector<16xf32>
        %add3A_457 = arith.constant 48 : i32
        %add3A_458 = arith.addi %mul3A_385, %add3A_457 : i32
        %get3A_459 = arith.constant 1 : i32
        %get3A_460 = arith.constant 7 : i32
        %get3A_461 = arith.index_cast %get3A_459 : i32 to index
        %get3A_462 = arith.index_cast %get3A_460 : i32 to index
        %get3A_463 = arith.index_cast %add3A_458 : i32 to index
        %get3A_464 = tpu.vector_load %arg9[%get3A_461, %get3A_462, %get3A_463] {strides = array<i32>} : memref<2x8x2048xf32, #tpu.memory_space<vmem>>, vector<1x1x16xf32>,
        %get3A_465 = vector.shape_cast %get3A_464 : vector<1x1x16xf32> to vector<16xf32>
        %sub3A_466 = arith.subf %get3A_456, %get3A_465 : vector<16xf32>
        %mul3A_467 = arith.mulf %sub3A_466, %sub3A_466 : vector<16xf32>
        %add3A_468 = arith.addf %add3A_447, %mul3A_467 : vector<16xf32>
        scf.yield %add3A_468 : vector<16xf32>
      }
      %scan3A_367 = arith.constant 32 : i32
      %broadcast_in_dim3A_368 = arith.constant 7 : i32
      %broadcast_in_dim3A_369 = vector.broadcast %broadcast_in_dim3A_368 : i32 to vector<16xi32>
      %broadcast_in_dim3A_370 = vector.shape_cast %broadcast_in_dim3A_369 : vector<16xi32> to vector<16x1xi32>
      %gather3A_371 = vector.shape_cast %broadcast_in_dim3A_370 : vector<16x1xi32> to vector<16xi32>
      %gather3A_372 = tpu.dynamic_gather %select_n3A_266[%gather3A_371] in [0] : vector<16xf32>, vector<16xi32> -> vector<16xf32>
      %mul3A_373 = arith.mulf %scan3A_366, %gather3A_372 : vector<16xf32>
      %add3A_374 = arith.addf %add3A_361, %mul3A_373 : vector<16xf32>
      %add3A_375 = arith.constant 3 : i32
      %add3A_376 = arith.addi %mul3A_79, %add3A_375 : i32
      %lt3A_377 = arith.constant 48 : i32
      %lt3A_378 = arith.cmpi slt, %add3A_376, %lt3A_377 : i32
      %convert_element_type3A_379 = arith.extui %lt3A_378 : i1 to i32
      %cond3A_380 = arith.constant 0 : i32
      %cond3A_381 = arith.cmpi ne, %convert_element_type3A_379, %cond3A_380 : i32
      scf.if %cond3A_381 {
        %add3A_382 = arith.constant 3 : i32
        %add3A_383 = arith.addi %mul3A_79, %add3A_382 : i32
        %mul3A_384 = arith.constant 8 : i32
        %mul3A_385 = arith.muli %add3A_383, %mul3A_384 : i32
        %add3A_386 = arith.addi %add3A_4, %mul3A_385 : i32
        %dma_start3A_387 = arith.constant 1 : i32
        %dma_start3A_388 = arith.constant 0 : i32
        %dma_start3A_389 = arith.constant 0 : i32
        %dma_start3A_390 = tpu.memref_slice %arg8[%dma_start3A_387, %dma_start3A_388, %dma_start3A_389] : memref<2x8x2048xf32, #tpu.memory_space<vmem>> -> memref<1x8x2048xf32, #tpu.memory_space<vmem>>
        %dma_start3A_391 = tpu.memref_squeeze %dma_start3A_390 : memref<1x8x2048xf32, #tpu.memory_space<vmem>> -> memref<8x2048xf32, #tpu.memory_space<vmem>>
        %dma_start3A_392 = arith.constant 0 : i32
        %dma_start3A_393 = tpu.memref_slice %arg2[%add3A_386, %dma_start3A_392] : memref<32768x2048xf32, #tpu.memory_space<hbm>> -> memref<8x2048xf32, #tpu.memory_space<hbm>>
        %dma_start3A_394 = arith.constant 0 : i32
        %dma_start3A_395 = arith.constant 0 : i32
        %dma_start3A_396 = tpu.memref_slice %arg8[%dma_start3A_387, %dma_start3A_394, %dma_start3A_395] : memref<2x8x2048xf32, #tpu.memory_space<vmem>> -> memref<1x8x2048xf32, #tpu.memory_space<vmem>>
        %dma_start3A_397 = tpu.memref_squeeze %dma_start3A_396 : memref<1x8x2048xf32, #tpu.memory_space<vmem>> -> memref<8x2048xf32, #tpu.memory_space<vmem>>
        %dma_start3A_398 = arith.constant 0 : i32
        %dma_start3A_399 = tpu.memref_slice %arg2[%add3A_386, %dma_start3A_398] : memref<32768x2048xf32, #tpu.memory_space<hbm>> -> memref<8x2048xf32, #tpu.memory_space<hbm>>
        tpu.enqueue_dma source(%dma_start3A_399 : memref<8x2048xf32, #tpu.memory_space<hbm>>) target(%dma_start3A_397 : memref<8x2048xf32, #tpu.memory_space<vmem>>) target_semaphore(%arg13 : memref<!tpu.dma_semaphore, #tpu.memory_space<semaphore_mem>>)
        %dma_start3A_400 = arith.constant 1 : i32
        %dma_start3A_401 = arith.constant 0 : i32
        %dma_start3A_402 = arith.constant 0 : i32
        %dma_start3A_403 = tpu.memref_slice %arg9[%dma_start3A_400, %dma_start3A_401, %dma_start3A_402] : memref<2x8x2048xf32, #tpu.memory_space<vmem>> -> memref<1x8x2048xf32, #tpu.memory_space<vmem>>
        %dma_start3A_404 = tpu.memref_squeeze %dma_start3A_403 : memref<1x8x2048xf32, #tpu.memory_space<vmem>> -> memref<8x2048xf32, #tpu.memory_space<vmem>>
        %dma_start3A_405 = arith.constant 0 : i32
        %dma_start3A_406 = tpu.memref_slice %arg3[%add3A_386, %dma_start3A_405] : memref<32768x2048xf32, #tpu.memory_space<hbm>> -> memref<8x2048xf32, #tpu.memory_space<hbm>>
        %dma_start3A_407 = arith.constant 0 : i32
        %dma_start3A_408 = arith.constant 0 : i32
        %dma_start3A_409 = tpu.memref_slice %arg9[%dma_start3A_400, %dma_start3A_407, %dma_start3A_408] : memref<2x8x2048xf32, #tpu.memory_space<vmem>> -> memref<1x8x2048xf32, #tpu.memory_space<vmem>>
        %dma_start3A_410 = tpu.memref_squeeze %dma_start3A_409 : memref<1x8x2048xf32, #tpu.memory_space<vmem>> -> memref<8x2048xf32, #tpu.memory_space<vmem>>
        %dma_start3A_411 = arith.constant 0 : i32
        %dma_start3A_412 = tpu.memref_slice %arg3[%add3A_386, %dma_start3A_411] : memref<32768x2048xf32, #tpu.memory_space<hbm>> -> memref<8x2048xf32, #tpu.memory_space<hbm>>
        tpu.enqueue_dma source(%dma_start3A_412 : memref<8x2048xf32, #tpu.memory_space<hbm>>) target(%dma_start3A_410 : memref<8x2048xf32, #tpu.memory_space<vmem>>) target_semaphore(%arg14 : memref<!tpu.dma_semaphore, #tpu.memory_space<semaphore_mem>>)
      } else {
      }
      scf.yield %add3A_374, %add3A_270 : vector<16xf32>, vector<16xf32>
    }
    %scan3A_67 = arith.constant 24 : i32
    %swap3A = arith.constant 0 : index
    %swap3A_68 = tpu.vector_load %arg10[%swap3A] {strides = array<i32>} : memref<16xf32, #tpu.memory_space<vmem>>, vector<16xf32>,
    %swap3A_69 = vector.shape_cast %swap3A_68 : vector<16xf32> to vector<16xf32>
    %swap3A_70 = vector.shape_cast %scan3A_66#0 : vector<16xf32> to vector<16xf32>
    tpu.vector_store %arg10[%swap3A], %swap3A_70 {strides = array<i32>} : memref<16xf32, #tpu.memory_space<vmem>>, vector<16xf32>,
    "tpu.region"() ({
      %run_scoped3A = tpu.sem_alloc : memref<!tpu.dma_semaphore, #tpu.memory_space<semaphore_mem>>
      %dma_start3A_75 = arith.constant 0 : i32
      %dma_start3A_76 = tpu.memref_slice %arg5[%add3A, %dma_start3A_75] : memref<32x16xf32, #tpu.memory_space<hbm>> -> memref<1x16xf32, #tpu.memory_space<hbm>>
      %dma_start3A_77 = tpu.memref_squeeze %dma_start3A_76 : memref<1x16xf32, #tpu.memory_space<hbm>> -> memref<16xf32, #tpu.memory_space<hbm>>
      %dma_start3A_78 = arith.constant 0 : i32
      %dma_start3A_79 = tpu.memref_slice %arg5[%add3A, %dma_start3A_78] : memref<32x16xf32, #tpu.memory_space<hbm>> -> memref<1x16xf32, #tpu.memory_space<hbm>>
      %dma_start3A_80 = tpu.memref_squeeze %dma_start3A_79 : memref<1x16xf32, #tpu.memory_space<hbm>> -> memref<16xf32, #tpu.memory_space<hbm>>
      tpu.enqueue_dma source(%arg10 : memref<16xf32, #tpu.memory_space<vmem>>) target(%dma_start3A_80 : memref<16xf32, #tpu.memory_space<hbm>>) target_semaphore(%run_scoped3A : memref<!tpu.dma_semaphore, #tpu.memory_space<semaphore_mem>>)
      %dma_wait3A = arith.constant 0 : i32
      %dma_wait3A_81 = tpu.memref_slice %arg5[%add3A, %dma_wait3A] : memref<32x16xf32, #tpu.memory_space<hbm>> -> memref<1x16xf32, #tpu.memory_space<hbm>>
      %dma_wait3A_82 = tpu.memref_squeeze %dma_wait3A_81 : memref<1x16xf32, #tpu.memory_space<hbm>> -> memref<16xf32, #tpu.memory_space<hbm>>
      %dma_wait3A_83 = arith.constant 0 : i32
      %dma_wait3A_84 = tpu.memref_slice %arg5[%add3A, %dma_wait3A_83] : memref<32x16xf32, #tpu.memory_space<hbm>> -> memref<1x16xf32, #tpu.memory_space<hbm>>
      %dma_wait3A_85 = tpu.memref_squeeze %dma_wait3A_84 : memref<1x16xf32, #tpu.memory_space<hbm>> -> memref<16xf32, #tpu.memory_space<hbm>>
      tpu.wait_dma2 semaphore(%run_scoped3A : memref<!tpu.dma_semaphore, #tpu.memory_space<semaphore_mem>>) src(%arg10 : memref<16xf32, #tpu.memory_space<vmem>>) dst(%dma_wait3A_85 : memref<16xf32, #tpu.memory_space<hbm>>)
      tpu.yield
    }) : () -> ()
    %swap3A_71 = arith.constant 0 : index
    %swap3A_72 = tpu.vector_load %arg10[%swap3A_71] {strides = array<i32>} : memref<16xf32, #tpu.memory_space<vmem>>, vector<16xf32>,
    %swap3A_73 = vector.shape_cast %swap3A_72 : vector<16xf32> to vector<16xf32>
    %swap3A_74 = vector.shape_cast %scan3A_66#1 : vector<16xf32> to vector<16xf32>
    tpu.vector_store %arg10[%swap3A_71], %swap3A_74 {strides = array<i32>} : memref<16xf32, #tpu.memory_space<vmem>>, vector<16xf32>,
    "tpu.region"() ({
      %run_scoped3A = tpu.sem_alloc : memref<!tpu.dma_semaphore, #tpu.memory_space<semaphore_mem>>
      %dma_start3A_75 = arith.constant 0 : i32
      %dma_start3A_76 = tpu.memref_slice %arg6[%add3A, %dma_start3A_75] : memref<32x16xf32, #tpu.memory_space<hbm>> -> memref<1x16xf32, #tpu.memory_space<hbm>>
      %dma_start3A_77 = tpu.memref_squeeze %dma_start3A_76 : memref<1x16xf32, #tpu.memory_space<hbm>> -> memref<16xf32, #tpu.memory_space<hbm>>
      %dma_start3A_78 = arith.constant 0 : i32
      %dma_start3A_79 = tpu.memref_slice %arg6[%add3A, %dma_start3A_78] : memref<32x16xf32, #tpu.memory_space<hbm>> -> memref<1x16xf32, #tpu.memory_space<hbm>>
      %dma_start3A_80 = tpu.memref_squeeze %dma_start3A_79 : memref<1x16xf32, #tpu.memory_space<hbm>> -> memref<16xf32, #tpu.memory_space<hbm>>
      tpu.enqueue_dma source(%arg10 : memref<16xf32, #tpu.memory_space<vmem>>) target(%dma_start3A_80 : memref<16xf32, #tpu.memory_space<hbm>>) target_semaphore(%run_scoped3A : memref<!tpu.dma_semaphore, #tpu.memory_space<semaphore_mem>>)
      %dma_wait3A = arith.constant 0 : i32
      %dma_wait3A_81 = tpu.memref_slice %arg6[%add3A, %dma_wait3A] : memref<32x16xf32, #tpu.memory_space<hbm>> -> memref<1x16xf32, #tpu.memory_space<hbm>>
      %dma_wait3A_82 = tpu.memref_squeeze %dma_wait3A_81 : memref<1x16xf32, #tpu.memory_space<hbm>> -> memref<16xf32, #tpu.memory_space<hbm>>
      %dma_wait3A_83 = arith.constant 0 : i32
      %dma_wait3A_84 = tpu.memref_slice %arg6[%add3A, %dma_wait3A_83] : memref<32x16xf32, #tpu.memory_space<hbm>> -> memref<1x16xf32, #tpu.memory_space<hbm>>
      %dma_wait3A_85 = tpu.memref_squeeze %dma_wait3A_84 : memref<1x16xf32, #tpu.memory_space<hbm>> -> memref<16xf32, #tpu.memory_space<hbm>>
      tpu.wait_dma2 semaphore(%run_scoped3A : memref<!tpu.dma_semaphore, #tpu.memory_space<semaphore_mem>>) src(%arg10 : memref<16xf32, #tpu.memory_space<vmem>>) dst(%dma_wait3A_85 : memref<16xf32, #tpu.memory_space<hbm>>)
      tpu.yield
    }) : () -> ()
    return
  }
}

module attributes {stable_mosaic.version = 14 : i64} {
  func.func @_tc_body(%arg0: i32, %arg1: memref<512x2048xf32, #tpu.memory_space<vmem>>, %arg2: memref<512x2048xf32, #tpu.memory_space<vmem>>, %arg3: memref<512x1xi32, #tpu.memory_space<vmem>>, %arg4: memref<1x1xf32, #tpu.memory_space<smem>>, %arg5: memref<1x1xf32, #tpu.memory_space<smem>>) attributes {dimension_semantics = [#tpu.dimension_semantics<arbitrary>], iteration_bounds = array<i64: 40>, scalar_prefetch = 0 : i64, scratch_operands = 0 : i64, tpu.core_type = #tpu.core_type<tc>, window_params = [{transform_indices = @transform_0, window_bounds = array<i64: 512, 2048>}, {transform_indices = @transform_1, window_bounds = array<i64: 512, 2048>}, {transform_indices = @transform_2, window_bounds = array<i64: 512, 1>}, {transform_indices = @transform_3, window_bounds = array<i64: 1, 1>}, {transform_indices = @transform_4, window_bounds = array<i64: 1, 1>}]} {
    %eq3A = arith.constant 0 : i32
    %eq3A_0 = arith.cmpi eq, %arg0, %eq3A : i32
    %convert_element_type3A = arith.extui %eq3A_0 : i1 to i32
    %cond3A = arith.constant 0 : i32
    %cond3A_1 = arith.cmpi ne, %convert_element_type3A, %cond3A : i32
    scf.if %cond3A_1 {
      %swap3A_38 = arith.constant 0.000000e+00 : f32
      %swap3A_39 = arith.constant 0 : index
      %swap3A_40 = arith.constant 0 : index
      %swap3A_41 = memref.load %arg4[%swap3A_39, %swap3A_40] : memref<1x1xf32, #tpu.memory_space<smem>>
      memref.store %swap3A_38, %arg4[%swap3A_39, %swap3A_40] : memref<1x1xf32, #tpu.memory_space<smem>>
      %swap3A_42 = arith.constant 0.000000e+00 : f32
      %swap3A_43 = arith.constant 0 : index
      %swap3A_44 = arith.constant 0 : index
      %swap3A_45 = memref.load %arg5[%swap3A_43, %swap3A_44] : memref<1x1xf32, #tpu.memory_space<smem>>
      memref.store %swap3A_42, %arg5[%swap3A_43, %swap3A_44] : memref<1x1xf32, #tpu.memory_space<smem>>
    } else {
    }
    %get3A = arith.constant 0 : index
    %get3A_2 = arith.constant 0 : index
    %get3A_3 = vector.load %arg1[%get3A, %get3A_2] : memref<512x2048xf32, #tpu.memory_space<vmem>>, vector<512x2048xf32>
    %get3A_4 = arith.constant 0 : index
    %get3A_5 = arith.constant 0 : index
    %get3A_6 = vector.load %arg2[%get3A_4, %get3A_5] : memref<512x2048xf32, #tpu.memory_space<vmem>>, vector<512x2048xf32>
    %sub3A = arith.subf %get3A_3, %get3A_6 : vector<512x2048xf32>
    %mul3A = arith.mulf %sub3A, %sub3A : vector<512x2048xf32>
    %reduce_sum3A = arith.constant dense<0.000000e+00> : vector<512xf32>
    %reduce_sum3A_7 = vector.multi_reduction <add>, %mul3A, %reduce_sum3A [1] : vector<512x2048xf32> to vector<512xf32>
    %broadcast_in_dim3A = vector.shape_cast %reduce_sum3A_7 : vector<512xf32> to vector<512x1xf32>
    %get3A_8 = arith.constant 0 : index
    %get3A_9 = arith.constant 0 : index
    %get3A_10 = vector.load %arg3[%get3A_8, %get3A_9] : memref<512x1xi32, #tpu.memory_space<vmem>>, vector<512x1xi32>
    %ne3A = arith.constant 0 : i32
    %ne3A_11 = vector.broadcast %ne3A : i32 to vector<512x1xi32>
    %ne3A_12 = arith.cmpi ne, %get3A_10, %ne3A_11 : vector<512x1xi32>
    %convert_element_type3A_13 = arith.extui %ne3A_12 : vector<512x1xi1> to vector<512x1xi32>
    %convert_element_type3A_14 = arith.sitofp %convert_element_type3A_13 : vector<512x1xi32> to vector<512x1xf32>
    %get3A_15 = arith.constant 0 : index
    %get3A_16 = arith.constant 0 : index
    %get3A_17 = memref.load %arg4[%get3A_15, %get3A_16] : memref<1x1xf32, #tpu.memory_space<smem>>
    %mul3A_18 = arith.mulf %broadcast_in_dim3A, %convert_element_type3A_14 : vector<512x1xf32>
    %reduce_sum3A_19 = vector.shape_cast %mul3A_18 : vector<512x1xf32> to vector<1x512x1xf32>
    %reduce_sum3A_20 = arith.constant dense<0.000000e+00> : vector<1xf32>
    %reduce_sum3A_21 = vector.multi_reduction <add>, %reduce_sum3A_19, %reduce_sum3A_20 [1, 2] : vector<1x512x1xf32> to vector<1xf32>
    %reduce_sum3A_22 = vector.shape_cast %reduce_sum3A_21 : vector<1xf32> to vector<1x1x1xf32>
    %reduce_sum3A_23 = vector.extract %reduce_sum3A_22[0, 0, 0] : f32 from vector<1x1x1xf32>
    %add3A = arith.addf %get3A_17, %reduce_sum3A_23 : f32
    %swap3A = arith.constant 0 : index
    %swap3A_24 = arith.constant 0 : index
    %swap3A_25 = memref.load %arg4[%swap3A, %swap3A_24] : memref<1x1xf32, #tpu.memory_space<smem>>
    memref.store %add3A, %arg4[%swap3A, %swap3A_24] : memref<1x1xf32, #tpu.memory_space<smem>>
    %get3A_26 = arith.constant 0 : index
    %get3A_27 = arith.constant 0 : index
    %get3A_28 = memref.load %arg5[%get3A_26, %get3A_27] : memref<1x1xf32, #tpu.memory_space<smem>>
    %reduce_sum3A_29 = vector.shape_cast %convert_element_type3A_14 : vector<512x1xf32> to vector<1x512x1xf32>
    %reduce_sum3A_30 = arith.constant dense<0.000000e+00> : vector<1xf32>
    %reduce_sum3A_31 = vector.multi_reduction <add>, %reduce_sum3A_29, %reduce_sum3A_30 [1, 2] : vector<1x512x1xf32> to vector<1xf32>
    %reduce_sum3A_32 = vector.shape_cast %reduce_sum3A_31 : vector<1xf32> to vector<1x1x1xf32>
    %reduce_sum3A_33 = vector.extract %reduce_sum3A_32[0, 0, 0] : f32 from vector<1x1x1xf32>
    %add3A_34 = arith.addf %get3A_28, %reduce_sum3A_33 : f32
    %swap3A_35 = arith.constant 0 : index
    %swap3A_36 = arith.constant 0 : index
    %swap3A_37 = memref.load %arg5[%swap3A_35, %swap3A_36] : memref<1x1xf32, #tpu.memory_space<smem>>
    memref.store %add3A_34, %arg5[%swap3A_35, %swap3A_36] : memref<1x1xf32, #tpu.memory_space<smem>>
    return
  }
  func.func @transform_0(%arg0: i32) -> (i32, i32) {
    %c0_i32 = arith.constant 0 : i32
    %c0_i32_0 = arith.constant 0 : i32
    return %arg0, %c0_i32 : i32, i32
  }
  func.func @transform_1(%arg0: i32) -> (i32, i32) {
    %c0_i32 = arith.constant 0 : i32
    %c0_i32_0 = arith.constant 0 : i32
    return %arg0, %c0_i32 : i32, i32
  }
  func.func @transform_2(%arg0: i32) -> (i32, i32) {
    %c0_i32 = arith.constant 0 : i32
    %c0_i32_0 = arith.constant 0 : i32
    return %arg0, %c0_i32 : i32, i32
  }
  func.func @transform_3(%arg0: i32) -> (i32, i32) {
    %c0_i32 = arith.constant 0 : i32
    %c0_i32_0 = arith.constant 0 : i32
    %c0_i32_1 = arith.constant 0 : i32
    return %c0_i32, %c0_i32_0 : i32, i32
  }
  func.func @transform_4(%arg0: i32) -> (i32, i32) {
    %c0_i32 = arith.constant 0 : i32
    %c0_i32_0 = arith.constant 0 : i32
    %c0_i32_1 = arith.constant 0 : i32
    return %c0_i32, %c0_i32_0 : i32, i32
  }
}

</mosaic_0001>

<sc_bundles>
// kernel: kernel.4.cloned.1.call-start
scs
__scs_entry_jumppad:
0x0: {  	(pc) =	sbr.rel $0x88, $3  }
0x1: {  	(tag) =	ssettag $0x0;
	lr =	simm.s32 $0x1  }
0x2: {  	[smem:$0x3F9E] =	sst lr;
	_ =	strace $0xD0000000  }
0x3: {  	_ = 	snop  }
0x4: {  	_ = 	snop  }
0x5: {  	_ = 	snop  }
0x6: {  	_ = 	snop  }
0x7: {  	_ = 	snop  }
__scs_overlays_trampoline_lowered:
0x8: {  	[smem:$0x3FAD] =	sst s0  }
0x9: {  	[smem:$0x3FAE] =	sst s1  }
0xa: {  	[smem:$0x3FAF] =	sst s2  }
0xb: {  	[smem:$0x3FB0] =	sst s3  }
0xc: {  	[smem:$0x3FB1] =	sst s4  }
0xd: {  	[smem:$0x3FB2] =	sst s5  }
0xe: {  	[smem:$0x3FB3] =	sst s6  }
0xf: {  	[smem:$0x3FB4] =	sst s7  }
0x10: {  	[smem:$0x3FB5] =	sst s8  }
0x11: {  	[smem:$0x3FB6] =	sst s9;
	s0 =	simm.s32 @!p0 $0x0  }
0x12: {  	s1 =	sld [smem:$0x3F9C];
	s0 =	simm.s32 @p0 $0x1  }
0x13: {  	[smem:$0x3FB7] =	sst s0;
	s0 =	simm.s32 @!p1 $0x0  }
0x14: {  	s2 =	sld [smem:$0x3F9B];
	s0 =	simm.s32 @p1 $0x1  }
0x15: {  	[smem:$0x3FB8] =	sst s0;
	s0 =	simm.s32 @!p2 $0x0  }
0x16: {  	s3 =	sld [smem:$0x3FDB];
	s0 =	simm.s32 @p2 $0x1  }
0x17: {  	s4 =	simm.s32 $0x1BF5;
	[smem:$0x3FBA] =	sst s0  }
0x18: {  	s0 =	sld [smem:$0x3F9D];
	_ =	swait.ge [sflag:s4], $0x0  }
0x19: {  	s7 =	sld [smem:$0x3F9E]  }
0x1a: {  	s8 =	sadd.s32 $0xFFFFE003, lr  }
0x1b: {  	s9 =	sadd.s32 $0xFFFFFEF7, lr;
	s5 =	simm.s32 $0xFFFFFFFF;
	p2 =	slt.u32 s8, $0xFFFFF086  }
0x1c: {  	p1 =	slt.u32 s9, $0xF7A;
	s5 =	simm.s32 @!p2 $0x0  }
0x1d: {  	s5 =	simm.s32 @p1 $0x1;
	p0 =	seq.s32 s7, s2  }
0x1e: {  	s7 =	smul.u32 @!p0 $0xF7A, s2;
	p2 =	seq.s32 @!p0 s5, $0x0  }
0x1f: {  	s9 =	smul.u32 $0xF7A, s1;
	s8 =	simm.s32 @!p0 $0x1BF5;
	p2 =	por !p2, p0  }
0x20: {  	[sflag:s8] =	ssyncset.s32 @!p0 $0xFFFFF086;
	s6 =	sadd.s32 @!p0 s3, s7;
	s7 =	simm.s32 @!p0 $0x108  }
0x21: {  	s3 =	sadd.s32 s3, s9;
	s6 =	sadd.s32 @!p0 $0x88, s6;
	s7 =	simm.s32 @p2 $0x1082  }
0x22: {  	[simem:s7], [sflag:s8] =	dma.local @!p0 [hbm:s6], $0xF7A  }
0x23: {  	s9 =	sor.u32 $0xD0000000, s2;
	s6 =	simm.s32 $0x108;
	_ =	swait.ge @!p0 [sflag:s8], $0x0  }
0x24: {  	s3 =	sadd.s32 $0x88, s3;
	s6 =	simm.s32 @!p1 $0x1082;
	[sflag:s4] =	ssyncset.s32 $0xFFFFF086  }
0x25: {  	[simem:s6], [sflag:s4] =	dma.local [hbm:s3], $0xF7A  }
0x26: {  	[smem:$0x3F9E] =	sst s1;
	(tag) =	ssettag s2;
	_ =	strace s9  }
0x27: {  	s1 =	sld [smem:$0x3FAE]  }
0x28: {  	s2 =	sld [smem:$0x3FAF]  }
0x29: {  	s4 =	sld [smem:$0x3FB1]  }
0x2a: {  	p0 =	seq.s32 s5, $0x0;
	s5 =	sld [smem:$0x3FB2]  }
0x2b: {  	s6 =	sld [smem:$0x3FB3]  }
0x2c: {  	s7 =	sld [smem:$0x3FB4]  }
0x2d: {  	s3 =	simm.s32 $0x108;
	s8 =	sld [smem:$0x3FB5]  }
0x2e: {  	s3 =	simm.s32 @!p0 $0x1082;
	s9 =	sld [smem:$0x3FB6]  }
0x2f: {  	lr =	sadd.s32 s0, s3;
	s0 =	sld [smem:$0x3FAD]  }
0x30: {  	s3 =	sld [smem:$0x3FB0]  }
0x31: {  	[smem:$0x3FB9] =	sst s10  }
0x32: {  	s10 =	sld [smem:$0x3FB7];
	_ =	sdelay $0x3  }
0x33: {  	p0 =	seq.s32 s10, $0x1;
	s10 =	sld [smem:$0x3FB9];
	_ =	sdelay $0x3  }
0x34: {  	[smem:$0x3FB9] =	sst s10  }
0x35: {  	s10 =	sld [smem:$0x3FB8];
	_ =	sdelay $0x3  }
0x36: {  	p1 =	seq.s32 s10, $0x1;
	s10 =	sld [smem:$0x3FB9];
	_ =	sdelay $0x3  }
0x37: {  	[smem:$0x3FB9] =	sst s10  }
0x38: {  	s10 =	sld [smem:$0x3FBA]  }
0x39: {  	_ = 	snop;
	(pc) =	sbr.ind lr, $3  }
0x3a: {  	_ = 	snop  }
0x3b: {  	_ = 	snop  }
0x3c: {  	p2 =	seq.s32 s10, $0x1;
	s10 =	sld [smem:$0x3FB9]  }
0x3d: {  	_ =	shalt  }
0x3e: {  	_ =	shalt  }
0x3f: {  	_ =	shalt  }
0x40: {  	_ =	shalt  }
0x41: {  	_ =	shalt  }
0x42: {  	_ =	shalt  }
0x43: {  	_ =	shalt  }
0x44: {  	_ =	shalt  }
0x45: {  	_ =	shalt  }
0x46: {  	_ =	shalt  }
0x47: {  	_ =	shalt  }
0x48: {  	_ =	shalt  }
0x49: {  	_ =	shalt  }
0x4a: {  	_ =	shalt  }
0x4b: {  	_ =	shalt  }
0x4c: {  	_ =	shalt  }
0x4d: {  	_ =	shalt  }
0x4e: {  	_ =	shalt  }
0x4f: {  	_ =	shalt  }
0x50: {  	_ =	shalt  }
0x51: {  	_ =	shalt  }
0x52: {  	_ =	shalt  }
0x53: {  	_ =	shalt  }
0x54: {  	_ =	shalt  }
0x55: {  	_ =	shalt  }
0x56: {  	_ =	shalt  }
0x57: {  	_ =	shalt  }
0x58: {  	_ =	shalt  }
0x59: {  	_ =	shalt  }
0x5a: {  	_ =	shalt  }
0x5b: {  	_ =	shalt  }
0x5c: {  	_ =	shalt  }
0x5d: {  	_ =	shalt  }
0x5e: {  	_ =	shalt  }
0x5f: {  	_ =	shalt  }
0x60: {  	_ =	shalt  }
0x61: {  	_ =	shalt  }
0x62: {  	_ =	shalt  }
0x63: {  	_ =	shalt  }
0x64: {  	_ =	shalt  }
0x65: {  	_ =	shalt  }
0x66: {  	_ =	shalt  }
0x67: {  	_ =	shalt  }
0x68: {  	_ =	shalt  }
0x69: {  	_ =	shalt  }
0x6a: {  	_ =	shalt  }
0x6b: {  	_ =	shalt  }
0x6c: {  	_ =	shalt  }
0x6d: {  	_ =	shalt  }
0x6e: {  	_ =	shalt  }
0x6f: {  	_ =	shalt  }
0x70: {  	_ =	shalt  }
0x71: {  	_ =	shalt  }
0x72: {  	_ =	shalt  }
0x73: {  	_ =	shalt  }
0x74: {  	_ =	shalt  }
0x75: {  	_ =	shalt  }
0x76: {  	_ =	shalt  }
0x77: {  	_ =	shalt  }
0x78: {  	_ =	shalt  }
0x79: {  	_ =	shalt  }
0x7a: {  	_ =	shalt  }
0x7b: {  	_ =	shalt  }
0x7c: {  	_ =	shalt  }
0x7d: {  	_ =	shalt  }
0x7e: {  	_ =	shalt  }
0x7f: {  	_ =	shalt  }
0x80: {  	_ =	shalt  }
0x81: {  	_ =	shalt  }
0x82: {  	_ =	shalt  }
0x83: {  	_ =	shalt  }
0x84: {  	_ =	shalt  }
0x85: {  	_ =	shalt  }
0x86: {  	_ =	shalt  }
0x87: {  	_ =	shalt  }
.Lfunc_end0:
.L_simem_size_0:
called_computation_lowered:
.L_overlay_start_0:
0x88: {  	s2 =	sld [smem:$0x3FD9]  }
0x89: {  	s3 =	sld [smem:$0x3FFE];
	_ =	sdelay $0x1  }
0x8a: {  	s1 =	srdreg.scid  }
0x8b: {  	s0 =	sand.u32 $0x1, s1  }
0x8c: {  	s17 =	sshll.u32 s0, $0xA;
	s2 =	sadd.s32 s3, s2  }
0x8d: {  	s2 =	sadd.s32 s2, s17  }
0x8e: {  	[smem:$0x3FC5] =	sst s2  }
0x8f: {  	_ = 	snop  }
0x90: {  	s2 =	sld [smem:$0x3FC9]  }
0x91: {  	s18 =	sld [smem:$0x3FC8];
	(tm) =	ssettm $0x1  }
0x92: {  	s4 =	sld [smem:$0x3FFB];
	_ =	sdelay $0x3  }
0x93: {  	_ =	strace s4  }
0x94: {  	s4 =	sld [smem:$0x3FFC];
	_ =	sdelay $0x3  }
0x95: {  	_ =	strace s4  }
0x96: {  	s4 =	sld [smem:$0x3FFD];
	_ =	sdelay $0x3  }
0x97: {  	_ =	strace s4  }
0x98: {  	_ =	strace $0x8FFFFFFF  }
0x99: {  	s19 =	sld [smem:$0x3FDB];
	_ =	sdelay $0x1  }
0x9a: {  	s5 =	simm.s32 $_scs_section_size  }
0x9b: {  	s6 =	simm.s32 $_size__tile_overlayer_lowered;
	s7 =	simm.s32 $_tile_overlayer_lowered  }
0x9c: {  	s22 =	simm.s32 $0x1BFF;
	s21 =	sshll.u32 s7, $0x1;
	s4 =	sadd.s32 s5, s19  }
0x9d: {  	s8 =	simm.s32 $0x0;
	s20 =	sshll.u32 s6, $0x1;
	s6 =	sadd.s32 s21, s4  }
0x9e: {  	[timem:s8], [sflag:s22] =	dma.local [hbm:s6], s20  }
0x9f: {  	_ =	swait.ge [sflag:s22], s20  }
0xa0: {  	s5 =	ssub.s32 $0x0, s20;
	[sflag:s22] =	ssyncset.done $0x0  }
0xa1: {  	[sflag:s22] =	ssyncadd.s32 s5;
	_ =	sdelay $0x1  }
0xa2: {  	s23 =	simm.s32 $0x1B8B  }
0xa3: {  	_ =	swait.ge [sflag:s23], $0x1  }
0xa4: {  	[sflag:s23] =	ssyncset.done $0x0  }
0xa5: {  	s25 =	simm.s32 $0x1B8E;
	s24 =	sld [smem:$0x3FFE];
	[sflag:s23] =	ssyncadd.s32 $0xFFFFFFFF  }
0xa6: {  	s26 =	simm.s32 $execute0_lowered;
	[smem:$0x3FD2] =	sst s25  }
0xa7: {  	s6 =	sshll.u32 s26, $0x1;
	_ =	strace $0x80000046;
	[dreg:$0x1] =	wrdreg $0xFFFFFFFF  }
0xa8: {  	s28 =	simm.s32 $_size_execute0_lowered;
	s4 =	sadd.s32 s4, s6;
	[dreg:$0x0] =	wrdreg $0x0  }
0xa9: {  	s6 =	sshll.u32 s28, $0x1;
	[dreg:$0x2] =	wrdreg s4  }
0xaa: {  	[dreg:$0x3] =	wrdreg s6  }
0xab: {  	[dreg:$0x4] =	wrdreg $0xC0  }
0xac: {  	_ =	task [dreg:s8], $0x5FFFF  }
0xad: {  	[dreg:$0x1] =	wrdreg $0xFFFFFFFF  }
0xae: {  	[dreg:$0x0] =	wrdreg $0x60  }
0xaf: {  	[dreg:$0x2] =	wrdreg s2  }
0xb0: {  	[dreg:$0x3] =	wrdreg s18  }
0xb1: {  	[dreg:$0x4] =	wrdreg s24  }
0xb2: {  	[dreg:$0x5] =	wrdreg $0x9  }
0xb3: {  	_ =	task.clear_ibuf [dreg:s8], $0x6FFFF;
	_ =	strace $0x90000046  }
0xb4: {  	s29 =	simm.s32 $0x9;
	_ =	strace $0x80000048  }
0xb5: {  	_ =	swait.ge [sflag:s29], $0x1  }
0xb6: {  	[sflag:s29] =	ssyncadd.s32 $0xFFFFFFFF  }
0xb7: {  	_ =	strace $0x90000048  }
0xb8: {  	_ =	sfence  }
0xb9: {  	s30 =	sld [smem:$0x0];
	_ =	sdelay $0x2  }
0xba: {  	s31 =	sshll.u32 s1, $0xD;
	s1 =	sshrl.u32 s1, $0x2  }
0xbb: {  	s3 =	sand.u32 $0x4000, s31;
	s1 =	sadd.s32 s1, s30  }
0xbc: {  	s0 =	sor.u32 s3, s0;
	s1 =	sshll.u32 s1, $0x11  }
0xbd: {  	s0 =	sor.u32 s1, s0  }
0xbe: {  	s0 =	sadd.s32 $0x8F2B, s0  }
0xbf: {  	[sflag:s0] =	ssyncadd.remote.s32 $0x1  }
0xc0: {  	_ =	sfence.sel $0xFFFF  }
0xc1: {  	[dreg:$0x0] =	wrdreg $0xFFFFFFFF;
	(pc) =	sbr.abs _section_cstart, $3  }
0xc2: {  	[dreg:$0x1] =	wrdreg $0xFFFFFFFF  }
0xc3: {  	_ =	task.clear_ibuf [dreg:s8], $0x2FFFF;
	_ =	strace $0x9FFFFFFF  }
0xc4: {  	(tm) =	ssettm $0x7FFFFFFF  }
0xc5: {  	_ =	shalt  }
tec
execute0_lowered:
.L_overlay_start_1:
0x0: {  	(tag) =	ssettag $0x1  }
0x1: {  	s2 =	srdreg.scid;
	s1 =	rddreg [dreg:$0x0]  }
0x2: {  	s0 =	stileid.u32;
	s3 =	rddreg [dreg:$0x1]  }
0x3: {  	s6 =	rddreg [dreg:$0x2];
	s15 =	simm.s32 $0x5;
	s16 =	simm.s32 $0x200  }
0x4: {  	s17 =	simm.s32 $0x8200;
	s18 =	simm.s32 $0x4200;
	s19 =	simm.s32 $0xC200  }
0x5: {  	s20 =	simm.s32 $0x1;
	s21 =	simm.s32 $0x2;
	s22 =	simm.s32 $0x3  }
0x6: {  	s23 =	simm.s32 $0x4;
	s2 =	sand.u32 $0x1, s2;
	s4 =	sshll.u32 s0, $0x1  }
0x7: {  	s24 =	simm.s32 $0x10200;
	s25 =	simm.s32 $0x0;
	s5 =	sor.u32 s2, s4  }
0x8: {  	s4 =	simm.s32 $0x0;
	s2 =	ssub.s32 $0x2, s2;
	s7 =	smul.u32 $0x180, s5  }
0x9: {  	[smem:$0x7FF] =	sst s4;
	s8 =	sshll.u32 s5, $0x4;
	s10 =	smul.u32 $0xC0000, s5  }
0xa: {  	s9 =	sshrl.u32 s2, $0x1;
	_ =	strace $0x80000047;
	s13 =	sadd.s32 s8, s6  }
0xb: {  	s2 =	ssub.s32 s2, s9;
	s7 =	sadd.s32 $0x5000, s7;
	s30 =	sshrl.u32 s10, $0x3  }
.Ltmp0:
0xc: {  	s12 =	sadd.s32 $0x1400, s13;
	s13 =	sadd.s32 $0x1200, s13;
	(pc) =	sbr.rel .LBB2_1-.Ltmp0, $4  }
0xd: {  	v0 =	vimm.s32 $0x0;
	v1 =	vimm.f32 $1.000000000e+00;
	s14 =	smax.u32 s2, $0x1;
	s11 =	sshrl.u32 s7, $0x3;
	s7 =	sshll.u32 s7, $0x8  }
0xe: {  	v2 =	vimm.s32 $0x1;
	v3 =	vimm.s32 $0x2;
	v4 =	vimm.s32 $0x3;
	s31 =	sadd.s32 $0x500800, s30;
	s29 =	sadd.s32 s11, s6;
	s6 =	sadd.s32 s1, s7  }
0xf: {  	v5 =	vimm.s32 $0x4;
	v6 =	vimm.s32 $0x5;
	v7 =	vimm.s32 $0x6;
	s7 =	sadd.s32 s3, s7;
	s8 =	sadd.s32 s1, s31;
	s9 =	sadd.s32 s3, s31  }
0x10: {  	vm0 =	vmmov $0xff;
	v8 =	vimm.s32 $0x7;
	v9 =	vimm.f32 $0.0e+00;
	s10 =	sor.u32 $0x2, s11;
	s11 =	sor.u32 $0x3, s11;
	s5 =	sadd.s32 $0x200, s29  }
.LBB2_36:
0x11: {  	[tilespmem:$0x10200] =	vst v11  }
0x12: {  	[hbm4b:s12+s4] =	stream.linear.scatter [tilespmem:s24], [sflag:$0x5], $0x80, $0x38;
	[tilespmem:$0x10280] =	vst v63  }
0x13: {  	_ =	swait.ge [sflag:s15], $0x80  }
0x14: {  	s25 =	sadd.s32 $0x1, s25;
	[sflag:s15] =	ssyncset.done $0x0  }
0x15: {  	p0 =	sne.s32 s25, s14;
	[sflag:s15] =	ssyncadd.s32 $0xFFFFFF80  }
.Ltmp1:
0x16: {  	[tilespmem:$0x10200] =	vst v10;
	(pc) =	sbr.rel @!p0 .LBB2_37-.Ltmp1, $4  }
0x17: {  	[hbm4b:s13+s4] =	stream.linear.scatter [tilespmem:s24], [sflag:$0x5], $0x80, $0x38;
	[tilespmem:$0x10280] =	vst v63  }
0x18: {  	_ =	swait.ge [sflag:s15], $0x80  }
0x19: {  	[sflag:s15] =	ssyncset.done $0x0  }
0x1a: {  	[sflag:s15] =	ssyncadd.s32 $0xFFFFFF80  }
.LBB2_1:
0x1b: {  	[tilespmem:s4], [sflag:$0x5] =	stream.linear.gather [hbm4b:s5+s4], $0x180, $0x38;
	[tilespmem:$0x10280] =	vst v63  }
0x1c: {  	_ =	swait.ge [sflag:s15], $0x180  }
0x1d: {  	[sflag:s15] =	ssyncset.done $0x0  }
0x1e: {  	[sflag:s15] =	ssyncadd.s32 $0xFFFFFE80  }
0x1f: {  	[tilespmem:s16], [sflag:$0x1] =	stream.linear.gather [hbm4b:s6+s4], $0x4000, $0x38;
	[tilespmem:$0x10280] =	vst v63  }
0x20: {  	_ = 	snop  }
0x21: {  	[tilespmem:s17], [sflag:$0x2] =	stream.linear.gather [hbm4b:s7+s4], $0x4000, $0x38;
	[tilespmem:$0x10280] =	vst v63  }
0x22: {  	_ = 	snop  }
0x23: {  	[tilespmem:s18], [sflag:$0x3] =	stream.linear.gather [hbm4b:s8+s4], $0x4000, $0x38;
	[tilespmem:$0x10280] =	vst v63  }
0x24: {  	s26 =	simm.s32 $0x0  }
0x25: {  	v10 =	vimm.f32 $0.0e+00;
	v11 =	vimm.f32 $0.0e+00;
	[tilespmem:s19], [sflag:$0x4] =	stream.linear.gather [hbm4b:s9+s4], $0x4000, $0x38;
	[tilespmem:$0x10280] =	vst v63  }
.LBB2_2:
0x26: {  	_ =	swait.ge [sflag:s20], $0x4000  }
0x27: {  	[sflag:s20] =	ssyncset.done $0x0  }
0x28: {  	[sflag:s20] =	ssyncadd.s32 $0xFFFFC000  }
0x29: {  	s2 =	sshll.u32 s26, $0x4;
	_ =	swait.ge [sflag:s21], $0x4000  }
0x2a: {  	s28 =	simm.s32 $0x0;
	s29 =	sand.u32 $0x3FFFFFF0, s2;
	[sflag:s21] =	ssyncset.done $0x0  }
0x2b: {  	s0 =	sand.u32 $0x40, s28;
	s28 =	sand.u32 $0x3C00, s28;
	[sflag:s21] =	ssyncadd.s32 $0xFFFFC000  }
0x2c: {  	s2 =	sor.u32 s0, s28;
	v12 =	vld [tilespmem:s29+$0x0]  }
0x2d: {  	v13 =	vld [tilespmem:s2+$0x200]  }
0x2e: {  	v14 =	vld [tilespmem:s2+$0x8200]  }
0x2f: {  	v15 =	vld [tilespmem:s2+$0x210]  }
0x30: {  	v16 =	vld [tilespmem:s2+$0x8210]  }
0x31: {  	v17 =	vld [tilespmem:s2+$0x220]  }
0x32: {  	s30 =	simm.s32 $0x200;
	s28 =	simm.s32 $0x40;
	v18 =	vld [tilespmem:s2+$0x8220]  }
0x33: {  	s30 =	sand.u32 $0x3C00, s30;
	s28 =	sand.u32 $0x40, s28;
	v19 =	vld [tilespmem:s2+$0x230];
	v13 =	vsub.f32 v13, v14  }
0x34: {  	s0 =	sor.u32 s28, s30;
	v20 =	vld [tilespmem:s2+$0x8230]  }
0x35: {  	v21 =	vld [tilespmem:s0+$0x200];
	v15 =	vsub.f32 v15, v16;
	v13 =	vmul.f32 v13, v13  }
0x36: {  	v22 =	vld [tilespmem:s0+$0x8200]  }
0x37: {  	v14 =	vld [tilespmem:s0+$0x210];
	v18 =	vsub.f32 v17, v18;
	v15 =	vmul.f32 v15, v15;
	v16 =	vadd.f32 v13, v9  }
0x38: {  	v17 =	vld [tilespmem:s0+$0x8210]  }
0x39: {  	v24 =	vsub.f32 v19, v20;
	v18 =	vmul.f32 v18, v18;
	v13 =	vld [tilespmem:s0+$0x220];
	v23 =	vadd.f32 v15, v16  }
0x3a: {  	s30 =	simm.s32 $0x400;
	s2 =	simm.s32 $0x80;
	v16 =	vld [tilespmem:s0+$0x8220]  }
0x3b: {  	s28 =	sand.u32 $0x3C00, s30;
	s2 =	sand.u32 $0x40, s2;
	v20 =	vsub.f32 v21, v22;
	v21 =	vmul.f32 v24, v24;
	v15 =	vld [tilespmem:s0+$0x230];
	v19 =	vadd.f32 v18, v23  }
0x3c: {  	s31 =	simm.s32 $0xC0;
	s28 =	sor.u32 s2, s28;
	v18 =	vld [tilespmem:s0+$0x8230]  }
.LBB2_3:
0x3d: {  	p0 =	sne.s32 s31, $0x7C0;
	v22 =	vld [tilespmem:s28+$0x200];
	v20 =	vmul.f32 v20, v20;
	v17 =	vsub.f32 v14, v17;
	v19 =	vadd.f32 v21, v19  }
0x3e: {  	v21 =	vld [tilespmem:s28+$0x8200]  }
0x3f: {  	v14 =	vld [tilespmem:s28+$0x210];
	v19 =	vadd.f32 v20, v19;
	v20 =	vmul.f32 v17, v17;
	v16 =	vsub.f32 v13, v16  }
.Ltmp2:
0x40: {  	v17 =	vld [tilespmem:s28+$0x8210];
	(pc) =	sbr.rel @p0 .LBB2_3-.Ltmp2, $4  }
0x41: {  	v13 =	vld [tilespmem:s28+$0x220];
	v19 =	vadd.f32 v20, v19;
	v23 =	vmul.f32 v16, v16;
	v18 =	vsub.f32 v15, v18  }
0x42: {  	s30 =	sadd.s32 $0x200, s30;
	v16 =	vld [tilespmem:s28+$0x8220]  }
0x43: {  	s0 =	sand.u32 $0x40, s31;
	s2 =	sand.u32 $0x3C00, s30;
	v20 =	vsub.f32 v22, v21;
	v15 =	vld [tilespmem:s28+$0x230];
	v19 =	vadd.f32 v23, v19;
	v21 =	vmul.f32 v18, v18  }
0x44: {  	s31 =	sadd.s32 $0x40, s31;
	v18 =	vld [tilespmem:s28+$0x8230];
	s28 =	sor.u32 s0, s2  }
0x45: {  	v22 =	vld [tilespmem:s28+$0x200]  }
0x46: {  	v23 =	vld [tilespmem:s28+$0x8200]  }
0x47: {  	v24 =	vld [tilespmem:s28+$0x210]  }
0x48: {  	v25 =	vld [tilespmem:s28+$0x8210]  }
0x49: {  	v26 =	vld [tilespmem:s28+$0x220]  }
0x4a: {  	v14 =	vsub.f32 v14, v17;
	v17 =	vadd.f32 v21, v19;
	v19 =	vld [tilespmem:s28+$0x8220];
	s0 =	simm.s32 $0x0  }
0x4b: {  	v20 =	vmul.f32 v20, v20;
	v21 =	vld [tilespmem:s28+$0x230];
	s2 =	sand.u32 $0x40, s0;
	s0 =	sand.u32 $0x3C00, s0  }
0x4c: {  	v13 =	vsub.f32 v13, v16;
	v16 =	vld [tilespmem:s28+$0x8230];
	s0 =	sor.u32 s2, s0  }
0x4d: {  	v17 =	vadd.f32 v20, v17;
	v14 =	vmul.f32 v14, v14;
	v20 =	vld [tilespmem:s0+$0x280]  }
0x4e: {  	v61 =	vld [tilespmem:s0+$0x82B0]  }
0x4f: {  	v14 =	vadd.f32 v14, v17;
	v13 =	vmul.f32 v13, v13;
	v15 =	vsub.f32 v15, v18;
	v17 =	vld [tilespmem:s0+$0x8280]  }
0x50: {  	v18 =	vld [tilespmem:s0+$0x290]  }
0x51: {  	s2 =	simm.s32 $0x40;
	s28 =	simm.s32 $0x200;
	v22 =	vsub.f32 v22, v23;
	v13 =	vadd.f32 v13, v14;
	v14 =	vmul.f32 v15, v15;
	v15 =	vld [tilespmem:s0+$0x8290]  }
0x52: {  	s2 =	sand.u32 $0x40, s2;
	s28 =	sand.u32 $0x3C00, s28;
	v23 =	vld [tilespmem:s0+$0x2A0]  }
0x53: {  	s2 =	sor.u32 s2, s28;
	v24 =	vsub.f32 v24, v25;
	v22 =	vmul.f32 v22, v22;
	v13 =	vadd.f32 v14, v13;
	v14 =	vld [tilespmem:s0+$0x82A0]  }
0x54: {  	v62 =	vld [tilespmem:s2+$0x280];
	v17 =	vsub.f32 v20, v17  }
0x55: {  	v19 =	vsub.f32 v26, v19;
	v20 =	vld [tilespmem:s0+$0x2B0];
	v13 =	vadd.f32 v22, v13;
	v22 =	vmul.f32 v24, v24  }
0x56: {  	v63 =	vld [tilespmem:s2+$0x8280];
	v17 =	vmul.f32 v17, v17;
	v15 =	vsub.f32 v18, v15;
	v18 =	vsub.f32 v21, v16  }
0x57: {  	v21 =	vmul.f32 v19, v19;
	v13 =	vadd.f32 v22, v13;
	v22 =	vimm.f32 $0.0e+00  }
0x58: {  	v16 =	vld [tilespmem:s2+$0x290];
	v17 =	vadd.f32 v17, v22;
	v22 =	vmul.f32 v15, v15;
	v14 =	vsub.f32 v23, v14  }
0x59: {  	vm1 =	veq.s32 v12, $0x0;
	v19 =	vld [tilespmem:s2+$0x8290];
	v13 =	vadd.f32 v21, v13;
	v21 =	vmul.f32 v18, v18  }
0x5a: {  	v15 =	vld [tilespmem:s2+$0x2A0];
	v20 =	vsub.f32 v20, v61;
	v23 =	vadd.f32 v22, v17;
	v27 =	vmul.f32 v14, v14  }
0x5b: {  	s30 =	simm.s32 $0x400;
	v12 =	vsel vm1, $0x0, v1;
	s0 =	simm.s32 $0x80;
	v18 =	vld [tilespmem:s2+$0x82A0];
	v22 =	vsub.f32 v62, v63  }
0x5c: {  	s28 =	sand.u32 $0x3C00, s30;
	s0 =	sand.u32 $0x40, s0;
	v17 =	vld [tilespmem:s2+$0x2B0];
	v13 =	vadd.f32 v21, v13;
	v21 =	vadd.f32 v27, v23;
	v23 =	vmul.f32 v20, v20  }
0x5d: {  	s31 =	simm.s32 $0xC0;
	s28 =	sor.u32 s0, s28;
	v14 =	vperm.xlane v12, v0;
	v20 =	vld [tilespmem:s2+$0x82B0]  }
.LBB2_5:
0x5e: {  	p0 =	sne.s32 s31, $0x7C0;
	v24 =	vld [tilespmem:s28+$0x280];
	v22 =	vmul.f32 v22, v22;
	v19 =	vsub.f32 v16, v19;
	v21 =	vadd.f32 v23, v21  }
0x5f: {  	v23 =	vld [tilespmem:s28+$0x8280]  }
0x60: {  	v16 =	vld [tilespmem:s28+$0x290];
	v21 =	vadd.f32 v22, v21;
	v22 =	vmul.f32 v19, v19;
	v18 =	vsub.f32 v15, v18  }
.Ltmp3:
0x61: {  	v19 =	vld [tilespmem:s28+$0x8290];
	(pc) =	sbr.rel @p0 .LBB2_5-.Ltmp3, $4  }
0x62: {  	v15 =	vld [tilespmem:s28+$0x2A0];
	v21 =	vadd.f32 v22, v21;
	v25 =	vmul.f32 v18, v18;
	v20 =	vsub.f32 v17, v20  }
0x63: {  	s30 =	sadd.s32 $0x200, s30;
	v18 =	vld [tilespmem:s28+$0x82A0]  }
0x64: {  	s0 =	sand.u32 $0x40, s31;
	s2 =	sand.u32 $0x3C00, s30;
	v22 =	vsub.f32 v24, v23;
	v17 =	vld [tilespmem:s28+$0x2B0];
	v21 =	vadd.f32 v25, v21;
	v23 =	vmul.f32 v20, v20  }
0x65: {  	s31 =	sadd.s32 $0x40, s31;
	v20 =	vld [tilespmem:s28+$0x82B0];
	s28 =	sor.u32 s0, s2  }
0x66: {  	v24 =	vld [tilespmem:s28+$0x280]  }
0x67: {  	v25 =	vld [tilespmem:s28+$0x8280]  }
0x68: {  	v26 =	vld [tilespmem:s28+$0x290]  }
0x69: {  	v27 =	vld [tilespmem:s28+$0x8290]  }
0x6a: {  	v28 =	vld [tilespmem:s28+$0x2A0]  }
0x6b: {  	v22 =	vmul.f32 v22, v22;
	v16 =	vsub.f32 v16, v19;
	v19 =	vadd.f32 v23, v21;
	v21 =	vld [tilespmem:s28+$0x82A0];
	s0 =	simm.s32 $0x0  }
0x6c: {  	v23 =	vld [tilespmem:s28+$0x2B0];
	s2 =	sand.u32 $0x40, s0;
	s0 =	sand.u32 $0x3C00, s0  }
0x6d: {  	v19 =	vadd.f32 v22, v19;
	v16 =	vmul.f32 v16, v16;
	v15 =	vsub.f32 v15, v18;
	v18 =	vld [tilespmem:s28+$0x82B0];
	s0 =	sor.u32 s2, s0  }
0x6e: {  	v22 =	vld [tilespmem:s0+$0x300]  }
0x6f: {  	v16 =	vadd.f32 v16, v19;
	v15 =	vmul.f32 v15, v15;
	v17 =	vsub.f32 v17, v20;
	v19 =	vld [tilespmem:s0+$0x8300]  }
0x70: {  	v20 =	vld [tilespmem:s0+$0x310]  }
0x71: {  	v24 =	vsub.f32 v24, v25;
	v15 =	vadd.f32 v15, v16;
	v16 =	vmul.f32 v17, v17;
	v17 =	vld [tilespmem:s0+$0x8310]  }
0x72: {  	v25 =	vld [tilespmem:s0+$0x320]  }
0x73: {  	s2 =	simm.s32 $0x40;
	s28 =	simm.s32 $0x200;
	v26 =	vsub.f32 v26, v27;
	v24 =	vmul.f32 v24, v24;
	v15 =	vadd.f32 v16, v15;
	v16 =	vld [tilespmem:s0+$0x8320]  }
0x74: {  	s2 =	sand.u32 $0x40, s2;
	s28 =	sand.u32 $0x3C00, s28;
	v27 =	vld [tilespmem:s0+$0x330];
	v19 =	vsub.f32 v22, v19  }
0x75: {  	s2 =	sor.u32 s2, s28;
	v21 =	vsub.f32 v28, v21;
	v22 =	vld [tilespmem:s0+$0x8330];
	v15 =	vadd.f32 v24, v15;
	v24 =	vmul.f32 v26, v26  }
0x76: {  	v23 =	vsub.f32 v23, v18;
	v26 =	vld [tilespmem:s2+$0x300];
	v19 =	vmul.f32 v19, v19;
	v17 =	vsub.f32 v20, v17  }
0x77: {  	v20 =	vmul.f32 v21, v21;
	v21 =	vimm.f32 $0.0e+00;
	v15 =	vadd.f32 v24, v15;
	v24 =	vld [tilespmem:s2+$0x8300]  }
0x78: {  	v18 =	vld [tilespmem:s2+$0x310];
	v19 =	vadd.f32 v19, v21;
	v62 =	vmul.f32 v17, v17;
	v16 =	vsub.f32 v25, v16  }
0x79: {  	v23 =	vmul.f32 v23, v23;
	v21 =	vld [tilespmem:s2+$0x8310];
	v15 =	vadd.f32 v20, v15  }
0x7a: {  	v17 =	vld [tilespmem:s2+$0x320];
	v22 =	vsub.f32 v27, v22;
	v25 =	vadd.f32 v62, v19;
	v63 =	vmul.f32 v16, v16  }
0x7b: {  	s30 =	simm.s32 $0x400;
	s0 =	simm.s32 $0x80;
	v20 =	vld [tilespmem:s2+$0x8320];
	v15 =	vadd.f32 v23, v15  }
0x7c: {  	s28 =	sand.u32 $0x3C00, s30;
	s0 =	sand.u32 $0x40, s0;
	v19 =	vld [tilespmem:s2+$0x330];
	v24 =	vsub.f32 v26, v24;
	v23 =	vadd.f32 v63, v25;
	v25 =	vmul.f32 v22, v22  }
0x7d: {  	s31 =	simm.s32 $0xC0;
	s28 =	sor.u32 s0, s28;
	v16 =	vperm.xlane v12, v2;
	v22 =	vld [tilespmem:s2+$0x8330]  }
.LBB2_7:
0x7e: {  	p0 =	sne.s32 s31, $0x7C0;
	v26 =	vld [tilespmem:s28+$0x300];
	v24 =	vmul.f32 v24, v24;
	v21 =	vsub.f32 v18, v21;
	v23 =	vadd.f32 v25, v23  }
0x7f: {  	v25 =	vld [tilespmem:s28+$0x8300]  }
0x80: {  	v18 =	vld [tilespmem:s28+$0x310];
	v23 =	vadd.f32 v24, v23;
	v24 =	vmul.f32 v21, v21;
	v20 =	vsub.f32 v17, v20  }
.Ltmp4:
0x81: {  	v21 =	vld [tilespmem:s28+$0x8310];
	(pc) =	sbr.rel @p0 .LBB2_7-.Ltmp4, $4  }
0x82: {  	v17 =	vld [tilespmem:s28+$0x320];
	v23 =	vadd.f32 v24, v23;
	v27 =	vmul.f32 v20, v20;
	v22 =	vsub.f32 v19, v22  }
0x83: {  	s30 =	sadd.s32 $0x200, s30;
	v20 =	vld [tilespmem:s28+$0x8320]  }
0x84: {  	s0 =	sand.u32 $0x40, s31;
	s2 =	sand.u32 $0x3C00, s30;
	v24 =	vsub.f32 v26, v25;
	v19 =	vld [tilespmem:s28+$0x330];
	v23 =	vadd.f32 v27, v23;
	v25 =	vmul.f32 v22, v22  }
0x85: {  	s31 =	sadd.s32 $0x40, s31;
	v22 =	vld [tilespmem:s28+$0x8330];
	s28 =	sor.u32 s0, s2  }
0x86: {  	v26 =	vld [tilespmem:s28+$0x300]  }
0x87: {  	v27 =	vld [tilespmem:s28+$0x8300]  }
0x88: {  	v28 =	vld [tilespmem:s28+$0x310]  }
0x89: {  	v29 =	vld [tilespmem:s28+$0x8310]  }
0x8a: {  	v30 =	vld [tilespmem:s28+$0x320]  }
0x8b: {  	v24 =	vmul.f32 v24, v24;
	v18 =	vsub.f32 v18, v21;
	v21 =	vadd.f32 v25, v23;
	v23 =	vld [tilespmem:s28+$0x8320];
	s0 =	simm.s32 $0x0  }
0x8c: {  	v25 =	vld [tilespmem:s28+$0x330];
	s2 =	sand.u32 $0x40, s0;
	s0 =	sand.u32 $0x3C00, s0  }
0x8d: {  	v21 =	vadd.f32 v24, v21;
	v18 =	vmul.f32 v18, v18;
	v17 =	vsub.f32 v17, v20;
	v20 =	vld [tilespmem:s28+$0x8330];
	s0 =	sor.u32 s2, s0  }
0x8e: {  	v24 =	vld [tilespmem:s0+$0x380]  }
0x8f: {  	v18 =	vadd.f32 v18, v21;
	v17 =	vmul.f32 v17, v17;
	v19 =	vsub.f32 v19, v22;
	v21 =	vld [tilespmem:s0+$0x8380]  }
0x90: {  	v22 =	vld [tilespmem:s0+$0x390]  }
0x91: {  	v26 =	vsub.f32 v26, v27;
	v17 =	vadd.f32 v17, v18;
	v18 =	vmul.f32 v19, v19;
	v19 =	vld [tilespmem:s0+$0x8390]  }
0x92: {  	v27 =	vld [tilespmem:s0+$0x3A0]  }
0x93: {  	s2 =	simm.s32 $0x40;
	s28 =	simm.s32 $0x200;
	v28 =	vsub.f32 v28, v29;
	v26 =	vmul.f32 v26, v26;
	v17 =	vadd.f32 v18, v17;
	v18 =	vld [tilespmem:s0+$0x83A0]  }
0x94: {  	s2 =	sand.u32 $0x40, s2;
	s28 =	sand.u32 $0x3C00, s28;
	v29 =	vld [tilespmem:s0+$0x3B0];
	v21 =	vsub.f32 v24, v21  }
0x95: {  	s2 =	sor.u32 s2, s28;
	v23 =	vsub.f32 v30, v23;
	v24 =	vld [tilespmem:s0+$0x83B0];
	v17 =	vadd.f32 v26, v17;
	v26 =	vmul.f32 v28, v28  }
0x96: {  	v25 =	vsub.f32 v25, v20;
	v28 =	vld [tilespmem:s2+$0x380];
	v21 =	vmul.f32 v21, v21;
	v19 =	vsub.f32 v22, v19  }
0x97: {  	v22 =	vmul.f32 v23, v23;
	v23 =	vimm.f32 $0.0e+00;
	v17 =	vadd.f32 v26, v17;
	v26 =	vld [tilespmem:s2+$0x8380]  }
0x98: {  	v20 =	vld [tilespmem:s2+$0x390];
	v21 =	vadd.f32 v21, v23;
	v62 =	vmul.f32 v19, v19;
	v18 =	vsub.f32 v27, v18  }
0x99: {  	v25 =	vmul.f32 v25, v25;
	v23 =	vld [tilespmem:s2+$0x8390];
	v17 =	vadd.f32 v22, v17  }
0x9a: {  	v19 =	vld [tilespmem:s2+$0x3A0];
	v24 =	vsub.f32 v29, v24;
	v27 =	vadd.f32 v62, v21;
	v63 =	vmul.f32 v18, v18  }
0x9b: {  	s30 =	simm.s32 $0x400;
	s0 =	simm.s32 $0x80;
	v22 =	vld [tilespmem:s2+$0x83A0];
	v17 =	vadd.f32 v25, v17  }
0x9c: {  	s28 =	sand.u32 $0x3C00, s30;
	s0 =	sand.u32 $0x40, s0;
	v21 =	vld [tilespmem:s2+$0x3B0];
	v26 =	vsub.f32 v28, v26;
	v25 =	vadd.f32 v63, v27;
	v27 =	vmul.f32 v24, v24  }
0x9d: {  	s31 =	simm.s32 $0xC0;
	s28 =	sor.u32 s0, s28;
	v18 =	vperm.xlane v12, v3;
	v24 =	vld [tilespmem:s2+$0x83B0]  }
.LBB2_9:
0x9e: {  	p0 =	sne.s32 s31, $0x7C0;
	v28 =	vld [tilespmem:s28+$0x380];
	v26 =	vmul.f32 v26, v26;
	v23 =	vsub.f32 v20, v23;
	v25 =	vadd.f32 v27, v25  }
0x9f: {  	v27 =	vld [tilespmem:s28+$0x8380]  }
0xa0: {  	v20 =	vld [tilespmem:s28+$0x390];
	v25 =	vadd.f32 v26, v25;
	v26 =	vmul.f32 v23, v23;
	v22 =	vsub.f32 v19, v22  }
.Ltmp5:
0xa1: {  	v23 =	vld [tilespmem:s28+$0x8390];
	(pc) =	sbr.rel @p0 .LBB2_9-.Ltmp5, $4  }
0xa2: {  	v19 =	vld [tilespmem:s28+$0x3A0];
	v25 =	vadd.f32 v26, v25;
	v29 =	vmul.f32 v22, v22;
	v24 =	vsub.f32 v21, v24  }
0xa3: {  	s30 =	sadd.s32 $0x200, s30;
	v22 =	vld [tilespmem:s28+$0x83A0]  }
0xa4: {  	s0 =	sand.u32 $0x40, s31;
	s2 =	sand.u32 $0x3C00, s30;
	v26 =	vsub.f32 v28, v27;
	v21 =	vld [tilespmem:s28+$0x3B0];
	v25 =	vadd.f32 v29, v25;
	v27 =	vmul.f32 v24, v24  }
0xa5: {  	s31 =	sadd.s32 $0x40, s31;
	v24 =	vld [tilespmem:s28+$0x83B0];
	s28 =	sor.u32 s0, s2  }
0xa6: {  	v28 =	vld [tilespmem:s28+$0x380]  }
0xa7: {  	v29 =	vld [tilespmem:s28+$0x8380]  }
0xa8: {  	v30 =	vld [tilespmem:s28+$0x390]  }
0xa9: {  	v31 =	vld [tilespmem:s28+$0x8390];
	p0 =	por $0x0, $0x0;
	s0 =	simm.s32 $0x1;
	v26 =	vmul.f32 v26, v26;
	v20 =	vsub.f32 v20, v23;
	v23 =	vadd.f32 v27, v25  }
0xaa: {  	v25 =	vld [tilespmem:s28+$0x3A0];
	s0 =	simm.s32 @!p0 $0x0  }
0xab: {  	v27 =	vld [tilespmem:s28+$0x83A0];
	s0 =	sshll.u32 s0, $0x6;
	v23 =	vadd.f32 v26, v23;
	v20 =	vmul.f32 v20, v20;
	v19 =	vsub.f32 v19, v22  }
0xac: {  	v22 =	vld [tilespmem:s28+$0x3B0];
	s0 =	sadd.s32 $0x0, s0  }
0xad: {  	v26 =	vld [tilespmem:s28+$0x83B0];
	s2 =	sor.u32 $0x200, s0;
	v20 =	vadd.f32 v20, v23;
	v19 =	vmul.f32 v19, v19;
	v21 =	vsub.f32 v21, v24  }
0xae: {  	v23 =	vld [tilespmem:s2+$0x200]  }
0xaf: {  	v24 =	vld [tilespmem:s2+$0x8200];
	s2 =	sor.u32 $0x210, s0;
	v28 =	vsub.f32 v28, v29;
	v19 =	vadd.f32 v19, v20;
	v20 =	vmul.f32 v21, v21  }
0xb0: {  	v21 =	vld [tilespmem:s2+$0x200]  }
0xb1: {  	p0 =	por !p0, !p0;
	s28 =	simm.s32 $0x1;
	v30 =	vsub.f32 v30, v31;
	v29 =	vld [tilespmem:s2+$0x8200];
	s2 =	sor.u32 $0x220, s0;
	v28 =	vmul.f32 v28, v28;
	v19 =	vadd.f32 v20, v19  }
0xb2: {  	s28 =	simm.s32 @!p0 $0x0;
	v31 =	vld [tilespmem:s2+$0x8200]  }
0xb3: {  	s28 =	sshll.u32 s28, $0x6;
	v25 =	vsub.f32 v25, v27;
	s0 =	sor.u32 $0x230, s0;
	v20 =	vld [tilespmem:s2+$0x200];
	v19 =	vadd.f32 v28, v19;
	v28 =	vmul.f32 v30, v30  }
0xb4: {  	s31 =	sadd.s32 $0x200, s28;
	v32 =	vld [tilespmem:s0+$0x8200];
	v23 =	vsub.f32 v23, v24  }
0xb5: {  	s2 =	sor.u32 $0x200, s31;
	v30 =	vld [tilespmem:s0+$0x200];
	v24 =	vmul.f32 v25, v25;
	v19 =	vadd.f32 v28, v19  }
0xb6: {  	v26 =	vsub.f32 v22, v26;
	v22 =	vld [tilespmem:s2+$0x200];
	v27 =	vsub.f32 v21, v29;
	v23 =	vmul.f32 v23, v23  }
0xb7: {  	v25 =	vld [tilespmem:s2+$0x8200];
	s2 =	sor.u32 $0x210, s31;
	v19 =	vadd.f32 v24, v19;
	v24 =	vimm.f32 $0.0e+00  }
0xb8: {  	v21 =	vld [tilespmem:s2+$0x200];
	v27 =	vmul.f32 v27, v27;
	v29 =	vsub.f32 v20, v31;
	v28 =	vadd.f32 v23, v24  }
0xb9: {  	p0 =	por !p0, !p0;
	v26 =	vmul.f32 v26, v26;
	s0 =	sor.u32 $0x220, s31;
	v24 =	vld [tilespmem:s2+$0x8200];
	s2 =	simm.s32 $0x1  }
0xba: {  	s30 =	simm.s32 $0xC0;
	v23 =	vld [tilespmem:s0+$0x200];
	s2 =	simm.s32 @!p0 $0x0;
	v27 =	vadd.f32 v27, v28;
	v28 =	vmul.f32 v29, v29;
	v29 =	vsub.f32 v30, v32  }
0xbb: {  	s28 =	simm.s32 $0x400;
	s31 =	sor.u32 $0x230, s31;
	v20 =	vperm.xlane v12, v4;
	v19 =	vadd.f32 v26, v19;
	v26 =	vld [tilespmem:s0+$0x8200];
	s2 =	sshll.u32 s2, $0x6  }
.LBB2_11:
0xbc: {  	p1 =	sne.s32 s30, $0x7C0;
	s0 =	sadd.s32 s2, s28;
	v25 =	vsub.f32 v22, v25;
	v30 =	vld [tilespmem:s31+$0x200];
	v27 =	vadd.f32 v28, v27;
	v28 =	vmul.f32 v29, v29  }
0xbd: {  	s2 =	sor.u32 $0x200, s0;
	v29 =	vld [tilespmem:s31+$0x8200]  }
0xbe: {  	v22 =	vld [tilespmem:s2+$0x200];
	v31 =	vmul.f32 v25, v25;
	v24 =	vsub.f32 v21, v24;
	v27 =	vadd.f32 v28, v27  }
.Ltmp6:
0xbf: {  	v25 =	vld [tilespmem:s2+$0x8200];
	s2 =	sor.u32 $0x210, s0;
	(pc) =	sbr.rel @p1 .LBB2_11-.Ltmp6, $4  }
0xc0: {  	v21 =	vld [tilespmem:s2+$0x200];
	v27 =	vadd.f32 v31, v27;
	v28 =	vmul.f32 v24, v24;
	v26 =	vsub.f32 v23, v26  }
0xc1: {  	p0 =	por !p0, !p0;
	s31 =	sor.u32 $0x220, s0;
	v24 =	vld [tilespmem:s2+$0x8200];
	s2 =	simm.s32 $0x1  }
0xc2: {  	s28 =	sadd.s32 $0x200, s28;
	s2 =	simm.s32 @!p0 $0x0;
	v23 =	vld [tilespmem:s31+$0x200];
	v27 =	vadd.f32 v28, v27;
	v28 =	vmul.f32 v26, v26;
	v29 =	vsub.f32 v30, v29  }
0xc3: {  	s30 =	sadd.s32 $0x40, s30;
	s2 =	sshll.u32 s2, $0x6;
	v26 =	vld [tilespmem:s31+$0x8200];
	s31 =	sor.u32 $0x230, s0  }
0xc4: {  	s0 =	sadd.s32 s2, s28;
	v30 =	vld [tilespmem:s31+$0x200]  }
0xc5: {  	v31 =	vld [tilespmem:s31+$0x8200];
	s2 =	sor.u32 $0x200, s0  }
0xc6: {  	v32 =	vld [tilespmem:s2+$0x200]  }
0xc7: {  	v33 =	vld [tilespmem:s2+$0x8200];
	s2 =	sor.u32 $0x210, s0  }
0xc8: {  	v22 =	vsub.f32 v22, v25;
	v25 =	vadd.f32 v28, v27;
	v27 =	vmul.f32 v29, v29;
	v28 =	vld [tilespmem:s2+$0x200]  }
0xc9: {  	p0 =	por $0x0, $0x0;
	s28 =	simm.s32 $0x1;
	v29 =	vld [tilespmem:s2+$0x8200];
	s2 =	sor.u32 $0x220, s0  }
0xca: {  	s28 =	simm.s32 @!p0 $0x0;
	v22 =	vmul.f32 v22, v22;
	v21 =	vsub.f32 v21, v24;
	v24 =	vadd.f32 v27, v25;
	v25 =	vld [tilespmem:s2+$0x200]  }
0xcb: {  	s0 =	sor.u32 $0x230, s0;
	v27 =	vld [tilespmem:s2+$0x8200];
	s2 =	sshll.u32 s28, $0x6  }
0xcc: {  	v22 =	vadd.f32 v22, v24;
	v21 =	vmul.f32 v21, v21;
	v23 =	vsub.f32 v23, v26;
	v24 =	vld [tilespmem:s0+$0x200];
	s2 =	sadd.s32 $0x0, s2  }
0xcd: {  	v26 =	vld [tilespmem:s0+$0x8200];
	s0 =	sor.u32 $0x280, s2  }
0xce: {  	v21 =	vadd.f32 v21, v22;
	v22 =	vmul.f32 v23, v23;
	v23 =	vsub.f32 v30, v31;
	v30 =	vld [tilespmem:s0+$0x200]  }
0xcf: {  	v31 =	vld [tilespmem:s0+$0x8200];
	s0 =	sor.u32 $0x290, s2  }
0xd0: {  	v32 =	vsub.f32 v32, v33;
	v21 =	vadd.f32 v22, v21;
	v22 =	vmul.f32 v23, v23;
	v23 =	vld [tilespmem:s0+$0x200]  }
0xd1: {  	v61 =	vld [tilespmem:s0+$0x8200];
	s0 =	sor.u32 $0x2A0, s2  }
0xd2: {  	p0 =	por !p0, !p0;
	s28 =	simm.s32 $0x1;
	v28 =	vsub.f32 v28, v29;
	v32 =	vmul.f32 v32, v32;
	v29 =	vld [tilespmem:s0+$0x8200];
	v21 =	vadd.f32 v22, v21  }
0xd3: {  	s28 =	simm.s32 @!p0 $0x0;
	v22 =	vld [tilespmem:s0+$0x200];
	s0 =	sor.u32 $0x2B0, s2  }
0xd4: {  	s28 =	sshll.u32 s28, $0x6;
	v25 =	vsub.f32 v25, v27;
	v28 =	vmul.f32 v28, v28;
	v62 =	vld [tilespmem:s0+$0x200];
	v21 =	vadd.f32 v32, v21  }
0xd5: {  	s31 =	sadd.s32 $0x200, s28;
	v27 =	vsub.f32 v30, v31;
	v31 =	vld [tilespmem:s0+$0x8200]  }
0xd6: {  	v26 =	vsub.f32 v24, v26;
	s2 =	sor.u32 $0x280, s31;
	v25 =	vmul.f32 v25, v25;
	v21 =	vadd.f32 v28, v21  }
0xd7: {  	v24 =	vld [tilespmem:s2+$0x200];
	v30 =	vsub.f32 v23, v61;
	v28 =	vmul.f32 v27, v27  }
0xd8: {  	v27 =	vld [tilespmem:s2+$0x8200];
	s2 =	sor.u32 $0x290, s31;
	v21 =	vadd.f32 v25, v21;
	v25 =	vmul.f32 v26, v26;
	v26 =	vimm.f32 $0.0e+00  }
0xd9: {  	v23 =	vld [tilespmem:s2+$0x200];
	v30 =	vmul.f32 v30, v30;
	v63 =	vsub.f32 v22, v29;
	v28 =	vadd.f32 v28, v26  }
0xda: {  	p0 =	por !p0, !p0;
	s0 =	sor.u32 $0x2A0, s31;
	v26 =	vld [tilespmem:s2+$0x8200];
	s2 =	simm.s32 $0x1;
	v31 =	vsub.f32 v62, v31  }
0xdb: {  	s30 =	simm.s32 $0xC0;
	v21 =	vadd.f32 v25, v21;
	s2 =	simm.s32 @!p0 $0x0;
	v25 =	vld [tilespmem:s0+$0x200];
	v29 =	vadd.f32 v30, v28;
	v30 =	vmul.f32 v63, v63  }
0xdc: {  	s28 =	simm.s32 $0x400;
	s31 =	sor.u32 $0x2B0, s31;
	v22 =	vperm.xlane v12, v5;
	s2 =	sshll.u32 s2, $0x6;
	v28 =	vld [tilespmem:s0+$0x8200]  }
.LBB2_13:
0xdd: {  	p1 =	sne.s32 s30, $0x7C0;
	s0 =	sadd.s32 s2, s28;
	v27 =	vsub.f32 v24, v27;
	v32 =	vld [tilespmem:s31+$0x200];
	v29 =	vadd.f32 v30, v29;
	v30 =	vmul.f32 v31, v31  }
0xde: {  	s2 =	sor.u32 $0x280, s0;
	v31 =	vld [tilespmem:s31+$0x8200]  }
0xdf: {  	v24 =	vld [tilespmem:s2+$0x200];
	v33 =	vmul.f32 v27, v27;
	v26 =	vsub.f32 v23, v26;
	v29 =	vadd.f32 v30, v29  }
.Ltmp7:
0xe0: {  	v27 =	vld [tilespmem:s2+$0x8200];
	s2 =	sor.u32 $0x290, s0;
	(pc) =	sbr.rel @p1 .LBB2_13-.Ltmp7, $4  }
0xe1: {  	v23 =	vld [tilespmem:s2+$0x200];
	v29 =	vadd.f32 v33, v29;
	v30 =	vmul.f32 v26, v26;
	v28 =	vsub.f32 v25, v28  }
0xe2: {  	p0 =	por !p0, !p0;
	s31 =	sor.u32 $0x2A0, s0;
	v26 =	vld [tilespmem:s2+$0x8200];
	s2 =	simm.s32 $0x1  }
0xe3: {  	s28 =	sadd.s32 $0x200, s28;
	s2 =	simm.s32 @!p0 $0x0;
	v25 =	vld [tilespmem:s31+$0x200];
	v29 =	vadd.f32 v30, v29;
	v30 =	vmul.f32 v28, v28;
	v31 =	vsub.f32 v32, v31  }
0xe4: {  	s30 =	sadd.s32 $0x40, s30;
	s2 =	sshll.u32 s2, $0x6;
	v28 =	vld [tilespmem:s31+$0x8200];
	s31 =	sor.u32 $0x2B0, s0  }
0xe5: {  	s0 =	sadd.s32 s2, s28;
	v32 =	vld [tilespmem:s31+$0x200]  }
0xe6: {  	v33 =	vld [tilespmem:s31+$0x8200];
	s2 =	sor.u32 $0x280, s0  }
0xe7: {  	v34 =	vld [tilespmem:s2+$0x200]  }
0xe8: {  	v35 =	vld [tilespmem:s2+$0x8200];
	s2 =	sor.u32 $0x290, s0  }
0xe9: {  	v24 =	vsub.f32 v24, v27;
	v27 =	vadd.f32 v30, v29;
	v29 =	vmul.f32 v31, v31;
	v30 =	vld [tilespmem:s2+$0x200]  }
0xea: {  	p0 =	por $0x0, $0x0;
	s28 =	simm.s32 $0x1;
	v31 =	vld [tilespmem:s2+$0x8200];
	s2 =	sor.u32 $0x2A0, s0  }
0xeb: {  	s28 =	simm.s32 @!p0 $0x0;
	v24 =	vmul.f32 v24, v24;
	v23 =	vsub.f32 v23, v26;
	v26 =	vadd.f32 v29, v27;
	v27 =	vld [tilespmem:s2+$0x200]  }
0xec: {  	s0 =	sor.u32 $0x2B0, s0;
	v29 =	vld [tilespmem:s2+$0x8200];
	s2 =	sshll.u32 s28, $0x6  }
0xed: {  	v24 =	vadd.f32 v24, v26;
	v23 =	vmul.f32 v23, v23;
	v25 =	vsub.f32 v25, v28;
	v26 =	vld [tilespmem:s0+$0x200];
	s2 =	sadd.s32 $0x0, s2  }
0xee: {  	v28 =	vld [tilespmem:s0+$0x8200];
	s0 =	sor.u32 $0x300, s2  }
0xef: {  	v23 =	vadd.f32 v23, v24;
	v24 =	vmul.f32 v25, v25;
	v25 =	vsub.f32 v32, v33;
	v57 =	vld [tilespmem:s0+$0x200]  }
0xf0: {  	v58 =	vld [tilespmem:s0+$0x8200];
	s0 =	sor.u32 $0x310, s2  }
0xf1: {  	v34 =	vsub.f32 v34, v35;
	v23 =	vadd.f32 v24, v23;
	v24 =	vmul.f32 v25, v25;
	v25 =	vld [tilespmem:s0+$0x200]  }
0xf2: {  	v59 =	vld [tilespmem:s0+$0x8200];
	s0 =	sor.u32 $0x320, s2  }
0xf3: {  	p0 =	por !p0, !p0;
	s28 =	simm.s32 $0x1;
	v30 =	vsub.f32 v30, v31;
	v34 =	vmul.f32 v34, v34;
	v31 =	vld [tilespmem:s0+$0x8200];
	v23 =	vadd.f32 v24, v23  }
0xf4: {  	s28 =	simm.s32 @!p0 $0x0;
	v24 =	vld [tilespmem:s0+$0x200];
	s0 =	sor.u32 $0x330, s2  }
0xf5: {  	s28 =	sshll.u32 s28, $0x6;
	v27 =	vsub.f32 v27, v29;
	v30 =	vmul.f32 v30, v30;
	v60 =	vld [tilespmem:s0+$0x200];
	v23 =	vadd.f32 v34, v23  }
0xf6: {  	s31 =	sadd.s32 $0x200, s28;
	v61 =	vld [tilespmem:s0+$0x8200];
	v29 =	vsub.f32 v57, v58  }
0xf7: {  	v28 =	vsub.f32 v26, v28;
	s2 =	sor.u32 $0x300, s31;
	v27 =	vmul.f32 v27, v27;
	v23 =	vadd.f32 v30, v23  }
0xf8: {  	v26 =	vld [tilespmem:s2+$0x200];
	v62 =	vsub.f32 v25, v59;
	v30 =	vmul.f32 v29, v29  }
0xf9: {  	v29 =	vld [tilespmem:s2+$0x8200];
	s2 =	sor.u32 $0x310, s31;
	v23 =	vadd.f32 v27, v23;
	v27 =	vmul.f32 v28, v28;
	v28 =	vimm.f32 $0.0e+00  }
0xfa: {  	v25 =	vld [tilespmem:s2+$0x200];
	v32 =	vmul.f32 v62, v62;
	v63 =	vsub.f32 v24, v31;
	v30 =	vadd.f32 v30, v28  }
0xfb: {  	p0 =	por !p0, !p0;
	s0 =	sor.u32 $0x320, s31;
	v33 =	vsub.f32 v60, v61;
	v28 =	vld [tilespmem:s2+$0x8200];
	s2 =	simm.s32 $0x1  }
0xfc: {  	s30 =	simm.s32 $0xC0;
	v23 =	vadd.f32 v27, v23;
	s2 =	simm.s32 @!p0 $0x0;
	v27 =	vld [tilespmem:s0+$0x200];
	v31 =	vadd.f32 v32, v30;
	v32 =	vmul.f32 v63, v63  }
0xfd: {  	s28 =	simm.s32 $0x400;
	s31 =	sor.u32 $0x330, s31;
	v24 =	vperm.xlane v12, v6;
	s2 =	sshll.u32 s2, $0x6;
	v30 =	vld [tilespmem:s0+$0x8200]  }
.LBB2_15:
0xfe: {  	p1 =	sne.s32 s30, $0x7C0;
	s0 =	sadd.s32 s2, s28;
	v29 =	vsub.f32 v26, v29;
	v34 =	vld [tilespmem:s31+$0x200];
	v31 =	vadd.f32 v32, v31;
	v32 =	vmul.f32 v33, v33  }
0xff: {  	s2 =	sor.u32 $0x300, s0;
	v33 =	vld [tilespmem:s31+$0x8200]  }
0x100: {  	v26 =	vld [tilespmem:s2+$0x200];
	v35 =	vmul.f32 v29, v29;
	v28 =	vsub.f32 v25, v28;
	v31 =	vadd.f32 v32, v31  }
.Ltmp8:
0x101: {  	v29 =	vld [tilespmem:s2+$0x8200];
	s2 =	sor.u32 $0x310, s0;
	(pc) =	sbr.rel @p1 .LBB2_15-.Ltmp8, $4  }
0x102: {  	v25 =	vld [tilespmem:s2+$0x200];
	v31 =	vadd.f32 v35, v31;
	v32 =	vmul.f32 v28, v28;
	v30 =	vsub.f32 v27, v30  }
0x103: {  	p0 =	por !p0, !p0;
	s31 =	sor.u32 $0x320, s0;
	v28 =	vld [tilespmem:s2+$0x8200];
	s2 =	simm.s32 $0x1  }
0x104: {  	s28 =	sadd.s32 $0x200, s28;
	s2 =	simm.s32 @!p0 $0x0;
	v27 =	vld [tilespmem:s31+$0x200];
	v31 =	vadd.f32 v32, v31;
	v32 =	vmul.f32 v30, v30;
	v33 =	vsub.f32 v34, v33  }
0x105: {  	s30 =	sadd.s32 $0x40, s30;
	s2 =	sshll.u32 s2, $0x6;
	v30 =	vld [tilespmem:s31+$0x8200];
	s31 =	sor.u32 $0x330, s0  }
0x106: {  	s0 =	sadd.s32 s2, s28;
	v34 =	vld [tilespmem:s31+$0x200]  }
0x107: {  	v35 =	vld [tilespmem:s31+$0x8200];
	s2 =	sor.u32 $0x300, s0  }
0x108: {  	v36 =	vld [tilespmem:s2+$0x200]  }
0x109: {  	v37 =	vld [tilespmem:s2+$0x8200];
	s2 =	sor.u32 $0x310, s0  }
0x10a: {  	v26 =	vsub.f32 v26, v29;
	v29 =	vadd.f32 v32, v31;
	v31 =	vmul.f32 v33, v33;
	v53 =	vld [tilespmem:s2+$0x200]  }
0x10b: {  	p0 =	por $0x0, $0x0;
	s28 =	simm.s32 $0x1;
	v54 =	vld [tilespmem:s2+$0x8200];
	s2 =	sor.u32 $0x320, s0  }
0x10c: {  	s28 =	simm.s32 @!p0 $0x0;
	v26 =	vmul.f32 v26, v26;
	v25 =	vsub.f32 v25, v28;
	v28 =	vadd.f32 v31, v29;
	v29 =	vld [tilespmem:s2+$0x200]  }
0x10d: {  	s0 =	sor.u32 $0x330, s0;
	v31 =	vld [tilespmem:s2+$0x8200];
	s2 =	sshll.u32 s28, $0x6  }
0x10e: {  	v26 =	vadd.f32 v26, v28;
	v28 =	vld [tilespmem:s0+$0x200];
	s2 =	sadd.s32 $0x0, s2  }
0x10f: {  	v25 =	vmul.f32 v25, v25;
	v27 =	vsub.f32 v27, v30;
	v30 =	vld [tilespmem:s0+$0x8200];
	s0 =	sor.u32 $0x380, s2  }
0x110: {  	v55 =	vld [tilespmem:s0+$0x200]  }
0x111: {  	v25 =	vadd.f32 v25, v26;
	v26 =	vmul.f32 v27, v27;
	v27 =	vsub.f32 v34, v35;
	v56 =	vld [tilespmem:s0+$0x8200];
	s0 =	sor.u32 $0x390, s2  }
0x112: {  	v57 =	vld [tilespmem:s0+$0x200]  }
0x113: {  	v36 =	vsub.f32 v36, v37;
	v25 =	vadd.f32 v26, v25;
	v26 =	vmul.f32 v27, v27;
	v38 =	vld [tilespmem:s0+$0x8200];
	s0 =	sor.u32 $0x3A0, s2  }
0x114: {  	p0 =	por !p0, !p0;
	s28 =	simm.s32 $0x1;
	v58 =	vld [tilespmem:s0+$0x8200]  }
0x115: {  	s28 =	simm.s32 @!p0 $0x0;
	v32 =	vsub.f32 v53, v54;
	v27 =	vmul.f32 v36, v36;
	v25 =	vadd.f32 v26, v25;
	v26 =	vld [tilespmem:s0+$0x200]  }
0x116: {  	s28 =	sshll.u32 s28, $0x6;
	v29 =	vsub.f32 v29, v31;
	s0 =	sor.u32 $0x3B0, s2  }
0x117: {  	s31 =	sadd.s32 $0x200, s28;
	v59 =	vld [tilespmem:s0+$0x200];
	v25 =	vadd.f32 v27, v25;
	v27 =	vmul.f32 v32, v32;
	v31 =	vsub.f32 v55, v56  }
0x118: {  	v28 =	vsub.f32 v28, v30;
	s2 =	sor.u32 $0x380, s31;
	v60 =	vld [tilespmem:s0+$0x8200];
	v61 =	vsub.f32 v57, v38  }
0x119: {  	v29 =	vmul.f32 v29, v29;
	v30 =	vld [tilespmem:s2+$0x8200];
	v25 =	vadd.f32 v27, v25;
	v31 =	vmul.f32 v31, v31  }
0x11a: {  	v62 =	vimm.f32 $0.0e+00;
	v27 =	vld [tilespmem:s2+$0x200];
	s2 =	sor.u32 $0x390, s31;
	v34 =	vmul.f32 v61, v61;
	v63 =	vsub.f32 v26, v58  }
0x11b: {  	v25 =	vadd.f32 v29, v25;
	v29 =	vmul.f32 v28, v28;
	v28 =	vld [tilespmem:s2+$0x200];
	v36 =	vadd.f32 v31, v62  }
0x11c: {  	p0 =	por !p0, !p0;
	s0 =	sor.u32 $0x3A0, s31;
	v31 =	vld [tilespmem:s2+$0x8200];
	s2 =	simm.s32 $0x1  }
0x11d: {  	s30 =	simm.s32 $0xC0;
	v32 =	vld [tilespmem:s0+$0x8200];
	v35 =	vsub.f32 v59, v60;
	s2 =	simm.s32 @!p0 $0x0;
	v33 =	vadd.f32 v34, v36;
	v34 =	vmul.f32 v63, v63  }
0x11e: {  	s28 =	simm.s32 $0x400;
	s31 =	sor.u32 $0x3B0, s31;
	v26 =	vperm.xlane v12, v7;
	v25 =	vadd.f32 v29, v25;
	v29 =	vld [tilespmem:s0+$0x200];
	s2 =	sshll.u32 s2, $0x6  }
.LBB2_17:
0x11f: {  	p1 =	sne.s32 s30, $0x7C0;
	s0 =	sadd.s32 s2, s28;
	v30 =	vsub.f32 v27, v30;
	v36 =	vld [tilespmem:s31+$0x200];
	v33 =	vadd.f32 v34, v33;
	v34 =	vmul.f32 v35, v35  }
0x120: {  	s2 =	sor.u32 $0x380, s0;
	v35 =	vld [tilespmem:s31+$0x8200]  }
0x121: {  	v27 =	vld [tilespmem:s2+$0x200];
	v37 =	vmul.f32 v30, v30;
	v31 =	vsub.f32 v28, v31;
	v33 =	vadd.f32 v34, v33  }
.Ltmp9:
0x122: {  	v30 =	vld [tilespmem:s2+$0x8200];
	s2 =	sor.u32 $0x390, s0;
	(pc) =	sbr.rel @p1 .LBB2_17-.Ltmp9, $4  }
0x123: {  	v28 =	vld [tilespmem:s2+$0x200];
	v33 =	vadd.f32 v37, v33;
	v34 =	vmul.f32 v31, v31;
	v32 =	vsub.f32 v29, v32  }
0x124: {  	p0 =	por !p0, !p0;
	s31 =	sor.u32 $0x3A0, s0;
	v31 =	vld [tilespmem:s2+$0x8200];
	s2 =	simm.s32 $0x1  }
0x125: {  	s28 =	sadd.s32 $0x200, s28;
	s2 =	simm.s32 @!p0 $0x0;
	v29 =	vld [tilespmem:s31+$0x200];
	v33 =	vadd.f32 v34, v33;
	v34 =	vmul.f32 v32, v32;
	v35 =	vsub.f32 v36, v35  }
0x126: {  	s30 =	sadd.s32 $0x40, s30;
	s2 =	sshll.u32 s2, $0x6;
	v32 =	vld [tilespmem:s31+$0x8200];
	s31 =	sor.u32 $0x3B0, s0  }
0x127: {  	s0 =	sadd.s32 s2, s28;
	v36 =	vld [tilespmem:s31+$0x200]  }
0x128: {  	v37 =	vld [tilespmem:s31+$0x8200];
	s2 =	sor.u32 $0x380, s0  }
0x129: {  	v38 =	vld [tilespmem:s2+$0x200]  }
0x12a: {  	v39 =	vld [tilespmem:s2+$0x8200];
	s2 =	sor.u32 $0x390, s0  }
0x12b: {  	v40 =	vld [tilespmem:s2+$0x200]  }
0x12c: {  	s28 =	sshll.u32 s26, $0x1;
	p0 =	seq.s32 s26, $0x17;
	v41 =	vld [tilespmem:s2+$0x8200];
	s2 =	sor.u32 $0x3A0, s0  }
0x12d: {  	s30 =	sadd.s32 @!p0 s28, s10;
	v42 =	vld [tilespmem:s2+$0x200]  }
0x12e: {  	s0 =	sor.u32 $0x3B0, s0;
	v43 =	vld [tilespmem:s2+$0x8200];
	s2 =	sshll.u32 @!p0 s30, $0xB  }
0x12f: {  	v44 =	vld [tilespmem:s0+$0x200];
	s2 =	sand.u32 @!p0 $0x1FFFF000, s2  }
0x130: {  	s31 =	simm.s32 @!p0 $0x200;
	v45 =	vld [tilespmem:s0+$0x8200];
	s30 =	simm.s32 @!p0 $0x0;
	s0 =	sadd.s32 @!p0 s1, s2  }
0x131: {  	v27 =	vsub.f32 v27, v30;
	v52 =	vadd.f32 v34, v33;
	v53 =	vmul.f32 v35, v35;
	[tilespmem:s31], [sflag:$0x1] =	stream.linear.gather @!p0 [hbm4b:s0+s30], $0x4000, $0x38;
	[tilespmem:$0x10280] =	vst v63  }
0x132: {  	s0 =	sadd.s32 @!p0 s3, s2;
	s2 =	simm.s32 @!p0 $0x8200  }
0x133: {  	v28 =	vsub.f32 v28, v31;
	v30 =	vadd.f32 v53, v52;
	v27 =	vmul.f32 v27, v27;
	[tilespmem:s2], [sflag:$0x2] =	stream.linear.gather @!p0 [hbm4b:s0+s30], $0x4000, $0x38;
	[tilespmem:$0x10280] =	vst v63  }
0x134: {  	_ =	swait.ge [sflag:s22], $0x4000  }
0x135: {  	v27 =	vadd.f32 v27, v30;
	v29 =	vsub.f32 v29, v32;
	v28 =	vmul.f32 v28, v28;
	[sflag:s22] =	ssyncset.done $0x0  }
0x136: {  	v13 =	vmul.f32 v14, v13;
	[sflag:s22] =	ssyncadd.s32 $0xFFFFC000  }
0x137: {  	v54 =	vsub.f32 v36, v37;
	v27 =	vadd.f32 v28, v27;
	v29 =	vmul.f32 v29, v29;
	_ =	swait.ge [sflag:s23], $0x4000  }
0x138: {  	v15 =	vmul.f32 v16, v15;
	v11 =	vadd.f32 v13, v11;
	s0 =	simm.s32 $0x0;
	[sflag:s23] =	ssyncset.done $0x0  }
0x139: {  	v14 =	vsub.f32 v38, v39;
	v28 =	vmul.f32 v54, v54;
	v27 =	vadd.f32 v29, v27;
	s2 =	sand.u32 $0x40, s0;
	s0 =	sand.u32 $0x3C00, s0;
	[sflag:s23] =	ssyncadd.s32 $0xFFFFC000  }
0x13a: {  	v11 =	vadd.f32 v15, v11;
	v15 =	vmul.f32 v18, v17;
	s0 =	sor.u32 s2, s0;
	v13 =	vld [tilespmem:s29+$0x8]  }
0x13b: {  	v16 =	vsub.f32 v40, v41;
	v14 =	vmul.f32 v14, v14;
	v27 =	vadd.f32 v28, v27;
	v55 =	vld [tilespmem:s0+$0x4200]  }
0x13c: {  	v11 =	vadd.f32 v15, v11;
	v15 =	vmul.f32 v20, v19;
	v17 =	vld [tilespmem:s0+$0xC200]  }
0x13d: {  	v18 =	vsub.f32 v42, v43;
	v16 =	vmul.f32 v16, v16;
	v14 =	vadd.f32 v14, v27;
	v56 =	vld [tilespmem:s0+$0x4210]  }
0x13e: {  	v11 =	vadd.f32 v15, v11;
	v15 =	vmul.f32 v22, v21;
	v19 =	vld [tilespmem:s0+$0xC210]  }
0x13f: {  	v14 =	vadd.f32 v16, v14;
	v16 =	vmul.f32 v18, v18;
	v18 =	vsub.f32 v44, v45;
	v20 =	vld [tilespmem:s0+$0x4220]  }
0x140: {  	v11 =	vadd.f32 v15, v11;
	v15 =	vmul.f32 v24, v23;
	s2 =	simm.s32 $0x40;
	v21 =	vld [tilespmem:s0+$0xC220];
	s29 =	simm.s32 $0x200  }
0x141: {  	s2 =	sand.u32 $0x40, s2;
	v14 =	vadd.f32 v16, v14;
	v16 =	vmul.f32 v18, v18;
	v18 =	vld [tilespmem:s0+$0x4230];
	s29 =	sand.u32 $0x3C00, s29;
	v17 =	vsub.f32 v55, v17  }
0x142: {  	v22 =	vld [tilespmem:s0+$0xC230];
	s2 =	sor.u32 s2, s29  }
0x143: {  	v11 =	vadd.f32 v15, v11;
	v23 =	vld [tilespmem:s2+$0x4200];
	v15 =	vmul.f32 v17, v17;
	v17 =	vsub.f32 v56, v19  }
0x144: {  	v58 =	vperm.xlane v12, v8;
	v59 =	vimm.f32 $0.0e+00;
	v16 =	vadd.f32 v16, v14;
	v19 =	vld [tilespmem:s2+$0xC200]  }
0x145: {  	v14 =	vld [tilespmem:s2+$0x4210];
	v20 =	vsub.f32 v20, v21;
	v15 =	vadd.f32 v15, v59;
	v60 =	vmul.f32 v17, v17  }
0x146: {  	v57 =	vmul.f32 v26, v25;
	v61 =	vmul.f32 v58, v16;
	v21 =	vnsel vm0, $0x0, v12;
	v17 =	vld [tilespmem:s2+$0xC210]  }
0x147: {  	v16 =	vld [tilespmem:s2+$0xC220];
	v18 =	vsub.f32 v18, v22;
	v63 =	vmul.f32 v20, v20;
	v62 =	vadd.f32 v60, v15  }
0x148: {  	s30 =	simm.s32 $0x400;
	v11 =	vadd.f32 v57, v11;
	s0 =	simm.s32 $0x80;
	v12 =	vld [tilespmem:s2+$0x4220];
	v10 =	vadd.f32 v21, v10  }
0x149: {  	s0 =	sand.u32 $0x40, s0;
	s29 =	sand.u32 $0x3C00, s30;
	v21 =	vmul.f32 v18, v18;
	v18 =	vld [tilespmem:s2+$0xC230];
	v20 =	vsub.f32 v23, v19;
	v19 =	vadd.f32 v63, v62  }
0x14a: {  	s31 =	simm.s32 $0xC0;
	s29 =	sor.u32 s0, s29;
	v11 =	vadd.f32 v61, v11;
	v15 =	vld [tilespmem:s2+$0x4230]  }
.LBB2_19:
0x14b: {  	p1 =	sne.s32 s31, $0x7C0;
	v22 =	vld [tilespmem:s29+$0x4200];
	v20 =	vmul.f32 v20, v20;
	v17 =	vsub.f32 v14, v17;
	v19 =	vadd.f32 v21, v19  }
0x14c: {  	v21 =	vld [tilespmem:s29+$0xC200]  }
0x14d: {  	v14 =	vld [tilespmem:s29+$0x4210];
	v19 =	vadd.f32 v20, v19;
	v20 =	vmul.f32 v17, v17;
	v16 =	vsub.f32 v12, v16  }
.Ltmp10:
0x14e: {  	v17 =	vld [tilespmem:s29+$0xC210];
	(pc) =	sbr.rel @p1 .LBB2_19-.Ltmp10, $4  }
0x14f: {  	v12 =	vld [tilespmem:s29+$0x4220];
	v19 =	vadd.f32 v20, v19;
	v23 =	vmul.f32 v16, v16;
	v18 =	vsub.f32 v15, v18  }
0x150: {  	s30 =	sadd.s32 $0x200, s30;
	v16 =	vld [tilespmem:s29+$0xC220]  }
0x151: {  	s0 =	sand.u32 $0x40, s31;
	s2 =	sand.u32 $0x3C00, s30;
	v20 =	vsub.f32 v22, v21;
	v15 =	vld [tilespmem:s29+$0x4230];
	v19 =	vadd.f32 v23, v19;
	v21 =	vmul.f32 v18, v18  }
0x152: {  	s31 =	sadd.s32 $0x40, s31;
	v18 =	vld [tilespmem:s29+$0xC230];
	s29 =	sor.u32 s0, s2  }
0x153: {  	v22 =	vld [tilespmem:s29+$0x4200]  }
0x154: {  	v23 =	vld [tilespmem:s29+$0xC200]  }
0x155: {  	v24 =	vld [tilespmem:s29+$0x4210]  }
0x156: {  	v25 =	vld [tilespmem:s29+$0xC210]  }
0x157: {  	v26 =	vld [tilespmem:s29+$0x4220]  }
0x158: {  	v20 =	vmul.f32 v20, v20;
	v14 =	vsub.f32 v14, v17;
	v17 =	vadd.f32 v21, v19;
	v19 =	vld [tilespmem:s29+$0xC220];
	s0 =	simm.s32 $0x0  }
0x159: {  	v21 =	vld [tilespmem:s29+$0x4230];
	s2 =	sand.u32 $0x40, s0;
	s0 =	sand.u32 $0x3C00, s0  }
0x15a: {  	v17 =	vadd.f32 v20, v17;
	v14 =	vmul.f32 v14, v14;
	v12 =	vsub.f32 v12, v16;
	v16 =	vld [tilespmem:s29+$0xC230];
	s0 =	sor.u32 s2, s0  }
0x15b: {  	v20 =	vld [tilespmem:s0+$0x4280]  }
0x15c: {  	v14 =	vadd.f32 v14, v17;
	v12 =	vmul.f32 v12, v12;
	v15 =	vsub.f32 v15, v18;
	v17 =	vld [tilespmem:s0+$0xC280]  }
0x15d: {  	v18 =	vld [tilespmem:s0+$0x4290]  }
0x15e: {  	v22 =	vsub.f32 v22, v23;
	v12 =	vadd.f32 v12, v14;
	v14 =	vmul.f32 v15, v15;
	v15 =	vld [tilespmem:s0+$0xC290]  }
0x15f: {  	v23 =	vld [tilespmem:s0+$0x42A0]  }
0x160: {  	s2 =	simm.s32 $0x40;
	s29 =	simm.s32 $0x200;
	v24 =	vsub.f32 v24, v25;
	v22 =	vmul.f32 v22, v22;
	v12 =	vadd.f32 v14, v12;
	v14 =	vld [tilespmem:s0+$0xC2A0]  }
0x161: {  	vm1 =	veq.s32 v13, $0x0;
	s2 =	sand.u32 $0x40, s2;
	s29 =	sand.u32 $0x3C00, s29;
	v61 =	vld [tilespmem:s0+$0xC2B0];
	v17 =	vsub.f32 v20, v17  }
0x162: {  	s2 =	sor.u32 s2, s29;
	v19 =	vsub.f32 v26, v19;
	v20 =	vld [tilespmem:s0+$0x42B0];
	v12 =	vadd.f32 v22, v12;
	v22 =	vmul.f32 v24, v24  }
0x163: {  	v62 =	vld [tilespmem:s2+$0x4280];
	v17 =	vmul.f32 v17, v17;
	v15 =	vsub.f32 v18, v15;
	v18 =	vsub.f32 v21, v16  }
0x164: {  	v63 =	vld [tilespmem:s2+$0xC280];
	v21 =	vmul.f32 v19, v19;
	v12 =	vadd.f32 v22, v12;
	v22 =	vimm.f32 $0.0e+00  }
0x165: {  	v16 =	vld [tilespmem:s2+$0x4290];
	v17 =	vadd.f32 v17, v22;
	v13 =	vmul.f32 v15, v15;
	v14 =	vsub.f32 v23, v14  }
0x166: {  	v19 =	vld [tilespmem:s2+$0xC290];
	v22 =	vmul.f32 v18, v18;
	v21 =	vadd.f32 v21, v12  }
0x167: {  	v15 =	vld [tilespmem:s2+$0x42A0];
	v20 =	vsub.f32 v20, v61;
	v23 =	vadd.f32 v13, v17;
	v27 =	vmul.f32 v14, v14  }
0x168: {  	s30 =	simm.s32 $0x400;
	s0 =	simm.s32 $0x80;
	v18 =	vld [tilespmem:s2+$0xC2A0];
	v12 =	vsel vm1, $0x0, v1;
	v13 =	vadd.f32 v22, v21  }
0x169: {  	s29 =	sand.u32 $0x3C00, s30;
	s0 =	sand.u32 $0x40, s0;
	v17 =	vld [tilespmem:s2+$0x42B0];
	v22 =	vsub.f32 v62, v63;
	v21 =	vadd.f32 v27, v23;
	v23 =	vmul.f32 v20, v20  }
0x16a: {  	s31 =	simm.s32 $0xC0;
	s29 =	sor.u32 s0, s29;
	v14 =	vperm.xlane v12, v0;
	v20 =	vld [tilespmem:s2+$0xC2B0]  }
.LBB2_21:
0x16b: {  	p1 =	sne.s32 s31, $0x7C0;
	v24 =	vld [tilespmem:s29+$0x4280];
	v22 =	vmul.f32 v22, v22;
	v19 =	vsub.f32 v16, v19;
	v21 =	vadd.f32 v23, v21  }
0x16c: {  	v23 =	vld [tilespmem:s29+$0xC280]  }
0x16d: {  	v16 =	vld [tilespmem:s29+$0x4290];
	v21 =	vadd.f32 v22, v21;
	v22 =	vmul.f32 v19, v19;
	v18 =	vsub.f32 v15, v18  }
.Ltmp11:
0x16e: {  	v19 =	vld [tilespmem:s29+$0xC290];
	(pc) =	sbr.rel @p1 .LBB2_21-.Ltmp11, $4  }
0x16f: {  	v15 =	vld [tilespmem:s29+$0x42A0];
	v21 =	vadd.f32 v22, v21;
	v25 =	vmul.f32 v18, v18;
	v20 =	vsub.f32 v17, v20  }
0x170: {  	s30 =	sadd.s32 $0x200, s30;
	v18 =	vld [tilespmem:s29+$0xC2A0]  }
0x171: {  	s0 =	sand.u32 $0x40, s31;
	s2 =	sand.u32 $0x3C00, s30;
	v22 =	vsub.f32 v24, v23;
	v17 =	vld [tilespmem:s29+$0x42B0];
	v21 =	vadd.f32 v25, v21;
	v23 =	vmul.f32 v20, v20  }
0x172: {  	s31 =	sadd.s32 $0x40, s31;
	v20 =	vld [tilespmem:s29+$0xC2B0];
	s29 =	sor.u32 s0, s2  }
0x173: {  	v24 =	vld [tilespmem:s29+$0x4280]  }
0x174: {  	v25 =	vld [tilespmem:s29+$0xC280]  }
0x175: {  	v26 =	vld [tilespmem:s29+$0x4290]  }
0x176: {  	v27 =	vld [tilespmem:s29+$0xC290]  }
0x177: {  	v28 =	vld [tilespmem:s29+$0x42A0]  }
0x178: {  	v22 =	vmul.f32 v22, v22;
	v16 =	vsub.f32 v16, v19;
	v19 =	vadd.f32 v23, v21;
	v21 =	vld [tilespmem:s29+$0xC2A0];
	s0 =	simm.s32 $0x0  }
0x179: {  	v23 =	vld [tilespmem:s29+$0x42B0];
	s2 =	sand.u32 $0x40, s0;
	s0 =	sand.u32 $0x3C00, s0  }
0x17a: {  	v19 =	vadd.f32 v22, v19;
	v16 =	vmul.f32 v16, v16;
	v15 =	vsub.f32 v15, v18;
	v18 =	vld [tilespmem:s29+$0xC2B0];
	s0 =	sor.u32 s2, s0  }
0x17b: {  	v22 =	vld [tilespmem:s0+$0x4300]  }
0x17c: {  	v16 =	vadd.f32 v16, v19;
	v15 =	vmul.f32 v15, v15;
	v17 =	vsub.f32 v17, v20;
	v19 =	vld [tilespmem:s0+$0xC300]  }
0x17d: {  	v20 =	vld [tilespmem:s0+$0x4310]  }
0x17e: {  	v24 =	vsub.f32 v24, v25;
	v15 =	vadd.f32 v15, v16;
	v16 =	vmul.f32 v17, v17;
	v17 =	vld [tilespmem:s0+$0xC310]  }
0x17f: {  	v25 =	vld [tilespmem:s0+$0x4320]  }
0x180: {  	s2 =	simm.s32 $0x40;
	s29 =	simm.s32 $0x200;
	v26 =	vsub.f32 v26, v27;
	v24 =	vmul.f32 v24, v24;
	v15 =	vadd.f32 v16, v15;
	v16 =	vld [tilespmem:s0+$0xC320]  }
0x181: {  	s2 =	sand.u32 $0x40, s2;
	s29 =	sand.u32 $0x3C00, s29;
	v27 =	vld [tilespmem:s0+$0x4330];
	v19 =	vsub.f32 v22, v19  }
0x182: {  	s2 =	sor.u32 s2, s29;
	v21 =	vsub.f32 v28, v21;
	v22 =	vld [tilespmem:s0+$0xC330];
	v15 =	vadd.f32 v24, v15;
	v24 =	vmul.f32 v26, v26  }
0x183: {  	v23 =	vsub.f32 v23, v18;
	v26 =	vld [tilespmem:s2+$0x4300];
	v19 =	vmul.f32 v19, v19;
	v17 =	vsub.f32 v20, v17  }
0x184: {  	v20 =	vmul.f32 v21, v21;
	v21 =	vimm.f32 $0.0e+00;
	v15 =	vadd.f32 v24, v15;
	v24 =	vld [tilespmem:s2+$0xC300]  }
0x185: {  	v18 =	vld [tilespmem:s2+$0x4310];
	v19 =	vadd.f32 v19, v21;
	v62 =	vmul.f32 v17, v17;
	v16 =	vsub.f32 v25, v16  }
0x186: {  	v23 =	vmul.f32 v23, v23;
	v21 =	vld [tilespmem:s2+$0xC310];
	v15 =	vadd.f32 v20, v15  }
0x187: {  	v17 =	vld [tilespmem:s2+$0x4320];
	v22 =	vsub.f32 v27, v22;
	v25 =	vadd.f32 v62, v19;
	v63 =	vmul.f32 v16, v16  }
0x188: {  	s30 =	simm.s32 $0x400;
	s0 =	simm.s32 $0x80;
	v20 =	vld [tilespmem:s2+$0xC320];
	v15 =	vadd.f32 v23, v15  }
0x189: {  	s29 =	sand.u32 $0x3C00, s30;
	s0 =	sand.u32 $0x40, s0;
	v19 =	vld [tilespmem:s2+$0x4330];
	v24 =	vsub.f32 v26, v24;
	v23 =	vadd.f32 v63, v25;
	v25 =	vmul.f32 v22, v22  }
0x18a: {  	s31 =	simm.s32 $0xC0;
	s29 =	sor.u32 s0, s29;
	v16 =	vperm.xlane v12, v2;
	v22 =	vld [tilespmem:s2+$0xC330]  }
.LBB2_23:
0x18b: {  	p1 =	sne.s32 s31, $0x7C0;
	v26 =	vld [tilespmem:s29+$0x4300];
	v24 =	vmul.f32 v24, v24;
	v21 =	vsub.f32 v18, v21;
	v23 =	vadd.f32 v25, v23  }
0x18c: {  	v25 =	vld [tilespmem:s29+$0xC300]  }
0x18d: {  	v18 =	vld [tilespmem:s29+$0x4310];
	v23 =	vadd.f32 v24, v23;
	v24 =	vmul.f32 v21, v21;
	v20 =	vsub.f32 v17, v20  }
.Ltmp12:
0x18e: {  	v21 =	vld [tilespmem:s29+$0xC310];
	(pc) =	sbr.rel @p1 .LBB2_23-.Ltmp12, $4  }
0x18f: {  	v17 =	vld [tilespmem:s29+$0x4320];
	v23 =	vadd.f32 v24, v23;
	v27 =	vmul.f32 v20, v20;
	v22 =	vsub.f32 v19, v22  }
0x190: {  	s30 =	sadd.s32 $0x200, s30;
	v20 =	vld [tilespmem:s29+$0xC320]  }
0x191: {  	s0 =	sand.u32 $0x40, s31;
	s2 =	sand.u32 $0x3C00, s30;
	v24 =	vsub.f32 v26, v25;
	v19 =	vld [tilespmem:s29+$0x4330];
	v23 =	vadd.f32 v27, v23;
	v25 =	vmul.f32 v22, v22  }
0x192: {  	s31 =	sadd.s32 $0x40, s31;
	v22 =	vld [tilespmem:s29+$0xC330];
	s29 =	sor.u32 s0, s2  }
0x193: {  	v26 =	vld [tilespmem:s29+$0x4300]  }
0x194: {  	v27 =	vld [tilespmem:s29+$0xC300]  }
0x195: {  	v28 =	vld [tilespmem:s29+$0x4310]  }
0x196: {  	v29 =	vld [tilespmem:s29+$0xC310]  }
0x197: {  	v30 =	vld [tilespmem:s29+$0x4320]  }
0x198: {  	v24 =	vmul.f32 v24, v24;
	v18 =	vsub.f32 v18, v21;
	v21 =	vadd.f32 v25, v23;
	v23 =	vld [tilespmem:s29+$0xC320];
	s0 =	simm.s32 $0x0  }
0x199: {  	v25 =	vld [tilespmem:s29+$0x4330];
	s2 =	sand.u32 $0x40, s0;
	s0 =	sand.u32 $0x3C00, s0  }
0x19a: {  	v21 =	vadd.f32 v24, v21;
	v18 =	vmul.f32 v18, v18;
	v17 =	vsub.f32 v17, v20;
	v20 =	vld [tilespmem:s29+$0xC330];
	s0 =	sor.u32 s2, s0  }
0x19b: {  	v24 =	vld [tilespmem:s0+$0x4380]  }
0x19c: {  	v18 =	vadd.f32 v18, v21;
	v17 =	vmul.f32 v17, v17;
	v19 =	vsub.f32 v19, v22;
	v21 =	vld [tilespmem:s0+$0xC380]  }
0x19d: {  	v22 =	vld [tilespmem:s0+$0x4390]  }
0x19e: {  	v26 =	vsub.f32 v26, v27;
	v17 =	vadd.f32 v17, v18;
	v18 =	vmul.f32 v19, v19;
	v19 =	vld [tilespmem:s0+$0xC390]  }
0x19f: {  	v27 =	vld [tilespmem:s0+$0x43A0]  }
0x1a0: {  	s2 =	simm.s32 $0x40;
	s29 =	simm.s32 $0x200;
	v28 =	vsub.f32 v28, v29;
	v26 =	vmul.f32 v26, v26;
	v17 =	vadd.f32 v18, v17;
	v18 =	vld [tilespmem:s0+$0xC3A0]  }
0x1a1: {  	s2 =	sand.u32 $0x40, s2;
	s29 =	sand.u32 $0x3C00, s29;
	v29 =	vld [tilespmem:s0+$0x43B0];
	v21 =	vsub.f32 v24, v21  }
0x1a2: {  	s2 =	sor.u32 s2, s29;
	v23 =	vsub.f32 v30, v23;
	v24 =	vld [tilespmem:s0+$0xC3B0];
	v17 =	vadd.f32 v26, v17;
	v26 =	vmul.f32 v28, v28  }
0x1a3: {  	v25 =	vsub.f32 v25, v20;
	v28 =	vld [tilespmem:s2+$0x4380];
	v21 =	vmul.f32 v21, v21;
	v19 =	vsub.f32 v22, v19  }
0x1a4: {  	v22 =	vmul.f32 v23, v23;
	v23 =	vimm.f32 $0.0e+00;
	v17 =	vadd.f32 v26, v17;
	v26 =	vld [tilespmem:s2+$0xC380]  }
0x1a5: {  	v20 =	vld [tilespmem:s2+$0x4390];
	v21 =	vadd.f32 v21, v23;
	v62 =	vmul.f32 v19, v19;
	v18 =	vsub.f32 v27, v18  }
0x1a6: {  	v25 =	vmul.f32 v25, v25;
	v23 =	vld [tilespmem:s2+$0xC390];
	v17 =	vadd.f32 v22, v17  }
0x1a7: {  	v19 =	vld [tilespmem:s2+$0x43A0];
	v24 =	vsub.f32 v29, v24;
	v27 =	vadd.f32 v62, v21;
	v63 =	vmul.f32 v18, v18  }
0x1a8: {  	s30 =	simm.s32 $0x400;
	s0 =	simm.s32 $0x80;
	v22 =	vld [tilespmem:s2+$0xC3A0];
	v17 =	vadd.f32 v25, v17  }
0x1a9: {  	s29 =	sand.u32 $0x3C00, s30;
	s0 =	sand.u32 $0x40, s0;
	v21 =	vld [tilespmem:s2+$0x43B0];
	v26 =	vsub.f32 v28, v26;
	v25 =	vadd.f32 v63, v27;
	v27 =	vmul.f32 v24, v24  }
0x1aa: {  	s31 =	simm.s32 $0xC0;
	s29 =	sor.u32 s0, s29;
	v18 =	vperm.xlane v12, v3;
	v24 =	vld [tilespmem:s2+$0xC3B0]  }
.LBB2_25:
0x1ab: {  	p1 =	sne.s32 s31, $0x7C0;
	v28 =	vld [tilespmem:s29+$0x4380];
	v26 =	vmul.f32 v26, v26;
	v23 =	vsub.f32 v20, v23;
	v25 =	vadd.f32 v27, v25  }
0x1ac: {  	v27 =	vld [tilespmem:s29+$0xC380]  }
0x1ad: {  	v20 =	vld [tilespmem:s29+$0x4390];
	v25 =	vadd.f32 v26, v25;
	v26 =	vmul.f32 v23, v23;
	v22 =	vsub.f32 v19, v22  }
.Ltmp13:
0x1ae: {  	v23 =	vld [tilespmem:s29+$0xC390];
	(pc) =	sbr.rel @p1 .LBB2_25-.Ltmp13, $4  }
0x1af: {  	v19 =	vld [tilespmem:s29+$0x43A0];
	v25 =	vadd.f32 v26, v25;
	v29 =	vmul.f32 v22, v22;
	v24 =	vsub.f32 v21, v24  }
0x1b0: {  	s30 =	sadd.s32 $0x200, s30;
	v22 =	vld [tilespmem:s29+$0xC3A0]  }
0x1b1: {  	s0 =	sand.u32 $0x40, s31;
	s2 =	sand.u32 $0x3C00, s30;
	v26 =	vsub.f32 v28, v27;
	v21 =	vld [tilespmem:s29+$0x43B0];
	v25 =	vadd.f32 v29, v25;
	v27 =	vmul.f32 v24, v24  }
0x1b2: {  	s31 =	sadd.s32 $0x40, s31;
	v24 =	vld [tilespmem:s29+$0xC3B0];
	s29 =	sor.u32 s0, s2  }
0x1b3: {  	v28 =	vld [tilespmem:s29+$0x4380]  }
0x1b4: {  	v29 =	vld [tilespmem:s29+$0xC380]  }
0x1b5: {  	v30 =	vld [tilespmem:s29+$0x4390]  }
0x1b6: {  	v31 =	vld [tilespmem:s29+$0xC390];
	p1 =	por $0x0, $0x0;
	s0 =	simm.s32 $0x1;
	v26 =	vmul.f32 v26, v26;
	v20 =	vsub.f32 v20, v23;
	v23 =	vadd.f32 v27, v25  }
0x1b7: {  	v25 =	vld [tilespmem:s29+$0x43A0];
	s0 =	simm.s32 @!p1 $0x0  }
0x1b8: {  	v27 =	vld [tilespmem:s29+$0xC3A0];
	s0 =	sshll.u32 s0, $0x6;
	v23 =	vadd.f32 v26, v23;
	v20 =	vmul.f32 v20, v20;
	v19 =	vsub.f32 v19, v22  }
0x1b9: {  	v22 =	vld [tilespmem:s29+$0x43B0];
	s0 =	sadd.s32 $0x0, s0  }
0x1ba: {  	v26 =	vld [tilespmem:s29+$0xC3B0];
	s2 =	sor.u32 $0x4200, s0;
	v20 =	vadd.f32 v20, v23;
	v19 =	vmul.f32 v19, v19;
	v21 =	vsub.f32 v21, v24  }
0x1bb: {  	v23 =	vld [tilespmem:s2+$0x200]  }
0x1bc: {  	v24 =	vld [tilespmem:s2+$0x8200];
	s2 =	sor.u32 $0x4210, s0;
	v28 =	vsub.f32 v28, v29;
	v19 =	vadd.f32 v19, v20;
	v20 =	vmul.f32 v21, v21  }
0x1bd: {  	v21 =	vld [tilespmem:s2+$0x200]  }
0x1be: {  	p1 =	por !p1, !p1;
	s29 =	simm.s32 $0x1;
	v30 =	vsub.f32 v30, v31;
	v29 =	vld [tilespmem:s2+$0x8200];
	s2 =	sor.u32 $0x4220, s0;
	v28 =	vmul.f32 v28, v28;
	v19 =	vadd.f32 v20, v19  }
0x1bf: {  	s29 =	simm.s32 @!p1 $0x0;
	v31 =	vld [tilespmem:s2+$0x8200]  }
0x1c0: {  	s29 =	sshll.u32 s29, $0x6;
	v25 =	vsub.f32 v25, v27;
	s0 =	sor.u32 $0x4230, s0;
	v20 =	vld [tilespmem:s2+$0x200];
	v19 =	vadd.f32 v28, v19;
	v28 =	vmul.f32 v30, v30  }
0x1c1: {  	s31 =	sadd.s32 $0x200, s29;
	v32 =	vld [tilespmem:s0+$0x8200];
	v23 =	vsub.f32 v23, v24  }
0x1c2: {  	s2 =	sor.u32 $0x4200, s31;
	v30 =	vld [tilespmem:s0+$0x200];
	v24 =	vmul.f32 v25, v25;
	v19 =	vadd.f32 v28, v19  }
0x1c3: {  	v26 =	vsub.f32 v22, v26;
	v22 =	vld [tilespmem:s2+$0x200];
	v27 =	vsub.f32 v21, v29;
	v23 =	vmul.f32 v23, v23  }
0x1c4: {  	v25 =	vld [tilespmem:s2+$0x8200];
	s2 =	sor.u32 $0x4210, s31;
	v19 =	vadd.f32 v24, v19;
	v24 =	vimm.f32 $0.0e+00  }
0x1c5: {  	v21 =	vld [tilespmem:s2+$0x200];
	v27 =	vmul.f32 v27, v27;
	v29 =	vsub.f32 v20, v31;
	v28 =	vadd.f32 v23, v24  }
0x1c6: {  	p1 =	por !p1, !p1;
	v26 =	vmul.f32 v26, v26;
	s0 =	sor.u32 $0x4220, s31;
	v24 =	vld [tilespmem:s2+$0x8200];
	s2 =	simm.s32 $0x1  }
0x1c7: {  	s30 =	simm.s32 $0xC0;
	v23 =	vld [tilespmem:s0+$0x200];
	s2 =	simm.s32 @!p1 $0x0;
	v27 =	vadd.f32 v27, v28;
	v28 =	vmul.f32 v29, v29;
	v29 =	vsub.f32 v30, v32  }
0x1c8: {  	s29 =	simm.s32 $0x400;
	s31 =	sor.u32 $0x4230, s31;
	v20 =	vperm.xlane v12, v4;
	v19 =	vadd.f32 v26, v19;
	v26 =	vld [tilespmem:s0+$0x8200];
	s2 =	sshll.u32 s2, $0x6  }
.LBB2_27:
0x1c9: {  	p2 =	sne.s32 s30, $0x7C0;
	s0 =	sadd.s32 s2, s29;
	v25 =	vsub.f32 v22, v25;
	v30 =	vld [tilespmem:s31+$0x200];
	v27 =	vadd.f32 v28, v27;
	v28 =	vmul.f32 v29, v29  }
0x1ca: {  	s2 =	sor.u32 $0x4200, s0;
	v29 =	vld [tilespmem:s31+$0x8200]  }
0x1cb: {  	v22 =	vld [tilespmem:s2+$0x200];
	v31 =	vmul.f32 v25, v25;
	v24 =	vsub.f32 v21, v24;
	v27 =	vadd.f32 v28, v27  }
.Ltmp14:
0x1cc: {  	v25 =	vld [tilespmem:s2+$0x8200];
	s2 =	sor.u32 $0x4210, s0;
	(pc) =	sbr.rel @p2 .LBB2_27-.Ltmp14, $4  }
0x1cd: {  	v21 =	vld [tilespmem:s2+$0x200];
	v27 =	vadd.f32 v31, v27;
	v28 =	vmul.f32 v24, v24;
	v26 =	vsub.f32 v23, v26  }
0x1ce: {  	p1 =	por !p1, !p1;
	s31 =	sor.u32 $0x4220, s0;
	v24 =	vld [tilespmem:s2+$0x8200];
	s2 =	simm.s32 $0x1  }
0x1cf: {  	s29 =	sadd.s32 $0x200, s29;
	s2 =	simm.s32 @!p1 $0x0;
	v23 =	vld [tilespmem:s31+$0x200];
	v27 =	vadd.f32 v28, v27;
	v28 =	vmul.f32 v26, v26;
	v29 =	vsub.f32 v30, v29  }
0x1d0: {  	s30 =	sadd.s32 $0x40, s30;
	s2 =	sshll.u32 s2, $0x6;
	v26 =	vld [tilespmem:s31+$0x8200];
	s31 =	sor.u32 $0x4230, s0  }
0x1d1: {  	s0 =	sadd.s32 s2, s29;
	v30 =	vld [tilespmem:s31+$0x200]  }
0x1d2: {  	v31 =	vld [tilespmem:s31+$0x8200];
	s2 =	sor.u32 $0x4200, s0  }
0x1d3: {  	v32 =	vld [tilespmem:s2+$0x200]  }
0x1d4: {  	v33 =	vld [tilespmem:s2+$0x8200];
	s2 =	sor.u32 $0x4210, s0  }
0x1d5: {  	v22 =	vsub.f32 v22, v25;
	v25 =	vadd.f32 v28, v27;
	v27 =	vmul.f32 v29, v29;
	v28 =	vld [tilespmem:s2+$0x200]  }
0x1d6: {  	p1 =	por $0x0, $0x0;
	s29 =	simm.s32 $0x1;
	v29 =	vld [tilespmem:s2+$0x8200];
	s2 =	sor.u32 $0x4220, s0  }
0x1d7: {  	s29 =	simm.s32 @!p1 $0x0;
	v22 =	vmul.f32 v22, v22;
	v21 =	vsub.f32 v21, v24;
	v24 =	vadd.f32 v27, v25;
	v25 =	vld [tilespmem:s2+$0x200]  }
0x1d8: {  	s0 =	sor.u32 $0x4230, s0;
	v27 =	vld [tilespmem:s2+$0x8200];
	s2 =	sshll.u32 s29, $0x6  }
0x1d9: {  	v22 =	vadd.f32 v22, v24;
	v21 =	vmul.f32 v21, v21;
	v23 =	vsub.f32 v23, v26;
	v24 =	vld [tilespmem:s0+$0x200];
	s2 =	sadd.s32 $0x0, s2  }
0x1da: {  	v26 =	vld [tilespmem:s0+$0x8200];
	s0 =	sor.u32 $0x4280, s2  }
0x1db: {  	v21 =	vadd.f32 v21, v22;
	v22 =	vmul.f32 v23, v23;
	v23 =	vsub.f32 v30, v31;
	v30 =	vld [tilespmem:s0+$0x200]  }
0x1dc: {  	v31 =	vld [tilespmem:s0+$0x8200];
	s0 =	sor.u32 $0x4290, s2  }
0x1dd: {  	v32 =	vsub.f32 v32, v33;
	v21 =	vadd.f32 v22, v21;
	v22 =	vmul.f32 v23, v23;
	v23 =	vld [tilespmem:s0+$0x200]  }
0x1de: {  	v61 =	vld [tilespmem:s0+$0x8200];
	s0 =	sor.u32 $0x42A0, s2  }
0x1df: {  	p1 =	por !p1, !p1;
	s29 =	simm.s32 $0x1;
	v28 =	vsub.f32 v28, v29;
	v32 =	vmul.f32 v32, v32;
	v29 =	vld [tilespmem:s0+$0x8200];
	v21 =	vadd.f32 v22, v21  }
0x1e0: {  	s29 =	simm.s32 @!p1 $0x0;
	v22 =	vld [tilespmem:s0+$0x200];
	s0 =	sor.u32 $0x42B0, s2  }
0x1e1: {  	s29 =	sshll.u32 s29, $0x6;
	v25 =	vsub.f32 v25, v27;
	v28 =	vmul.f32 v28, v28;
	v62 =	vld [tilespmem:s0+$0x200];
	v21 =	vadd.f32 v32, v21  }
0x1e2: {  	s31 =	sadd.s32 $0x200, s29;
	v27 =	vsub.f32 v30, v31;
	v31 =	vld [tilespmem:s0+$0x8200]  }
0x1e3: {  	v26 =	vsub.f32 v24, v26;
	s2 =	sor.u32 $0x4280, s31;
	v25 =	vmul.f32 v25, v25;
	v21 =	vadd.f32 v28, v21  }
0x1e4: {  	v24 =	vld [tilespmem:s2+$0x200];
	v30 =	vsub.f32 v23, v61;
	v28 =	vmul.f32 v27, v27  }
0x1e5: {  	v27 =	vld [tilespmem:s2+$0x8200];
	s2 =	sor.u32 $0x4290, s31;
	v21 =	vadd.f32 v25, v21;
	v25 =	vmul.f32 v26, v26;
	v26 =	vimm.f32 $0.0e+00  }
0x1e6: {  	v23 =	vld [tilespmem:s2+$0x200];
	v30 =	vmul.f32 v30, v30;
	v63 =	vsub.f32 v22, v29;
	v28 =	vadd.f32 v28, v26  }
0x1e7: {  	p1 =	por !p1, !p1;
	s0 =	sor.u32 $0x42A0, s31;
	v26 =	vld [tilespmem:s2+$0x8200];
	s2 =	simm.s32 $0x1;
	v31 =	vsub.f32 v62, v31  }
0x1e8: {  	s30 =	simm.s32 $0xC0;
	v21 =	vadd.f32 v25, v21;
	s2 =	simm.s32 @!p1 $0x0;
	v25 =	vld [tilespmem:s0+$0x200];
	v29 =	vadd.f32 v30, v28;
	v30 =	vmul.f32 v63, v63  }
0x1e9: {  	s29 =	simm.s32 $0x400;
	s31 =	sor.u32 $0x42B0, s31;
	v22 =	vperm.xlane v12, v5;
	s2 =	sshll.u32 s2, $0x6;
	v28 =	vld [tilespmem:s0+$0x8200]  }
.LBB2_29:
0x1ea: {  	p2 =	sne.s32 s30, $0x7C0;
	s0 =	sadd.s32 s2, s29;
	v27 =	vsub.f32 v24, v27;
	v32 =	vld [tilespmem:s31+$0x200];
	v29 =	vadd.f32 v30, v29;
	v30 =	vmul.f32 v31, v31  }
0x1eb: {  	s2 =	sor.u32 $0x4280, s0;
	v31 =	vld [tilespmem:s31+$0x8200]  }
0x1ec: {  	v24 =	vld [tilespmem:s2+$0x200];
	v33 =	vmul.f32 v27, v27;
	v26 =	vsub.f32 v23, v26;
	v29 =	vadd.f32 v30, v29  }
.Ltmp15:
0x1ed: {  	v27 =	vld [tilespmem:s2+$0x8200];
	s2 =	sor.u32 $0x4290, s0;
	(pc) =	sbr.rel @p2 .LBB2_29-.Ltmp15, $4  }
0x1ee: {  	v23 =	vld [tilespmem:s2+$0x200];
	v29 =	vadd.f32 v33, v29;
	v30 =	vmul.f32 v26, v26;
	v28 =	vsub.f32 v25, v28  }
0x1ef: {  	p1 =	por !p1, !p1;
	s31 =	sor.u32 $0x42A0, s0;
	v26 =	vld [tilespmem:s2+$0x8200];
	s2 =	simm.s32 $0x1  }
0x1f0: {  	s29 =	sadd.s32 $0x200, s29;
	s2 =	simm.s32 @!p1 $0x0;
	v25 =	vld [tilespmem:s31+$0x200];
	v29 =	vadd.f32 v30, v29;
	v30 =	vmul.f32 v28, v28;
	v31 =	vsub.f32 v32, v31  }
0x1f1: {  	s30 =	sadd.s32 $0x40, s30;
	s2 =	sshll.u32 s2, $0x6;
	v28 =	vld [tilespmem:s31+$0x8200];
	s31 =	sor.u32 $0x42B0, s0  }
0x1f2: {  	s0 =	sadd.s32 s2, s29;
	v32 =	vld [tilespmem:s31+$0x200]  }
0x1f3: {  	v33 =	vld [tilespmem:s31+$0x8200];
	s2 =	sor.u32 $0x4280, s0  }
0x1f4: {  	v34 =	vld [tilespmem:s2+$0x200]  }
0x1f5: {  	v35 =	vld [tilespmem:s2+$0x8200];
	s2 =	sor.u32 $0x4290, s0  }
0x1f6: {  	v24 =	vsub.f32 v24, v27;
	v27 =	vadd.f32 v30, v29;
	v29 =	vmul.f32 v31, v31;
	v30 =	vld [tilespmem:s2+$0x200]  }
0x1f7: {  	p1 =	por $0x0, $0x0;
	s29 =	simm.s32 $0x1;
	v31 =	vld [tilespmem:s2+$0x8200];
	s2 =	sor.u32 $0x42A0, s0  }
0x1f8: {  	s29 =	simm.s32 @!p1 $0x0;
	v24 =	vmul.f32 v24, v24;
	v23 =	vsub.f32 v23, v26;
	v26 =	vadd.f32 v29, v27;
	v27 =	vld [tilespmem:s2+$0x200]  }
0x1f9: {  	s0 =	sor.u32 $0x42B0, s0;
	v29 =	vld [tilespmem:s2+$0x8200];
	s2 =	sshll.u32 s29, $0x6  }
0x1fa: {  	v24 =	vadd.f32 v24, v26;
	v23 =	vmul.f32 v23, v23;
	v25 =	vsub.f32 v25, v28;
	v26 =	vld [tilespmem:s0+$0x200];
	s2 =	sadd.s32 $0x0, s2  }
0x1fb: {  	v28 =	vld [tilespmem:s0+$0x8200];
	s0 =	sor.u32 $0x4300, s2  }
0x1fc: {  	v23 =	vadd.f32 v23, v24;
	v24 =	vmul.f32 v25, v25;
	v25 =	vsub.f32 v32, v33;
	v57 =	vld [tilespmem:s0+$0x200]  }
0x1fd: {  	v58 =	vld [tilespmem:s0+$0x8200];
	s0 =	sor.u32 $0x4310, s2  }
0x1fe: {  	v34 =	vsub.f32 v34, v35;
	v23 =	vadd.f32 v24, v23;
	v24 =	vmul.f32 v25, v25;
	v25 =	vld [tilespmem:s0+$0x200]  }
0x1ff: {  	v59 =	vld [tilespmem:s0+$0x8200];
	s0 =	sor.u32 $0x4320, s2  }
0x200: {  	p1 =	por !p1, !p1;
	s29 =	simm.s32 $0x1;
	v30 =	vsub.f32 v30, v31;
	v34 =	vmul.f32 v34, v34;
	v31 =	vld [tilespmem:s0+$0x8200];
	v23 =	vadd.f32 v24, v23  }
0x201: {  	s29 =	simm.s32 @!p1 $0x0;
	v24 =	vld [tilespmem:s0+$0x200];
	s0 =	sor.u32 $0x4330, s2  }
0x202: {  	s29 =	sshll.u32 s29, $0x6;
	v27 =	vsub.f32 v27, v29;
	v30 =	vmul.f32 v30, v30;
	v60 =	vld [tilespmem:s0+$0x200];
	v23 =	vadd.f32 v34, v23  }
0x203: {  	s31 =	sadd.s32 $0x200, s29;
	v61 =	vld [tilespmem:s0+$0x8200];
	v29 =	vsub.f32 v57, v58  }
0x204: {  	v28 =	vsub.f32 v26, v28;
	s2 =	sor.u32 $0x4300, s31;
	v27 =	vmul.f32 v27, v27;
	v23 =	vadd.f32 v30, v23  }
0x205: {  	v26 =	vld [tilespmem:s2+$0x200];
	v62 =	vsub.f32 v25, v59;
	v30 =	vmul.f32 v29, v29  }
0x206: {  	v29 =	vld [tilespmem:s2+$0x8200];
	s2 =	sor.u32 $0x4310, s31;
	v23 =	vadd.f32 v27, v23;
	v27 =	vmul.f32 v28, v28;
	v28 =	vimm.f32 $0.0e+00  }
0x207: {  	v25 =	vld [tilespmem:s2+$0x200];
	v32 =	vmul.f32 v62, v62;
	v63 =	vsub.f32 v24, v31;
	v30 =	vadd.f32 v30, v28  }
0x208: {  	p1 =	por !p1, !p1;
	s0 =	sor.u32 $0x4320, s31;
	v33 =	vsub.f32 v60, v61;
	v28 =	vld [tilespmem:s2+$0x8200];
	s2 =	simm.s32 $0x1  }
0x209: {  	s30 =	simm.s32 $0xC0;
	v23 =	vadd.f32 v27, v23;
	s2 =	simm.s32 @!p1 $0x0;
	v27 =	vld [tilespmem:s0+$0x200];
	v31 =	vadd.f32 v32, v30;
	v32 =	vmul.f32 v63, v63  }
0x20a: {  	s29 =	simm.s32 $0x400;
	s31 =	sor.u32 $0x4330, s31;
	v24 =	vperm.xlane v12, v6;
	s2 =	sshll.u32 s2, $0x6;
	v30 =	vld [tilespmem:s0+$0x8200]  }
.LBB2_31:
0x20b: {  	p2 =	sne.s32 s30, $0x7C0;
	s0 =	sadd.s32 s2, s29;
	v29 =	vsub.f32 v26, v29;
	v34 =	vld [tilespmem:s31+$0x200];
	v31 =	vadd.f32 v32, v31;
	v32 =	vmul.f32 v33, v33  }
0x20c: {  	s2 =	sor.u32 $0x4300, s0;
	v33 =	vld [tilespmem:s31+$0x8200]  }
0x20d: {  	v26 =	vld [tilespmem:s2+$0x200];
	v35 =	vmul.f32 v29, v29;
	v28 =	vsub.f32 v25, v28;
	v31 =	vadd.f32 v32, v31  }
.Ltmp16:
0x20e: {  	v29 =	vld [tilespmem:s2+$0x8200];
	s2 =	sor.u32 $0x4310, s0;
	(pc) =	sbr.rel @p2 .LBB2_31-.Ltmp16, $4  }
0x20f: {  	v25 =	vld [tilespmem:s2+$0x200];
	v31 =	vadd.f32 v35, v31;
	v32 =	vmul.f32 v28, v28;
	v30 =	vsub.f32 v27, v30  }
0x210: {  	p1 =	por !p1, !p1;
	s31 =	sor.u32 $0x4320, s0;
	v28 =	vld [tilespmem:s2+$0x8200];
	s2 =	simm.s32 $0x1  }
0x211: {  	s29 =	sadd.s32 $0x200, s29;
	s2 =	simm.s32 @!p1 $0x0;
	v27 =	vld [tilespmem:s31+$0x200];
	v31 =	vadd.f32 v32, v31;
	v32 =	vmul.f32 v30, v30;
	v33 =	vsub.f32 v34, v33  }
0x212: {  	s30 =	sadd.s32 $0x40, s30;
	s2 =	sshll.u32 s2, $0x6;
	v30 =	vld [tilespmem:s31+$0x8200];
	s31 =	sor.u32 $0x4330, s0  }
0x213: {  	s0 =	sadd.s32 s2, s29;
	v34 =	vld [tilespmem:s31+$0x200]  }
0x214: {  	v35 =	vld [tilespmem:s31+$0x8200];
	s2 =	sor.u32 $0x4300, s0  }
0x215: {  	v36 =	vld [tilespmem:s2+$0x200]  }
0x216: {  	v37 =	vld [tilespmem:s2+$0x8200];
	s2 =	sor.u32 $0x4310, s0  }
0x217: {  	v26 =	vsub.f32 v26, v29;
	v29 =	vadd.f32 v32, v31;
	v31 =	vmul.f32 v33, v33;
	v53 =	vld [tilespmem:s2+$0x200]  }
0x218: {  	p1 =	por $0x0, $0x0;
	s29 =	simm.s32 $0x1;
	v54 =	vld [tilespmem:s2+$0x8200];
	s2 =	sor.u32 $0x4320, s0  }
0x219: {  	s29 =	simm.s32 @!p1 $0x0;
	v26 =	vmul.f32 v26, v26;
	v25 =	vsub.f32 v25, v28;
	v28 =	vadd.f32 v31, v29;
	v29 =	vld [tilespmem:s2+$0x200]  }
0x21a: {  	s0 =	sor.u32 $0x4330, s0;
	v31 =	vld [tilespmem:s2+$0x8200];
	s2 =	sshll.u32 s29, $0x6  }
0x21b: {  	v26 =	vadd.f32 v26, v28;
	v25 =	vmul.f32 v25, v25;
	v27 =	vsub.f32 v27, v30;
	v28 =	vld [tilespmem:s0+$0x200];
	s2 =	sadd.s32 $0x0, s2  }
0x21c: {  	v30 =	vld [tilespmem:s0+$0x8200];
	s0 =	sor.u32 $0x4380, s2  }
0x21d: {  	v25 =	vadd.f32 v25, v26;
	v26 =	vmul.f32 v27, v27;
	v27 =	vsub.f32 v34, v35;
	v55 =	vld [tilespmem:s0+$0x200]  }
0x21e: {  	v56 =	vld [tilespmem:s0+$0x8200];
	s0 =	sor.u32 $0x4390, s2  }
0x21f: {  	v36 =	vsub.f32 v36, v37;
	v25 =	vadd.f32 v26, v25;
	v26 =	vmul.f32 v27, v27;
	v27 =	vld [tilespmem:s0+$0x200]  }
0x220: {  	v57 =	vld [tilespmem:s0+$0x8200];
	s0 =	sor.u32 $0x43A0, s2  }
0x221: {  	p1 =	por !p1, !p1;
	s29 =	simm.s32 $0x1;
	v32 =	vsub.f32 v53, v54;
	v36 =	vmul.f32 v36, v36;
	v58 =	vld [tilespmem:s0+$0x8200];
	v25 =	vadd.f32 v26, v25  }
0x222: {  	s29 =	simm.s32 @!p1 $0x0;
	v26 =	vld [tilespmem:s0+$0x200];
	s0 =	sor.u32 $0x43B0, s2  }
0x223: {  	s29 =	sshll.u32 s29, $0x6;
	v29 =	vsub.f32 v29, v31;
	v32 =	vmul.f32 v32, v32;
	v59 =	vld [tilespmem:s0+$0x200];
	v25 =	vadd.f32 v36, v25  }
0x224: {  	s31 =	sadd.s32 $0x200, s29;
	v60 =	vld [tilespmem:s0+$0x8200];
	v31 =	vsub.f32 v55, v56  }
0x225: {  	v30 =	vsub.f32 v28, v30;
	s2 =	sor.u32 $0x4380, s31;
	v29 =	vmul.f32 v29, v29;
	v25 =	vadd.f32 v32, v25  }
0x226: {  	v28 =	vld [tilespmem:s2+$0x200];
	v62 =	vsub.f32 v27, v57;
	v61 =	vmul.f32 v31, v31  }
0x227: {  	v31 =	vld [tilespmem:s2+$0x8200];
	s2 =	sor.u32 $0x4390, s31;
	v25 =	vadd.f32 v29, v25;
	v29 =	vmul.f32 v30, v30;
	v30 =	vimm.f32 $0.0e+00  }
0x228: {  	v27 =	vld [tilespmem:s2+$0x200];
	v34 =	vmul.f32 v62, v62;
	v63 =	vsub.f32 v26, v58;
	v32 =	vadd.f32 v61, v30  }
0x229: {  	p1 =	por !p1, !p1;
	s0 =	sor.u32 $0x43A0, s31;
	v35 =	vsub.f32 v59, v60;
	v30 =	vld [tilespmem:s2+$0x8200];
	s2 =	simm.s32 $0x1  }
0x22a: {  	s30 =	simm.s32 $0xC0;
	v25 =	vadd.f32 v29, v25;
	s2 =	simm.s32 @!p1 $0x0;
	v29 =	vld [tilespmem:s0+$0x200];
	v33 =	vadd.f32 v34, v32;
	v34 =	vmul.f32 v63, v63  }
0x22b: {  	s29 =	simm.s32 $0x400;
	s31 =	sor.u32 $0x43B0, s31;
	v26 =	vperm.xlane v12, v7;
	s2 =	sshll.u32 s2, $0x6;
	v32 =	vld [tilespmem:s0+$0x8200]  }
.LBB2_33:
0x22c: {  	p2 =	sne.s32 s30, $0x7C0;
	s0 =	sadd.s32 s2, s29;
	v31 =	vsub.f32 v28, v31;
	v36 =	vld [tilespmem:s31+$0x200];
	v33 =	vadd.f32 v34, v33;
	v34 =	vmul.f32 v35, v35  }
0x22d: {  	s2 =	sor.u32 $0x4380, s0;
	v35 =	vld [tilespmem:s31+$0x8200]  }
0x22e: {  	v28 =	vld [tilespmem:s2+$0x200];
	v37 =	vmul.f32 v31, v31;
	v30 =	vsub.f32 v27, v30;
	v33 =	vadd.f32 v34, v33  }
.Ltmp17:
0x22f: {  	v31 =	vld [tilespmem:s2+$0x8200];
	s2 =	sor.u32 $0x4390, s0;
	(pc) =	sbr.rel @p2 .LBB2_33-.Ltmp17, $4  }
0x230: {  	v27 =	vld [tilespmem:s2+$0x200];
	v33 =	vadd.f32 v37, v33;
	v34 =	vmul.f32 v30, v30;
	v32 =	vsub.f32 v29, v32  }
0x231: {  	p1 =	por !p1, !p1;
	s31 =	sor.u32 $0x43A0, s0;
	v30 =	vld [tilespmem:s2+$0x8200];
	s2 =	simm.s32 $0x1  }
0x232: {  	s29 =	sadd.s32 $0x200, s29;
	s2 =	simm.s32 @!p1 $0x0;
	v29 =	vld [tilespmem:s31+$0x200];
	v33 =	vadd.f32 v34, v33;
	v34 =	vmul.f32 v32, v32;
	v35 =	vsub.f32 v36, v35  }
0x233: {  	s30 =	sadd.s32 $0x40, s30;
	s2 =	sshll.u32 s2, $0x6;
	v32 =	vld [tilespmem:s31+$0x8200];
	s31 =	sor.u32 $0x43B0, s0  }
0x234: {  	s0 =	sadd.s32 s2, s29;
	v61 =	vld [tilespmem:s31+$0x200]  }
0x235: {  	v28 =	vsub.f32 v28, v31;
	v33 =	vadd.f32 v34, v33;
	v62 =	vmul.f32 v35, v35;
	v63 =	vld [tilespmem:s31+$0x8200];
	s2 =	sor.u32 $0x4380, s0  }
0x236: {  	v36 =	vld [tilespmem:s2+$0x200]  }
0x237: {  	s30 =	sor.u32 $0x4390, s0;
	v28 =	vmul.f32 v28, v28;
	v27 =	vsub.f32 v27, v30;
	v37 =	vadd.f32 v62, v33;
	v38 =	vld [tilespmem:s2+$0x8200]  }
0x238: {  	v39 =	vld [tilespmem:s30+$0x200]  }
0x239: {  	s31 =	sor.u32 $0x43A0, s0;
	v40 =	vld [tilespmem:s30+$0x8200];
	v28 =	vadd.f32 v28, v37;
	v27 =	vmul.f32 v27, v27;
	v29 =	vsub.f32 v29, v32  }
0x23a: {  	v13 =	vmul.f32 v14, v13;
	v41 =	vld [tilespmem:s31+$0x200]  }
0x23b: {  	s0 =	sor.u32 $0x43B0, s0;
	v44 =	vld [tilespmem:s31+$0x8200];
	v43 =	vsub.f32 v61, v63;
	v27 =	vadd.f32 v27, v28;
	v42 =	vmul.f32 v29, v29  }
0x23c: {  	v49 =	vmul.f32 v16, v15;
	v46 =	vld [tilespmem:s0+$0x200];
	v11 =	vadd.f32 v13, v11  }
0x23d: {  	v48 =	vld [tilespmem:s0+$0x8200];
	v45 =	vsub.f32 v36, v38;
	v47 =	vmul.f32 v43, v43;
	v27 =	vadd.f32 v42, v27  }
0x23e: {  	v52 =	vmul.f32 v18, v17;
	v11 =	vadd.f32 v49, v11  }
0x23f: {  	v50 =	vsub.f32 v39, v40;
	v14 =	vmul.f32 v45, v45;
	v51 =	vadd.f32 v47, v27  }
0x240: {  	v54 =	vmul.f32 v20, v19;
	v11 =	vadd.f32 v52, v11  }
0x241: {  	v53 =	vsub.f32 v41, v44;
	v15 =	vmul.f32 v50, v50;
	v14 =	vadd.f32 v14, v51  }
0x242: {  	v57 =	vmul.f32 v22, v21;
	v56 =	vsub.f32 v46, v48  }
0x243: {  	v11 =	vadd.f32 v54, v11;
	v55 =	vmul.f32 v53, v53;
	v14 =	vadd.f32 v15, v14  }
0x244: {  	v59 =	vmul.f32 v24, v23  }
0x245: {  	v58 =	vmul.f32 v56, v56;
	v11 =	vadd.f32 v57, v11;
	v14 =	vadd.f32 v55, v14  }
0x246: {  	v60 =	vmul.f32 v26, v25  }
0x247: {  	v61 =	vperm.xlane v12, v8;
	v11 =	vadd.f32 v59, v11;
	v14 =	vadd.f32 v58, v14  }
.Ltmp18:
0x248: {  	_ = 	snop;
	(pc) =	sbr.rel @p0 .LBB2_36-.Ltmp18, $3  }
0x249: {  	v11 =	vadd.f32 v60, v11;
	v62 =	vmul.f32 v61, v14;
	_ =	sdelay $0x1  }
0x24a: {  	v63 =	vnsel vm0, $0x0, v12;
	v11 =	vadd.f32 v62, v11  }
0x24b: {  	v10 =	vadd.f32 v63, v10  }
0x24c: {  	s0 =	sadd.s32 s28, s11  }
.Ltmp19:
0x24d: {  	s0 =	sshll.u32 s0, $0xB;
	(pc) =	sbr.rel .LBB2_2-.Ltmp19, $4  }
0x24e: {  	s2 =	sadd.s32 s1, s0  }
0x24f: {  	[tilespmem:s18], [sflag:$0x3] =	stream.linear.gather [hbm4b:s2+s4], $0x4000, $0x38;
	[tilespmem:$0x10280] =	vst v63  }
0x250: {  	s26 =	sadd.s32 $0x1, s26;
	s0 =	sadd.s32 s3, s0  }
0x251: {  	[tilespmem:s19], [sflag:$0x4] =	stream.linear.gather [hbm4b:s0+s4], $0x4000, $0x38;
	[tilespmem:$0x10280] =	vst v63  }
.LBB2_37:
0x252: {  	_ =	sfence.sel $0x180000  }
0x253: {  	[bflag:$0x0] =	sbarrier.arrive $0xFFFF  }
0x254: {  	_ =	strace $0x90000047  }
0x255: {  	s0 =	stileid.u32;
	[bflag:$0x2] =	sbarrier.arrive $0xFFFF  }
0x256: {  	p0 =	sne.s32 s0, $0x0;
	s0 =	rddreg [dreg:$0x3]  }
0x257: {  	s0 =	sadd.s32 @!p0 $0x100000, s0  }
0x258: {  	[sflag:s0] =	ssyncadd.tile.s32 @!p0 $0x1;
	_ =	shalt  }
.Lfunc_end2:
_tile_overlayer_lowered:
.L_overlay_start_2:
0x259: {  	(tag) =	ssettag $0x2  }
0x25a: {  	s0 =	rddreg [dreg:$0x0];
	s2 =	stileid.u32  }
0x25b: {  	s1 =	rddreg [dreg:$0x1];
	p0 =	sne.s32 s2, $0x0  }
0x25c: {  	s3 =	rddreg [dreg:$0x2];
	[bflag:$0x3] =	sbarrier.arrive $0xFFFF;
	s2 =	simm.s32 @!p0 $0x1C05  }
0x25d: {  	[timem:s3], [sflag:s2] =	dma.local @!p0 [hbm:s0], s1  }
0x25e: {  	s0 =	simm.s32 @!p0 $0x5  }
0x25f: {  	_ =	swait.ge @!p0 [sflag:s0], s1  }
0x260: {  	s1 =	ssub.s32 @!p0 $0x0, s1;
	[sflag:s0] =	ssyncset.done @!p0 $0x0  }
0x261: {  	[sflag:s0] =	ssyncadd.s32 @!p0 s1  }
0x262: {  	[bflag:$0x3] =	sbarrier.arrive $0xFFFF  }
0x263: {  	_ =	shalt  }

</sc_bundles>
